<compile_context>
chip_gen: v7x
topology: tpu7x:2x2x1
jax: 0.10.2.dev20260603
libtpu: 0.0.44.dev20260713+nightly
codegen_flags: <defaults>
</compile_context>

<pallas_src>
import functools

import jax
import jax.numpy as jnp
from jax import lax
from jax.experimental import pallas as pl
from jax.experimental.pallas import tpu as pltpu
from jax.experimental.pallas import tpu_sc as plsc

_N, _D, _C, _E = 10000, 128, 16, 320000

_NC, _NS = 2, 16
_CH = 128
_NCH0 = 96
_NCH1 = 64
_EBR = _E // _CH
_EB = _NS * (_NCH0 + _NCH1)
_EPB = _EB - _EBR
_B1 = _NS * _NCH0
_NM = 10240
_N_PAD = 10240
_RPS = _N_PAD // _NS
_NB = 4
_R = 2 * _NB

_BN = 2048
_BP = _BN // 8
_GRID = -(-_N // _BN)


def _prep_body(x_ref, wt_ref, b_ref, degt_ref, bp_ref,
               unary_t_ref, xred_t_ref, xredi_t_ref, m_t_ref,
               binary_ref, b2_ref):
    x = x_ref[...]
    wt = wt_ref[...]
    b = b_ref[...]
    degt = degt_ref[...]
    bp = bp_ref[...]
    u_t = lax.dot_general(wt, x, (((1,), (1,)), ((), ())),
                          preferred_element_type=jnp.float32) + b.T
    xr_t = u_t / degt
    unary_t_ref[...] = u_t
    xred_t_ref[...] = xr_t
    xredi_t_ref[...] = xr_t
    binary = (bp + bp.T) * 0.5
    b2 = binary * 0.5
    binary_ref[...] = binary
    b2_ref[...] = b2
    mx_t = jnp.max(xr_t, axis=0, keepdims=True)
    bmax = jnp.max(b2)
    e_t = jnp.exp(xr_t - mx_t)
    eb = jnp.exp(b2 - bmax)
    s_t = lax.dot_general(eb, e_t, (((0,), (0,)), ((), ())),
                          preferred_element_type=jnp.float32)
    m_t_ref[...] = jnp.log(s_t) + mx_t + bmax


def _prep_call(x, wt, bc, degt, bp):
    return pl.pallas_call(
        _prep_body,
        grid=(_GRID,),
        in_specs=[
            pl.BlockSpec((_BN, _D), lambda i: (i, 0)),
            pl.BlockSpec((_C, _D), lambda i: (0, 0)),
            pl.BlockSpec((1, _C), lambda i: (0, 0)),
            pl.BlockSpec((1, _BN), lambda i: (0, i)),
            pl.BlockSpec((_C, _C), lambda i: (0, 0)),
        ],
        out_specs=[
            pl.BlockSpec((_C, _BN), lambda i: (0, i)),
            pl.BlockSpec((_C, _BN), lambda i: (0, i)),
            pl.BlockSpec((_C, _BN), lambda i: (0, i)),
            pl.BlockSpec((_C, _BN), lambda i: (0, i)),
            pl.BlockSpec((_C, _C), lambda i: (0, 0)),
            pl.BlockSpec((_C, _C), lambda i: (0, 0)),
        ],
        out_shape=[
            jax.ShapeDtypeStruct((_C, _N), jnp.float32),
            jax.ShapeDtypeStruct((_C, _N), jnp.float32),
            jax.ShapeDtypeStruct((_C, _N_PAD), jnp.float32),
            jax.ShapeDtypeStruct((_C, _NM), jnp.float32),
            jax.ShapeDtypeStruct((_C, _C), jnp.float32),
            jax.ShapeDtypeStruct((_C, _C), jnp.float32),
        ],
    )(x, wt, bc, degt, bp)


def _edge_pipeline(nch, m_hbm, src_v, dst_v, rows_v, acc_sh, gsem, ssem):
    for b in range(_NB):
        pltpu.async_copy(m_hbm.at[dst_v.at[b]], rows_v.at[b], gsem.at[b])

    def outer(g, _):
        j0 = g * _R
        for bb in range(_R):
            j = j0 + bb
            pltpu.make_async_copy(m_hbm.at[dst_v.at[j]], rows_v.at[bb],
                                  gsem.at[bb]).wait()
            pltpu.async_copy(rows_v.at[bb], acc_sh.at[src_v.at[j]],
                             ssem.at[bb], add=True)
            b2 = (bb + _NB) % _R

            @pl.when(j + _NB < nch)
            def _():
                @pl.when(j >= _NB)
                def _():
                    pltpu.make_async_copy(
                        rows_v.at[b2], acc_sh.at[src_v.at[j - _NB]],
                        ssem.at[b2]).wait()
                pltpu.async_copy(m_hbm.at[dst_v.at[j + _NB]], rows_v.at[b2],
                                 gsem.at[b2])
        return 0

    lax.fori_loop(0, nch // _R, outer, 0)
    for bb in range(_R):
        j = nch - _R + bb
        pltpu.make_async_copy(rows_v.at[bb], acc_sh.at[src_v.at[j]],
                              ssem.at[bb]).wait()


def _sc_body(m_hbm, e3_hbm, ep_hbm, xinit_hbm, zero_hbm, out_hbm,
             src_v, dst_v, rows_v, acc_sh, m_sh, gsem, ssem):
    cid = lax.axis_index("c")
    sid = lax.axis_index("s")

    mrs = _NM // _NS
    pltpu.sync_copy(m_hbm.at[pl.ds(sid * mrs, mrs)],
                    m_sh.at[pl.ds(sid * mrs, mrs)])

    @pl.when(cid == 0)
    def _():
        pltpu.sync_copy(xinit_hbm.at[pl.ds(sid * _RPS, _RPS)],
                        acc_sh.at[pl.ds(sid * _RPS, _RPS)])
        boff = sid * _NCH0
        pltpu.sync_copy(e3_hbm.at[pl.ds(boff, _NCH0), 0], src_v)
        pltpu.sync_copy(e3_hbm.at[pl.ds(boff, _NCH0), 1], dst_v)

    @pl.when(cid == 1)
    def _():
        pltpu.sync_copy(zero_hbm.at[pl.ds(sid * _RPS, _RPS)],
                        acc_sh.at[pl.ds(sid * _RPS, _RPS)])

    @pl.when((cid == 1) & (sid < _NS - 1))
    def _():
        boff = _B1 + sid * _NCH1
        pltpu.sync_copy(e3_hbm.at[pl.ds(boff, _NCH1), 0],
                        src_v.at[pl.ds(0, _NCH1)])
        pltpu.sync_copy(e3_hbm.at[pl.ds(boff, _NCH1), 1],
                        dst_v.at[pl.ds(0, _NCH1)])

    @pl.when((cid == 1) & (sid == _NS - 1))
    def _():
        nreal = _EBR - (_B1 + (_NS - 1) * _NCH1)
        pltpu.sync_copy(e3_hbm.at[pl.ds(_EBR - nreal, nreal), 0],
                        src_v.at[pl.ds(0, nreal)])
        pltpu.sync_copy(e3_hbm.at[pl.ds(_EBR - nreal, nreal), 1],
                        dst_v.at[pl.ds(0, nreal)])
        pltpu.sync_copy(ep_hbm.at[:, 0], src_v.at[pl.ds(nreal, _EPB)])
        pltpu.sync_copy(ep_hbm.at[:, 1], dst_v.at[pl.ds(nreal, _EPB)])

    plsc.subcore_barrier()
    nch = jnp.where(cid == 0, _NCH0, _NCH1)
    _edge_pipeline(nch, m_sh, src_v, dst_v, rows_v, acc_sh, gsem, ssem)

    plsc.subcore_barrier()
    pltpu.sync_copy(acc_sh.at[pl.ds(sid * _RPS, _RPS)],
                    out_hbm.at[cid, pl.ds(sid * _RPS, _RPS)])


_sc_call = functools.partial(
    pl.kernel,
    out_type=jax.ShapeDtypeStruct((_NC, _N_PAD, _C), jnp.float32),
    mesh=plsc.VectorSubcoreMesh(core_axis_name="c", subcore_axis_name="s"),
    compiler_params=pltpu.CompilerParams(use_tc_tiling_on_sc=False),
    scratch_types=[
        pltpu.VMEM((_NCH0, _CH), jnp.int32),
        pltpu.VMEM((_NCH0, _CH), jnp.int32),
        pltpu.VMEM((_R, _CH, _C), jnp.float32),
        pltpu.VMEM_SHARED((_N_PAD, _C), jnp.float32),
        pltpu.VMEM_SHARED((_NM, _C), jnp.float32),
        pltpu.SemaphoreType.DMA((_R,)),
        pltpu.SemaphoreType.DMA((_R,)),
    ],
)(_sc_body)


def _final_body(a_ref, out_ref):
    a = a_ref[...]
    t = (a[0] + a[1]).T.reshape(8, _C, _BP)
    mx = jnp.max(t, axis=1, keepdims=True)
    s = jnp.sum(jnp.exp(t - mx), axis=1)
    out_ref[...] = mx[:, 0, :] + jnp.log(s)


def _final_call(aggr_pk):
    return pl.pallas_call(
        _final_body,
        grid=(_GRID,),
        in_specs=[
            pl.BlockSpec((_NC, _BP, 128), lambda i: (0, i, 0)),
        ],
        out_specs=pl.BlockSpec((8, _BP), lambda i: (0, i)),
        out_shape=jax.ShapeDtypeStruct((8, _N // 8), jnp.float32),
    )(aggr_pk)


def kernel(x, edge_index, deg, W_backbone, b_backbone, Binary_param):
    unary_t, xred_t, xredi_t, m_t, binary, b2 = _prep_call(
        x, W_backbone.T, b_backbone.reshape(1, _C), deg.reshape(1, _N),
        Binary_param)

    e3 = edge_index.reshape(2, _EBR, _CH).transpose(1, 0, 2)
    epad = jnp.full((_EPB, 2, _CH), _N, jnp.int32)
    m_sc = m_t.T
    xinit = xredi_t.T
    zeros = jnp.zeros((_N_PAD, _C), jnp.float32)

    aggr2 = _sc_call(m_sc, e3, epad, xinit, zeros)
    aggr_pk = aggr2.reshape(_NC, _N_PAD * _C // 128, 128)

    log_z = _final_call(aggr_pk).T.reshape(_N)
    return (unary_t.T, xred_t.T, binary, b2, log_z)

# --- scband reference (transcript-rebuilt; emitter-appended) ---
"""Pipeline reference for scband-pwgnn-73839077753372 (READ-ONLY COPY).

The authoritative reference and input builder live on the scoring server;
editing this copy changes nothing except your own understanding.
"""

import jax, jax.numpy as jnp
import numpy as np
from jax.scipy.special import logsumexp


def setup_inputs(seed: int = 0) -> dict:
    key = jax.random.key(seed)
    k1, k2, k3, k4, k5 = jax.random.split(key, 5)
    N, E, D, C = 10000, 320000, 128, 16
    x = jax.random.normal(k1, (N, D), dtype=jnp.float32)
    edge_index = jax.random.randint(k2, (2, E), 0, N, dtype=jnp.int32)
    # node degrees: realistic values in [1, 33)
    deg = jax.random.uniform(k3, (N, 1), minval=1.0, maxval=33.0, dtype=jnp.float32)
    # surrogate gnnbackbone: a linear projection d_feat -> num_classes producing Unary
    W_backbone = jax.random.normal(k4, (D, C), dtype=jnp.float32) / np.sqrt(D)
    b_backbone = jnp.zeros((C,), dtype=jnp.float32)
    # PWGNN learned pairwise potential parameter
    Binary_param = (jax.random.normal(k5, (C, C), dtype=jnp.float32) + jnp.eye(C, dtype=jnp.float32)) / C
    return {
        "x": x,
        "edge_index": edge_index,
        "deg": deg,
        "W_backbone": W_backbone,
        "b_backbone": b_backbone,
        "Binary_param": Binary_param,
    }


def reference(x, edge_index, deg, W_backbone, b_backbone, Binary_param):
    # PWGNN.forward with configs['redistribution'] == 'average', rezero=False
    N = x.shape[0]
    # gnnbackbone(data) -> Unary logits [N, C]
    Unary = x @ W_backbone + b_backbone
    # symmetrize pairwise potential
    Binary = (Binary_param + Binary_param.T) / 2.0
    x_red = Unary / deg              # redistributed unaries [N, C]
    B2 = Binary / 2.0                # redistributed binaries [C, C]
    # BPLeafToRoot: MessagePassing(aggr='add', flow='target_to_source')
    # flow target_to_source => j = edge_index[1] (gather side), i = edge_index[0] (scatter side)
    src = edge_index[0]
    dst = edge_index[1]
    x_j = x_red[dst]                 # gather [E, C]
    # message: logsumexp(x_j.view(E, C, 1) + binary, axis=1) -> [E, C]
    messages = logsumexp(x_j[:, :, None] + B2[None, :, :], axis=1)
    # aggr='add': scatter-add messages at source nodes
    aggr_out = jax.ops.segment_sum(messages, src, num_segments=N)
    # update: log_z = logsumexp(x + aggr_out, axis=1) -> [N]
    log_z = logsumexp(x_red + aggr_out, axis=1)
    return (Unary, x_red, Binary, B2, log_z)

if __name__ == "__main__":
    import jax
    _d = setup_inputs()
    print(jax.jit(kernel)(*tuple(_d.values())))

</pallas_src>

<mosaic_0001>
#map = affine_map<(d0, d1) -> (0, 0)>
#map1 = affine_map<(d0, d1) -> (0, 0, 0)>
module attributes {stable_mosaic.version = 14 : i64} {
  func.func @_sc_body(%arg0: i32, %arg1: i32, %arg2: memref<10240x16xf32, #tpu.memory_space<hbm>>, %arg3: memref<2500x2x128xi32, #tpu.memory_space<hbm>>, %arg4: memref<60x2x128xi32, #tpu.memory_space<hbm>>, %arg5: memref<10240x16xf32, #tpu.memory_space<hbm>>, %arg6: memref<10240x16xf32, #tpu.memory_space<hbm>>, %arg7: memref<2x10240x16xf32, #tpu.memory_space<hbm>>, %arg8: memref<96x128xi32, #tpu.memory_space<vmem>>, %arg9: memref<96x128xi32, #tpu.memory_space<vmem>>, %arg10: memref<8x128x16xf32, #tpu.memory_space<vmem>>, %arg11: memref<10240x16xf32, #tpu.memory_space<vmem_shared>>, %arg12: memref<10240x16xf32, #tpu.memory_space<vmem_shared>>, %arg13: memref<8x!tpu.dma_semaphore, #tpu.memory_space<semaphore_mem>>, %arg14: memref<8x!tpu.dma_semaphore, #tpu.memory_space<semaphore_mem>>) attributes {dimension_semantics = [#tpu.dimension_semantics<core_parallel>, #tpu.dimension_semantics<subcore_parallel>], iteration_bounds = array<i64: 2, 16>, scalar_prefetch = 0 : i64, scratch_operands = 7 : i64, tpu.core_type = #tpu.core_type<sc_vector_subcore>, window_params = [{transform_indices = #map}, {transform_indices = #map1}, {transform_indices = #map1}, {transform_indices = #map}, {transform_indices = #map}, {transform_indices = #map1}]} {
    %mul3A = arith.constant 640 : i32
    %mul3A_0 = arith.muli %arg1, %mul3A : i32
    %mul3A_1 = arith.constant 640 : i32
    %mul3A_2 = arith.muli %arg1, %mul3A_1 : i32
    "tpu.region"() ({
      %run_scoped3A = tpu.sem_alloc : memref<!tpu.dma_semaphore, #tpu.memory_space<semaphore_mem>>
      %dma_start3A_263 = arith.constant 0 : i32
      %dma_start3A_264 = tpu.memref_slice %arg12[%mul3A_2, %dma_start3A_263] : memref<10240x16xf32, #tpu.memory_space<vmem_shared>> -> memref<640x16xf32, #tpu.memory_space<vmem_shared>>
      %dma_start3A_265 = arith.constant 0 : i32
      %dma_start3A_266 = tpu.memref_slice %arg2[%mul3A_0, %dma_start3A_265] : memref<10240x16xf32, #tpu.memory_space<hbm>> -> memref<640x16xf32, #tpu.memory_space<hbm>>
      tpu.enqueue_dma source(%dma_start3A_266 : memref<640x16xf32, #tpu.memory_space<hbm>>) target(%dma_start3A_264 : memref<640x16xf32, #tpu.memory_space<vmem_shared>>) target_semaphore(%run_scoped3A : memref<!tpu.dma_semaphore, #tpu.memory_space<semaphore_mem>>)
      %dma_wait3A_267 = arith.constant 0 : i32
      %dma_wait3A_268 = tpu.memref_slice %arg12[%mul3A_2, %dma_wait3A_267] : memref<10240x16xf32, #tpu.memory_space<vmem_shared>> -> memref<640x16xf32, #tpu.memory_space<vmem_shared>>
      %dma_wait3A_269 = arith.constant 0 : i32
      %dma_wait3A_270 = tpu.memref_slice %arg2[%mul3A_0, %dma_wait3A_269] : memref<10240x16xf32, #tpu.memory_space<hbm>> -> memref<640x16xf32, #tpu.memory_space<hbm>>
      tpu.wait_dma2 semaphore(%run_scoped3A : memref<!tpu.dma_semaphore, #tpu.memory_space<semaphore_mem>>) src(%dma_wait3A_270 : memref<640x16xf32, #tpu.memory_space<hbm>>) dst(%dma_wait3A_268 : memref<640x16xf32, #tpu.memory_space<vmem_shared>>)
      tpu.yield
    }) : () -> ()
    %eq3A = arith.constant 0 : i32
    %eq3A_3 = arith.cmpi eq, %arg0, %eq3A : i32
    %convert_element_type3A = arith.extui %eq3A_3 : i1 to i32
    %cond3A = arith.constant 0 : i32
    %cond3A_4 = arith.cmpi ne, %convert_element_type3A, %cond3A : i32
    scf.if %cond3A_4 {
      %mul3A_263 = arith.constant 640 : i32
      %mul3A_264 = arith.muli %arg1, %mul3A_263 : i32
      %mul3A_265 = arith.constant 640 : i32
      %mul3A_266 = arith.muli %arg1, %mul3A_265 : i32
      "tpu.region"() ({
        %run_scoped3A_270 = tpu.sem_alloc : memref<!tpu.dma_semaphore, #tpu.memory_space<semaphore_mem>>
        %dma_start3A_271 = arith.constant 0 : i32
        %dma_start3A_272 = tpu.memref_slice %arg11[%mul3A_266, %dma_start3A_271] : memref<10240x16xf32, #tpu.memory_space<vmem_shared>> -> memref<640x16xf32, #tpu.memory_space<vmem_shared>>
        %dma_start3A_273 = arith.constant 0 : i32
        %dma_start3A_274 = tpu.memref_slice %arg5[%mul3A_264, %dma_start3A_273] : memref<10240x16xf32, #tpu.memory_space<hbm>> -> memref<640x16xf32, #tpu.memory_space<hbm>>
        tpu.enqueue_dma source(%dma_start3A_274 : memref<640x16xf32, #tpu.memory_space<hbm>>) target(%dma_start3A_272 : memref<640x16xf32, #tpu.memory_space<vmem_shared>>) target_semaphore(%run_scoped3A_270 : memref<!tpu.dma_semaphore, #tpu.memory_space<semaphore_mem>>)
        %dma_wait3A_275 = arith.constant 0 : i32
        %dma_wait3A_276 = tpu.memref_slice %arg11[%mul3A_266, %dma_wait3A_275] : memref<10240x16xf32, #tpu.memory_space<vmem_shared>> -> memref<640x16xf32, #tpu.memory_space<vmem_shared>>
        %dma_wait3A_277 = arith.constant 0 : i32
        %dma_wait3A_278 = tpu.memref_slice %arg5[%mul3A_264, %dma_wait3A_277] : memref<10240x16xf32, #tpu.memory_space<hbm>> -> memref<640x16xf32, #tpu.memory_space<hbm>>
        tpu.wait_dma2 semaphore(%run_scoped3A_270 : memref<!tpu.dma_semaphore, #tpu.memory_space<semaphore_mem>>) src(%dma_wait3A_278 : memref<640x16xf32, #tpu.memory_space<hbm>>) dst(%dma_wait3A_276 : memref<640x16xf32, #tpu.memory_space<vmem_shared>>)
        tpu.yield
      }) : () -> ()
      %mul3A_267 = arith.constant 96 : i32
      %mul3A_268 = arith.muli %arg1, %mul3A_267 : i32
      %run_scoped3A = arith.constant 0 : i32
      "tpu.region"() ({
        %run_scoped3A_270 = tpu.sem_alloc : memref<!tpu.dma_semaphore, #tpu.memory_space<semaphore_mem>>
        %dma_start3A_271 = arith.constant 0 : i32
        %dma_start3A_272 = tpu.memref_slice %arg3[%mul3A_268, %run_scoped3A, %dma_start3A_271] : memref<2500x2x128xi32, #tpu.memory_space<hbm>> -> memref<96x1x128xi32, #tpu.memory_space<hbm>>
        %dma_start3A_273 = tpu.memref_squeeze %dma_start3A_272 : memref<96x1x128xi32, #tpu.memory_space<hbm>> -> memref<96x128xi32, #tpu.memory_space<hbm>>
        %dma_start3A_274 = arith.constant 0 : i32
        %dma_start3A_275 = tpu.memref_slice %arg3[%mul3A_268, %run_scoped3A, %dma_start3A_274] : memref<2500x2x128xi32, #tpu.memory_space<hbm>> -> memref<96x1x128xi32, #tpu.memory_space<hbm>>
        %dma_start3A_276 = tpu.memref_squeeze %dma_start3A_275 : memref<96x1x128xi32, #tpu.memory_space<hbm>> -> memref<96x128xi32, #tpu.memory_space<hbm>>
        tpu.enqueue_dma source(%dma_start3A_276 : memref<96x128xi32, #tpu.memory_space<hbm>>) target(%arg8 : memref<96x128xi32, #tpu.memory_space<vmem>>) target_semaphore(%run_scoped3A_270 : memref<!tpu.dma_semaphore, #tpu.memory_space<semaphore_mem>>)
        %dma_wait3A_277 = arith.constant 0 : i32
        %dma_wait3A_278 = tpu.memref_slice %arg3[%mul3A_268, %run_scoped3A, %dma_wait3A_277] : memref<2500x2x128xi32, #tpu.memory_space<hbm>> -> memref<96x1x128xi32, #tpu.memory_space<hbm>>
        %dma_wait3A_279 = tpu.memref_squeeze %dma_wait3A_278 : memref<96x1x128xi32, #tpu.memory_space<hbm>> -> memref<96x128xi32, #tpu.memory_space<hbm>>
        %dma_wait3A_280 = arith.constant 0 : i32
        %dma_wait3A_281 = tpu.memref_slice %arg3[%mul3A_268, %run_scoped3A, %dma_wait3A_280] : memref<2500x2x128xi32, #tpu.memory_space<hbm>> -> memref<96x1x128xi32, #tpu.memory_space<hbm>>
        %dma_wait3A_282 = tpu.memref_squeeze %dma_wait3A_281 : memref<96x1x128xi32, #tpu.memory_space<hbm>> -> memref<96x128xi32, #tpu.memory_space<hbm>>
        tpu.wait_dma2 semaphore(%run_scoped3A_270 : memref<!tpu.dma_semaphore, #tpu.memory_space<semaphore_mem>>) src(%dma_wait3A_282 : memref<96x128xi32, #tpu.memory_space<hbm>>) dst(%arg8 : memref<96x128xi32, #tpu.memory_space<vmem>>)
        tpu.yield
      }) : () -> ()
      %run_scoped3A_269 = arith.constant 1 : i32
      "tpu.region"() ({
        %run_scoped3A_270 = tpu.sem_alloc : memref<!tpu.dma_semaphore, #tpu.memory_space<semaphore_mem>>
        %dma_start3A_271 = arith.constant 0 : i32
        %dma_start3A_272 = tpu.memref_slice %arg3[%mul3A_268, %run_scoped3A_269, %dma_start3A_271] : memref<2500x2x128xi32, #tpu.memory_space<hbm>> -> memref<96x1x128xi32, #tpu.memory_space<hbm>>
        %dma_start3A_273 = tpu.memref_squeeze %dma_start3A_272 : memref<96x1x128xi32, #tpu.memory_space<hbm>> -> memref<96x128xi32, #tpu.memory_space<hbm>>
        %dma_start3A_274 = arith.constant 0 : i32
        %dma_start3A_275 = tpu.memref_slice %arg3[%mul3A_268, %run_scoped3A_269, %dma_start3A_274] : memref<2500x2x128xi32, #tpu.memory_space<hbm>> -> memref<96x1x128xi32, #tpu.memory_space<hbm>>
        %dma_start3A_276 = tpu.memref_squeeze %dma_start3A_275 : memref<96x1x128xi32, #tpu.memory_space<hbm>> -> memref<96x128xi32, #tpu.memory_space<hbm>>
        tpu.enqueue_dma source(%dma_start3A_276 : memref<96x128xi32, #tpu.memory_space<hbm>>) target(%arg9 : memref<96x128xi32, #tpu.memory_space<vmem>>) target_semaphore(%run_scoped3A_270 : memref<!tpu.dma_semaphore, #tpu.memory_space<semaphore_mem>>)
        %dma_wait3A_277 = arith.constant 0 : i32
        %dma_wait3A_278 = tpu.memref_slice %arg3[%mul3A_268, %run_scoped3A_269, %dma_wait3A_277] : memref<2500x2x128xi32, #tpu.memory_space<hbm>> -> memref<96x1x128xi32, #tpu.memory_space<hbm>>
        %dma_wait3A_279 = tpu.memref_squeeze %dma_wait3A_278 : memref<96x1x128xi32, #tpu.memory_space<hbm>> -> memref<96x128xi32, #tpu.memory_space<hbm>>
        %dma_wait3A_280 = arith.constant 0 : i32
        %dma_wait3A_281 = tpu.memref_slice %arg3[%mul3A_268, %run_scoped3A_269, %dma_wait3A_280] : memref<2500x2x128xi32, #tpu.memory_space<hbm>> -> memref<96x1x128xi32, #tpu.memory_space<hbm>>
        %dma_wait3A_282 = tpu.memref_squeeze %dma_wait3A_281 : memref<96x1x128xi32, #tpu.memory_space<hbm>> -> memref<96x128xi32, #tpu.memory_space<hbm>>
        tpu.wait_dma2 semaphore(%run_scoped3A_270 : memref<!tpu.dma_semaphore, #tpu.memory_space<semaphore_mem>>) src(%dma_wait3A_282 : memref<96x128xi32, #tpu.memory_space<hbm>>) dst(%arg9 : memref<96x128xi32, #tpu.memory_space<vmem>>)
        tpu.yield
      }) : () -> ()
    } else {
    }
    %eq3A_5 = arith.constant 1 : i32
    %eq3A_6 = arith.cmpi eq, %arg0, %eq3A_5 : i32
    %convert_element_type3A_7 = arith.extui %eq3A_6 : i1 to i32
    %cond3A_8 = arith.constant 0 : i32
    %cond3A_9 = arith.cmpi ne, %convert_element_type3A_7, %cond3A_8 : i32
    scf.if %cond3A_9 {
      %mul3A_263 = arith.constant 640 : i32
      %mul3A_264 = arith.muli %arg1, %mul3A_263 : i32
      %mul3A_265 = arith.constant 640 : i32
      %mul3A_266 = arith.muli %arg1, %mul3A_265 : i32
      "tpu.region"() ({
        %run_scoped3A = tpu.sem_alloc : memref<!tpu.dma_semaphore, #tpu.memory_space<semaphore_mem>>
        %dma_start3A_267 = arith.constant 0 : i32
        %dma_start3A_268 = tpu.memref_slice %arg11[%mul3A_266, %dma_start3A_267] : memref<10240x16xf32, #tpu.memory_space<vmem_shared>> -> memref<640x16xf32, #tpu.memory_space<vmem_shared>>
        %dma_start3A_269 = arith.constant 0 : i32
        %dma_start3A_270 = tpu.memref_slice %arg6[%mul3A_264, %dma_start3A_269] : memref<10240x16xf32, #tpu.memory_space<hbm>> -> memref<640x16xf32, #tpu.memory_space<hbm>>
        tpu.enqueue_dma source(%dma_start3A_270 : memref<640x16xf32, #tpu.memory_space<hbm>>) target(%dma_start3A_268 : memref<640x16xf32, #tpu.memory_space<vmem_shared>>) target_semaphore(%run_scoped3A : memref<!tpu.dma_semaphore, #tpu.memory_space<semaphore_mem>>)
        %dma_wait3A_271 = arith.constant 0 : i32
        %dma_wait3A_272 = tpu.memref_slice %arg11[%mul3A_266, %dma_wait3A_271] : memref<10240x16xf32, #tpu.memory_space<vmem_shared>> -> memref<640x16xf32, #tpu.memory_space<vmem_shared>>
        %dma_wait3A_273 = arith.constant 0 : i32
        %dma_wait3A_274 = tpu.memref_slice %arg6[%mul3A_264, %dma_wait3A_273] : memref<10240x16xf32, #tpu.memory_space<hbm>> -> memref<640x16xf32, #tpu.memory_space<hbm>>
        tpu.wait_dma2 semaphore(%run_scoped3A : memref<!tpu.dma_semaphore, #tpu.memory_space<semaphore_mem>>) src(%dma_wait3A_274 : memref<640x16xf32, #tpu.memory_space<hbm>>) dst(%dma_wait3A_272 : memref<640x16xf32, #tpu.memory_space<vmem_shared>>)
        tpu.yield
      }) : () -> ()
    } else {
    }
    %eq3A_10 = arith.constant 1 : i32
    %eq3A_11 = arith.cmpi eq, %arg0, %eq3A_10 : i32
    %lt3A = arith.constant 15 : i32
    %lt3A_12 = arith.cmpi slt, %arg1, %lt3A : i32
    %and3A = arith.andi %eq3A_11, %lt3A_12 : i1
    %convert_element_type3A_13 = arith.extui %and3A : i1 to i32
    %cond3A_14 = arith.constant 0 : i32
    %cond3A_15 = arith.cmpi ne, %convert_element_type3A_13, %cond3A_14 : i32
    scf.if %cond3A_15 {
      %mul3A_263 = arith.constant 64 : i32
      %mul3A_264 = arith.muli %arg1, %mul3A_263 : i32
      %add3A_265 = arith.constant 1536 : i32
      %add3A_266 = arith.addi %add3A_265, %mul3A_264 : i32
      %run_scoped3A = arith.constant 0 : i32
      "tpu.region"() ({
        %run_scoped3A_268 = tpu.sem_alloc : memref<!tpu.dma_semaphore, #tpu.memory_space<semaphore_mem>>
        %dma_start3A_269 = arith.constant 0 : i32
        %dma_start3A_270 = arith.constant 0 : i32
        %dma_start3A_271 = tpu.memref_slice %arg8[%dma_start3A_269, %dma_start3A_270] : memref<96x128xi32, #tpu.memory_space<vmem>> -> memref<64x128xi32, #tpu.memory_space<vmem>>
        %dma_start3A_272 = arith.constant 0 : i32
        %dma_start3A_273 = tpu.memref_slice %arg3[%add3A_266, %run_scoped3A, %dma_start3A_272] : memref<2500x2x128xi32, #tpu.memory_space<hbm>> -> memref<64x1x128xi32, #tpu.memory_space<hbm>>
        %dma_start3A_274 = tpu.memref_squeeze %dma_start3A_273 : memref<64x1x128xi32, #tpu.memory_space<hbm>> -> memref<64x128xi32, #tpu.memory_space<hbm>>
        %dma_start3A_275 = arith.constant 0 : i32
        %dma_start3A_276 = arith.constant 0 : i32
        %dma_start3A_277 = tpu.memref_slice %arg8[%dma_start3A_275, %dma_start3A_276] : memref<96x128xi32, #tpu.memory_space<vmem>> -> memref<64x128xi32, #tpu.memory_space<vmem>>
        %dma_start3A_278 = arith.constant 0 : i32
        %dma_start3A_279 = tpu.memref_slice %arg3[%add3A_266, %run_scoped3A, %dma_start3A_278] : memref<2500x2x128xi32, #tpu.memory_space<hbm>> -> memref<64x1x128xi32, #tpu.memory_space<hbm>>
        %dma_start3A_280 = tpu.memref_squeeze %dma_start3A_279 : memref<64x1x128xi32, #tpu.memory_space<hbm>> -> memref<64x128xi32, #tpu.memory_space<hbm>>
        tpu.enqueue_dma source(%dma_start3A_280 : memref<64x128xi32, #tpu.memory_space<hbm>>) target(%dma_start3A_277 : memref<64x128xi32, #tpu.memory_space<vmem>>) target_semaphore(%run_scoped3A_268 : memref<!tpu.dma_semaphore, #tpu.memory_space<semaphore_mem>>)
        %dma_wait3A_281 = arith.constant 0 : i32
        %dma_wait3A_282 = arith.constant 0 : i32
        %dma_wait3A_283 = tpu.memref_slice %arg8[%dma_wait3A_281, %dma_wait3A_282] : memref<96x128xi32, #tpu.memory_space<vmem>> -> memref<64x128xi32, #tpu.memory_space<vmem>>
        %dma_wait3A_284 = arith.constant 0 : i32
        %dma_wait3A_285 = tpu.memref_slice %arg3[%add3A_266, %run_scoped3A, %dma_wait3A_284] : memref<2500x2x128xi32, #tpu.memory_space<hbm>> -> memref<64x1x128xi32, #tpu.memory_space<hbm>>
        %dma_wait3A_286 = tpu.memref_squeeze %dma_wait3A_285 : memref<64x1x128xi32, #tpu.memory_space<hbm>> -> memref<64x128xi32, #tpu.memory_space<hbm>>
        %dma_wait3A_287 = arith.constant 0 : i32
        %dma_wait3A_288 = arith.constant 0 : i32
        %dma_wait3A_289 = tpu.memref_slice %arg8[%dma_wait3A_287, %dma_wait3A_288] : memref<96x128xi32, #tpu.memory_space<vmem>> -> memref<64x128xi32, #tpu.memory_space<vmem>>
        %dma_wait3A_290 = arith.constant 0 : i32
        %dma_wait3A_291 = tpu.memref_slice %arg3[%add3A_266, %run_scoped3A, %dma_wait3A_290] : memref<2500x2x128xi32, #tpu.memory_space<hbm>> -> memref<64x1x128xi32, #tpu.memory_space<hbm>>
        %dma_wait3A_292 = tpu.memref_squeeze %dma_wait3A_291 : memref<64x1x128xi32, #tpu.memory_space<hbm>> -> memref<64x128xi32, #tpu.memory_space<hbm>>
        tpu.wait_dma2 semaphore(%run_scoped3A_268 : memref<!tpu.dma_semaphore, #tpu.memory_space<semaphore_mem>>) src(%dma_wait3A_292 : memref<64x128xi32, #tpu.memory_space<hbm>>) dst(%dma_wait3A_289 : memref<64x128xi32, #tpu.memory_space<vmem>>)
        tpu.yield
      }) : () -> ()
      %run_scoped3A_267 = arith.constant 1 : i32
      "tpu.region"() ({
        %run_scoped3A_268 = tpu.sem_alloc : memref<!tpu.dma_semaphore, #tpu.memory_space<semaphore_mem>>
        %dma_start3A_269 = arith.constant 0 : i32
        %dma_start3A_270 = arith.constant 0 : i32
        %dma_start3A_271 = tpu.memref_slice %arg9[%dma_start3A_269, %dma_start3A_270] : memref<96x128xi32, #tpu.memory_space<vmem>> -> memref<64x128xi32, #tpu.memory_space<vmem>>
        %dma_start3A_272 = arith.constant 0 : i32
        %dma_start3A_273 = tpu.memref_slice %arg3[%add3A_266, %run_scoped3A_267, %dma_start3A_272] : memref<2500x2x128xi32, #tpu.memory_space<hbm>> -> memref<64x1x128xi32, #tpu.memory_space<hbm>>
        %dma_start3A_274 = tpu.memref_squeeze %dma_start3A_273 : memref<64x1x128xi32, #tpu.memory_space<hbm>> -> memref<64x128xi32, #tpu.memory_space<hbm>>
        %dma_start3A_275 = arith.constant 0 : i32
        %dma_start3A_276 = arith.constant 0 : i32
        %dma_start3A_277 = tpu.memref_slice %arg9[%dma_start3A_275, %dma_start3A_276] : memref<96x128xi32, #tpu.memory_space<vmem>> -> memref<64x128xi32, #tpu.memory_space<vmem>>
        %dma_start3A_278 = arith.constant 0 : i32
        %dma_start3A_279 = tpu.memref_slice %arg3[%add3A_266, %run_scoped3A_267, %dma_start3A_278] : memref<2500x2x128xi32, #tpu.memory_space<hbm>> -> memref<64x1x128xi32, #tpu.memory_space<hbm>>
        %dma_start3A_280 = tpu.memref_squeeze %dma_start3A_279 : memref<64x1x128xi32, #tpu.memory_space<hbm>> -> memref<64x128xi32, #tpu.memory_space<hbm>>
        tpu.enqueue_dma source(%dma_start3A_280 : memref<64x128xi32, #tpu.memory_space<hbm>>) target(%dma_start3A_277 : memref<64x128xi32, #tpu.memory_space<vmem>>) target_semaphore(%run_scoped3A_268 : memref<!tpu.dma_semaphore, #tpu.memory_space<semaphore_mem>>)
        %dma_wait3A_281 = arith.constant 0 : i32
        %dma_wait3A_282 = arith.constant 0 : i32
        %dma_wait3A_283 = tpu.memref_slice %arg9[%dma_wait3A_281, %dma_wait3A_282] : memref<96x128xi32, #tpu.memory_space<vmem>> -> memref<64x128xi32, #tpu.memory_space<vmem>>
        %dma_wait3A_284 = arith.constant 0 : i32
        %dma_wait3A_285 = tpu.memref_slice %arg3[%add3A_266, %run_scoped3A_267, %dma_wait3A_284] : memref<2500x2x128xi32, #tpu.memory_space<hbm>> -> memref<64x1x128xi32, #tpu.memory_space<hbm>>
        %dma_wait3A_286 = tpu.memref_squeeze %dma_wait3A_285 : memref<64x1x128xi32, #tpu.memory_space<hbm>> -> memref<64x128xi32, #tpu.memory_space<hbm>>
        %dma_wait3A_287 = arith.constant 0 : i32
        %dma_wait3A_288 = arith.constant 0 : i32
        %dma_wait3A_289 = tpu.memref_slice %arg9[%dma_wait3A_287, %dma_wait3A_288] : memref<96x128xi32, #tpu.memory_space<vmem>> -> memref<64x128xi32, #tpu.memory_space<vmem>>
        %dma_wait3A_290 = arith.constant 0 : i32
        %dma_wait3A_291 = tpu.memref_slice %arg3[%add3A_266, %run_scoped3A_267, %dma_wait3A_290] : memref<2500x2x128xi32, #tpu.memory_space<hbm>> -> memref<64x1x128xi32, #tpu.memory_space<hbm>>
        %dma_wait3A_292 = tpu.memref_squeeze %dma_wait3A_291 : memref<64x1x128xi32, #tpu.memory_space<hbm>> -> memref<64x128xi32, #tpu.memory_space<hbm>>
        tpu.wait_dma2 semaphore(%run_scoped3A_268 : memref<!tpu.dma_semaphore, #tpu.memory_space<semaphore_mem>>) src(%dma_wait3A_292 : memref<64x128xi32, #tpu.memory_space<hbm>>) dst(%dma_wait3A_289 : memref<64x128xi32, #tpu.memory_space<vmem>>)
        tpu.yield
      }) : () -> ()
    } else {
    }
    %eq3A_16 = arith.constant 1 : i32
    %eq3A_17 = arith.cmpi eq, %arg0, %eq3A_16 : i32
    %eq3A_18 = arith.constant 15 : i32
    %eq3A_19 = arith.cmpi eq, %arg1, %eq3A_18 : i32
    %and3A_20 = arith.andi %eq3A_17, %eq3A_19 : i1
    %convert_element_type3A_21 = arith.extui %and3A_20 : i1 to i32
    %cond3A_22 = arith.constant 0 : i32
    %cond3A_23 = arith.cmpi ne, %convert_element_type3A_21, %cond3A_22 : i32
    scf.if %cond3A_23 {
      %run_scoped3A = arith.constant 0 : i32
      "tpu.region"() ({
        %run_scoped3A_266 = tpu.sem_alloc : memref<!tpu.dma_semaphore, #tpu.memory_space<semaphore_mem>>
        %dma_start3A_267 = arith.constant 0 : i32
        %dma_start3A_268 = arith.constant 0 : i32
        %dma_start3A_269 = tpu.memref_slice %arg8[%dma_start3A_267, %dma_start3A_268] : memref<96x128xi32, #tpu.memory_space<vmem>> -> memref<4x128xi32, #tpu.memory_space<vmem>>
        %dma_start3A_270 = arith.constant 2496 : i32
        %dma_start3A_271 = arith.constant 0 : i32
        %dma_start3A_272 = tpu.memref_slice %arg3[%dma_start3A_270, %run_scoped3A, %dma_start3A_271] : memref<2500x2x128xi32, #tpu.memory_space<hbm>> -> memref<4x1x128xi32, #tpu.memory_space<hbm>>
        %dma_start3A_273 = tpu.memref_squeeze %dma_start3A_272 : memref<4x1x128xi32, #tpu.memory_space<hbm>> -> memref<4x128xi32, #tpu.memory_space<hbm>>
        %dma_start3A_274 = arith.constant 0 : i32
        %dma_start3A_275 = arith.constant 0 : i32
        %dma_start3A_276 = tpu.memref_slice %arg8[%dma_start3A_274, %dma_start3A_275] : memref<96x128xi32, #tpu.memory_space<vmem>> -> memref<4x128xi32, #tpu.memory_space<vmem>>
        %dma_start3A_277 = arith.constant 2496 : i32
        %dma_start3A_278 = arith.constant 0 : i32
        %dma_start3A_279 = tpu.memref_slice %arg3[%dma_start3A_277, %run_scoped3A, %dma_start3A_278] : memref<2500x2x128xi32, #tpu.memory_space<hbm>> -> memref<4x1x128xi32, #tpu.memory_space<hbm>>
        %dma_start3A_280 = tpu.memref_squeeze %dma_start3A_279 : memref<4x1x128xi32, #tpu.memory_space<hbm>> -> memref<4x128xi32, #tpu.memory_space<hbm>>
        tpu.enqueue_dma source(%dma_start3A_280 : memref<4x128xi32, #tpu.memory_space<hbm>>) target(%dma_start3A_276 : memref<4x128xi32, #tpu.memory_space<vmem>>) target_semaphore(%run_scoped3A_266 : memref<!tpu.dma_semaphore, #tpu.memory_space<semaphore_mem>>)
        %dma_wait3A_281 = arith.constant 0 : i32
        %dma_wait3A_282 = arith.constant 0 : i32
        %dma_wait3A_283 = tpu.memref_slice %arg8[%dma_wait3A_281, %dma_wait3A_282] : memref<96x128xi32, #tpu.memory_space<vmem>> -> memref<4x128xi32, #tpu.memory_space<vmem>>
        %dma_wait3A_284 = arith.constant 2496 : i32
        %dma_wait3A_285 = arith.constant 0 : i32
        %dma_wait3A_286 = tpu.memref_slice %arg3[%dma_wait3A_284, %run_scoped3A, %dma_wait3A_285] : memref<2500x2x128xi32, #tpu.memory_space<hbm>> -> memref<4x1x128xi32, #tpu.memory_space<hbm>>
        %dma_wait3A_287 = tpu.memref_squeeze %dma_wait3A_286 : memref<4x1x128xi32, #tpu.memory_space<hbm>> -> memref<4x128xi32, #tpu.memory_space<hbm>>
        %dma_wait3A_288 = arith.constant 0 : i32
        %dma_wait3A_289 = arith.constant 0 : i32
        %dma_wait3A_290 = tpu.memref_slice %arg8[%dma_wait3A_288, %dma_wait3A_289] : memref<96x128xi32, #tpu.memory_space<vmem>> -> memref<4x128xi32, #tpu.memory_space<vmem>>
        %dma_wait3A_291 = arith.constant 2496 : i32
        %dma_wait3A_292 = arith.constant 0 : i32
        %dma_wait3A_293 = tpu.memref_slice %arg3[%dma_wait3A_291, %run_scoped3A, %dma_wait3A_292] : memref<2500x2x128xi32, #tpu.memory_space<hbm>> -> memref<4x1x128xi32, #tpu.memory_space<hbm>>
        %dma_wait3A_294 = tpu.memref_squeeze %dma_wait3A_293 : memref<4x1x128xi32, #tpu.memory_space<hbm>> -> memref<4x128xi32, #tpu.memory_space<hbm>>
        tpu.wait_dma2 semaphore(%run_scoped3A_266 : memref<!tpu.dma_semaphore, #tpu.memory_space<semaphore_mem>>) src(%dma_wait3A_294 : memref<4x128xi32, #tpu.memory_space<hbm>>) dst(%dma_wait3A_290 : memref<4x128xi32, #tpu.memory_space<vmem>>)
        tpu.yield
      }) : () -> ()
      %run_scoped3A_263 = arith.constant 1 : i32
      "tpu.region"() ({
        %run_scoped3A_266 = tpu.sem_alloc : memref<!tpu.dma_semaphore, #tpu.memory_space<semaphore_mem>>
        %dma_start3A_267 = arith.constant 0 : i32
        %dma_start3A_268 = arith.constant 0 : i32
        %dma_start3A_269 = tpu.memref_slice %arg9[%dma_start3A_267, %dma_start3A_268] : memref<96x128xi32, #tpu.memory_space<vmem>> -> memref<4x128xi32, #tpu.memory_space<vmem>>
        %dma_start3A_270 = arith.constant 2496 : i32
        %dma_start3A_271 = arith.constant 0 : i32
        %dma_start3A_272 = tpu.memref_slice %arg3[%dma_start3A_270, %run_scoped3A_263, %dma_start3A_271] : memref<2500x2x128xi32, #tpu.memory_space<hbm>> -> memref<4x1x128xi32, #tpu.memory_space<hbm>>
        %dma_start3A_273 = tpu.memref_squeeze %dma_start3A_272 : memref<4x1x128xi32, #tpu.memory_space<hbm>> -> memref<4x128xi32, #tpu.memory_space<hbm>>
        %dma_start3A_274 = arith.constant 0 : i32
        %dma_start3A_275 = arith.constant 0 : i32
        %dma_start3A_276 = tpu.memref_slice %arg9[%dma_start3A_274, %dma_start3A_275] : memref<96x128xi32, #tpu.memory_space<vmem>> -> memref<4x128xi32, #tpu.memory_space<vmem>>
        %dma_start3A_277 = arith.constant 2496 : i32
        %dma_start3A_278 = arith.constant 0 : i32
        %dma_start3A_279 = tpu.memref_slice %arg3[%dma_start3A_277, %run_scoped3A_263, %dma_start3A_278] : memref<2500x2x128xi32, #tpu.memory_space<hbm>> -> memref<4x1x128xi32, #tpu.memory_space<hbm>>
        %dma_start3A_280 = tpu.memref_squeeze %dma_start3A_279 : memref<4x1x128xi32, #tpu.memory_space<hbm>> -> memref<4x128xi32, #tpu.memory_space<hbm>>
        tpu.enqueue_dma source(%dma_start3A_280 : memref<4x128xi32, #tpu.memory_space<hbm>>) target(%dma_start3A_276 : memref<4x128xi32, #tpu.memory_space<vmem>>) target_semaphore(%run_scoped3A_266 : memref<!tpu.dma_semaphore, #tpu.memory_space<semaphore_mem>>)
        %dma_wait3A_281 = arith.constant 0 : i32
        %dma_wait3A_282 = arith.constant 0 : i32
        %dma_wait3A_283 = tpu.memref_slice %arg9[%dma_wait3A_281, %dma_wait3A_282] : memref<96x128xi32, #tpu.memory_space<vmem>> -> memref<4x128xi32, #tpu.memory_space<vmem>>
        %dma_wait3A_284 = arith.constant 2496 : i32
        %dma_wait3A_285 = arith.constant 0 : i32
        %dma_wait3A_286 = tpu.memref_slice %arg3[%dma_wait3A_284, %run_scoped3A_263, %dma_wait3A_285] : memref<2500x2x128xi32, #tpu.memory_space<hbm>> -> memref<4x1x128xi32, #tpu.memory_space<hbm>>
        %dma_wait3A_287 = tpu.memref_squeeze %dma_wait3A_286 : memref<4x1x128xi32, #tpu.memory_space<hbm>> -> memref<4x128xi32, #tpu.memory_space<hbm>>
        %dma_wait3A_288 = arith.constant 0 : i32
        %dma_wait3A_289 = arith.constant 0 : i32
        %dma_wait3A_290 = tpu.memref_slice %arg9[%dma_wait3A_288, %dma_wait3A_289] : memref<96x128xi32, #tpu.memory_space<vmem>> -> memref<4x128xi32, #tpu.memory_space<vmem>>
        %dma_wait3A_291 = arith.constant 2496 : i32
        %dma_wait3A_292 = arith.constant 0 : i32
        %dma_wait3A_293 = tpu.memref_slice %arg3[%dma_wait3A_291, %run_scoped3A_263, %dma_wait3A_292] : memref<2500x2x128xi32, #tpu.memory_space<hbm>> -> memref<4x1x128xi32, #tpu.memory_space<hbm>>
        %dma_wait3A_294 = tpu.memref_squeeze %dma_wait3A_293 : memref<4x1x128xi32, #tpu.memory_space<hbm>> -> memref<4x128xi32, #tpu.memory_space<hbm>>
        tpu.wait_dma2 semaphore(%run_scoped3A_266 : memref<!tpu.dma_semaphore, #tpu.memory_space<semaphore_mem>>) src(%dma_wait3A_294 : memref<4x128xi32, #tpu.memory_space<hbm>>) dst(%dma_wait3A_290 : memref<4x128xi32, #tpu.memory_space<vmem>>)
        tpu.yield
      }) : () -> ()
      %run_scoped3A_264 = arith.constant 0 : i32
      "tpu.region"() ({
        %run_scoped3A_266 = tpu.sem_alloc : memref<!tpu.dma_semaphore, #tpu.memory_space<semaphore_mem>>
        %dma_start3A_267 = arith.constant 4 : i32
        %dma_start3A_268 = arith.constant 0 : i32
        %dma_start3A_269 = tpu.memref_slice %arg8[%dma_start3A_267, %dma_start3A_268] : memref<96x128xi32, #tpu.memory_space<vmem>> -> memref<60x128xi32, #tpu.memory_space<vmem>>
        %dma_start3A_270 = arith.constant 0 : i32
        %dma_start3A_271 = arith.constant 0 : i32
        %dma_start3A_272 = tpu.memref_slice %arg4[%dma_start3A_270, %run_scoped3A_264, %dma_start3A_271] : memref<60x2x128xi32, #tpu.memory_space<hbm>> -> memref<60x1x128xi32, #tpu.memory_space<hbm>>
        %dma_start3A_273 = tpu.memref_squeeze %dma_start3A_272 : memref<60x1x128xi32, #tpu.memory_space<hbm>> -> memref<60x128xi32, #tpu.memory_space<hbm>>
        %dma_start3A_274 = arith.constant 4 : i32
        %dma_start3A_275 = arith.constant 0 : i32
        %dma_start3A_276 = tpu.memref_slice %arg8[%dma_start3A_274, %dma_start3A_275] : memref<96x128xi32, #tpu.memory_space<vmem>> -> memref<60x128xi32, #tpu.memory_space<vmem>>
        %dma_start3A_277 = arith.constant 0 : i32
        %dma_start3A_278 = arith.constant 0 : i32
        %dma_start3A_279 = tpu.memref_slice %arg4[%dma_start3A_277, %run_scoped3A_264, %dma_start3A_278] : memref<60x2x128xi32, #tpu.memory_space<hbm>> -> memref<60x1x128xi32, #tpu.memory_space<hbm>>
        %dma_start3A_280 = tpu.memref_squeeze %dma_start3A_279 : memref<60x1x128xi32, #tpu.memory_space<hbm>> -> memref<60x128xi32, #tpu.memory_space<hbm>>
        tpu.enqueue_dma source(%dma_start3A_280 : memref<60x128xi32, #tpu.memory_space<hbm>>) target(%dma_start3A_276 : memref<60x128xi32, #tpu.memory_space<vmem>>) target_semaphore(%run_scoped3A_266 : memref<!tpu.dma_semaphore, #tpu.memory_space<semaphore_mem>>)
        %dma_wait3A_281 = arith.constant 4 : i32
        %dma_wait3A_282 = arith.constant 0 : i32
        %dma_wait3A_283 = tpu.memref_slice %arg8[%dma_wait3A_281, %dma_wait3A_282] : memref<96x128xi32, #tpu.memory_space<vmem>> -> memref<60x128xi32, #tpu.memory_space<vmem>>
        %dma_wait3A_284 = arith.constant 0 : i32
        %dma_wait3A_285 = arith.constant 0 : i32
        %dma_wait3A_286 = tpu.memref_slice %arg4[%dma_wait3A_284, %run_scoped3A_264, %dma_wait3A_285] : memref<60x2x128xi32, #tpu.memory_space<hbm>> -> memref<60x1x128xi32, #tpu.memory_space<hbm>>
        %dma_wait3A_287 = tpu.memref_squeeze %dma_wait3A_286 : memref<60x1x128xi32, #tpu.memory_space<hbm>> -> memref<60x128xi32, #tpu.memory_space<hbm>>
        %dma_wait3A_288 = arith.constant 4 : i32
        %dma_wait3A_289 = arith.constant 0 : i32
        %dma_wait3A_290 = tpu.memref_slice %arg8[%dma_wait3A_288, %dma_wait3A_289] : memref<96x128xi32, #tpu.memory_space<vmem>> -> memref<60x128xi32, #tpu.memory_space<vmem>>
        %dma_wait3A_291 = arith.constant 0 : i32
        %dma_wait3A_292 = arith.constant 0 : i32
        %dma_wait3A_293 = tpu.memref_slice %arg4[%dma_wait3A_291, %run_scoped3A_264, %dma_wait3A_292] : memref<60x2x128xi32, #tpu.memory_space<hbm>> -> memref<60x1x128xi32, #tpu.memory_space<hbm>>
        %dma_wait3A_294 = tpu.memref_squeeze %dma_wait3A_293 : memref<60x1x128xi32, #tpu.memory_space<hbm>> -> memref<60x128xi32, #tpu.memory_space<hbm>>
        tpu.wait_dma2 semaphore(%run_scoped3A_266 : memref<!tpu.dma_semaphore, #tpu.memory_space<semaphore_mem>>) src(%dma_wait3A_294 : memref<60x128xi32, #tpu.memory_space<hbm>>) dst(%dma_wait3A_290 : memref<60x128xi32, #tpu.memory_space<vmem>>)
        tpu.yield
      }) : () -> ()
      %run_scoped3A_265 = arith.constant 1 : i32
      "tpu.region"() ({
        %run_scoped3A_266 = tpu.sem_alloc : memref<!tpu.dma_semaphore, #tpu.memory_space<semaphore_mem>>
        %dma_start3A_267 = arith.constant 4 : i32
        %dma_start3A_268 = arith.constant 0 : i32
        %dma_start3A_269 = tpu.memref_slice %arg9[%dma_start3A_267, %dma_start3A_268] : memref<96x128xi32, #tpu.memory_space<vmem>> -> memref<60x128xi32, #tpu.memory_space<vmem>>
        %dma_start3A_270 = arith.constant 0 : i32
        %dma_start3A_271 = arith.constant 0 : i32
        %dma_start3A_272 = tpu.memref_slice %arg4[%dma_start3A_270, %run_scoped3A_265, %dma_start3A_271] : memref<60x2x128xi32, #tpu.memory_space<hbm>> -> memref<60x1x128xi32, #tpu.memory_space<hbm>>
        %dma_start3A_273 = tpu.memref_squeeze %dma_start3A_272 : memref<60x1x128xi32, #tpu.memory_space<hbm>> -> memref<60x128xi32, #tpu.memory_space<hbm>>
        %dma_start3A_274 = arith.constant 4 : i32
        %dma_start3A_275 = arith.constant 0 : i32
        %dma_start3A_276 = tpu.memref_slice %arg9[%dma_start3A_274, %dma_start3A_275] : memref<96x128xi32, #tpu.memory_space<vmem>> -> memref<60x128xi32, #tpu.memory_space<vmem>>
        %dma_start3A_277 = arith.constant 0 : i32
        %dma_start3A_278 = arith.constant 0 : i32
        %dma_start3A_279 = tpu.memref_slice %arg4[%dma_start3A_277, %run_scoped3A_265, %dma_start3A_278] : memref<60x2x128xi32, #tpu.memory_space<hbm>> -> memref<60x1x128xi32, #tpu.memory_space<hbm>>
        %dma_start3A_280 = tpu.memref_squeeze %dma_start3A_279 : memref<60x1x128xi32, #tpu.memory_space<hbm>> -> memref<60x128xi32, #tpu.memory_space<hbm>>
        tpu.enqueue_dma source(%dma_start3A_280 : memref<60x128xi32, #tpu.memory_space<hbm>>) target(%dma_start3A_276 : memref<60x128xi32, #tpu.memory_space<vmem>>) target_semaphore(%run_scoped3A_266 : memref<!tpu.dma_semaphore, #tpu.memory_space<semaphore_mem>>)
        %dma_wait3A_281 = arith.constant 4 : i32
        %dma_wait3A_282 = arith.constant 0 : i32
        %dma_wait3A_283 = tpu.memref_slice %arg9[%dma_wait3A_281, %dma_wait3A_282] : memref<96x128xi32, #tpu.memory_space<vmem>> -> memref<60x128xi32, #tpu.memory_space<vmem>>
        %dma_wait3A_284 = arith.constant 0 : i32
        %dma_wait3A_285 = arith.constant 0 : i32
        %dma_wait3A_286 = tpu.memref_slice %arg4[%dma_wait3A_284, %run_scoped3A_265, %dma_wait3A_285] : memref<60x2x128xi32, #tpu.memory_space<hbm>> -> memref<60x1x128xi32, #tpu.memory_space<hbm>>
        %dma_wait3A_287 = tpu.memref_squeeze %dma_wait3A_286 : memref<60x1x128xi32, #tpu.memory_space<hbm>> -> memref<60x128xi32, #tpu.memory_space<hbm>>
        %dma_wait3A_288 = arith.constant 4 : i32
        %dma_wait3A_289 = arith.constant 0 : i32
        %dma_wait3A_290 = tpu.memref_slice %arg9[%dma_wait3A_288, %dma_wait3A_289] : memref<96x128xi32, #tpu.memory_space<vmem>> -> memref<60x128xi32, #tpu.memory_space<vmem>>
        %dma_wait3A_291 = arith.constant 0 : i32
        %dma_wait3A_292 = arith.constant 0 : i32
        %dma_wait3A_293 = tpu.memref_slice %arg4[%dma_wait3A_291, %run_scoped3A_265, %dma_wait3A_292] : memref<60x2x128xi32, #tpu.memory_space<hbm>> -> memref<60x1x128xi32, #tpu.memory_space<hbm>>
        %dma_wait3A_294 = tpu.memref_squeeze %dma_wait3A_293 : memref<60x1x128xi32, #tpu.memory_space<hbm>> -> memref<60x128xi32, #tpu.memory_space<hbm>>
        tpu.wait_dma2 semaphore(%run_scoped3A_266 : memref<!tpu.dma_semaphore, #tpu.memory_space<semaphore_mem>>) src(%dma_wait3A_294 : memref<60x128xi32, #tpu.memory_space<hbm>>) dst(%dma_wait3A_290 : memref<60x128xi32, #tpu.memory_space<vmem>>)
        tpu.yield
      }) : () -> ()
    } else {
    }
    %barrier3A = arith.constant 0 : index
    tpu.barrier barrier_id(%barrier3A)
    %eq3A_24 = arith.constant 0 : i32
    %eq3A_25 = arith.cmpi eq, %arg0, %eq3A_24 : i32
    %jit3A = arith.constant 96 : i32
    %jit3A_26 = arith.constant 64 : i32
    %select_n3A = arith.select %eq3A_25, %jit3A, %jit3A_26 : i32
    %dma_start3A = arith.constant 0 : i32
    %dma_start3A_27 = arith.constant 0 : i32
    %dma_start3A_28 = arith.constant 0 : i32
    %dma_start3A_29 = arith.constant 0 : i32
    %dma_start3A_30 = arith.constant 0 : i32
    %dma_start3A_31 = tpu.memref_slice %arg10[%dma_start3A_27, %dma_start3A_29, %dma_start3A_30] : memref<8x128x16xf32, #tpu.memory_space<vmem>> -> memref<1x128x16xf32, #tpu.memory_space<vmem>>
    %dma_start3A_32 = tpu.memref_squeeze %dma_start3A_31 : memref<1x128x16xf32, #tpu.memory_space<vmem>> -> memref<128x16xf32, #tpu.memory_space<vmem>>
    %dma_start3A_33 = arith.constant 0 : i32
    %dma_start3A_34 = tpu.memref_slice %arg9[%dma_start3A, %dma_start3A_33] : memref<96x128xi32, #tpu.memory_space<vmem>> -> memref<1x128xi32, #tpu.memory_space<vmem>>
    %dma_start3A_35 = tpu.memref_squeeze %dma_start3A_34 : memref<1x128xi32, #tpu.memory_space<vmem>> -> memref<128xi32, #tpu.memory_space<vmem>>
    %dma_start3A_36 = arith.constant 0 : i32
    %dma_start3A_37 = arith.constant 0 : i32
    %dma_start3A_38 = tpu.memref_slice %arg12[%dma_start3A_36, %dma_start3A_37] : memref<10240x16xf32, #tpu.memory_space<vmem_shared>> -> memref<10240x16xf32, #tpu.memory_space<vmem_shared>>
    %dma_start3A_39 = tpu.memref_slice %arg13[%dma_start3A_28] : memref<8x!tpu.dma_semaphore, #tpu.memory_space<semaphore_mem>> -> memref<1x!tpu.dma_semaphore, #tpu.memory_space<semaphore_mem>>
    %dma_start3A_40 = tpu.memref_squeeze %dma_start3A_39 : memref<1x!tpu.dma_semaphore, #tpu.memory_space<semaphore_mem>> -> memref<!tpu.dma_semaphore, #tpu.memory_space<semaphore_mem>>
    tpu.enqueue_indirect_dma source(%dma_start3A_38 : memref<10240x16xf32, #tpu.memory_space<vmem_shared>>) target(%dma_start3A_32 : memref<128x16xf32, #tpu.memory_space<vmem>>) offsets(%dma_start3A_35 : memref<128xi32, #tpu.memory_space<vmem>>) semaphore(%dma_start3A_40 : memref<!tpu.dma_semaphore, #tpu.memory_space<semaphore_mem>>)
    %dma_start3A_41 = arith.constant 1 : i32
    %dma_start3A_42 = arith.constant 1 : i32
    %dma_start3A_43 = arith.constant 1 : i32
    %dma_start3A_44 = arith.constant 0 : i32
    %dma_start3A_45 = arith.constant 0 : i32
    %dma_start3A_46 = tpu.memref_slice %arg10[%dma_start3A_42, %dma_start3A_44, %dma_start3A_45] : memref<8x128x16xf32, #tpu.memory_space<vmem>> -> memref<1x128x16xf32, #tpu.memory_space<vmem>>
    %dma_start3A_47 = tpu.memref_squeeze %dma_start3A_46 : memref<1x128x16xf32, #tpu.memory_space<vmem>> -> memref<128x16xf32, #tpu.memory_space<vmem>>
    %dma_start3A_48 = arith.constant 0 : i32
    %dma_start3A_49 = tpu.memref_slice %arg9[%dma_start3A_41, %dma_start3A_48] : memref<96x128xi32, #tpu.memory_space<vmem>> -> memref<1x128xi32, #tpu.memory_space<vmem>>
    %dma_start3A_50 = tpu.memref_squeeze %dma_start3A_49 : memref<1x128xi32, #tpu.memory_space<vmem>> -> memref<128xi32, #tpu.memory_space<vmem>>
    %dma_start3A_51 = arith.constant 0 : i32
    %dma_start3A_52 = arith.constant 0 : i32
    %dma_start3A_53 = tpu.memref_slice %arg12[%dma_start3A_51, %dma_start3A_52] : memref<10240x16xf32, #tpu.memory_space<vmem_shared>> -> memref<10240x16xf32, #tpu.memory_space<vmem_shared>>
    %dma_start3A_54 = tpu.memref_slice %arg13[%dma_start3A_43] : memref<8x!tpu.dma_semaphore, #tpu.memory_space<semaphore_mem>> -> memref<1x!tpu.dma_semaphore, #tpu.memory_space<semaphore_mem>>
    %dma_start3A_55 = tpu.memref_squeeze %dma_start3A_54 : memref<1x!tpu.dma_semaphore, #tpu.memory_space<semaphore_mem>> -> memref<!tpu.dma_semaphore, #tpu.memory_space<semaphore_mem>>
    tpu.enqueue_indirect_dma source(%dma_start3A_53 : memref<10240x16xf32, #tpu.memory_space<vmem_shared>>) target(%dma_start3A_47 : memref<128x16xf32, #tpu.memory_space<vmem>>) offsets(%dma_start3A_50 : memref<128xi32, #tpu.memory_space<vmem>>) semaphore(%dma_start3A_55 : memref<!tpu.dma_semaphore, #tpu.memory_space<semaphore_mem>>)
    %dma_start3A_56 = arith.constant 2 : i32
    %dma_start3A_57 = arith.constant 2 : i32
    %dma_start3A_58 = arith.constant 2 : i32
    %dma_start3A_59 = arith.constant 0 : i32
    %dma_start3A_60 = arith.constant 0 : i32
    %dma_start3A_61 = tpu.memref_slice %arg10[%dma_start3A_57, %dma_start3A_59, %dma_start3A_60] : memref<8x128x16xf32, #tpu.memory_space<vmem>> -> memref<1x128x16xf32, #tpu.memory_space<vmem>>
    %dma_start3A_62 = tpu.memref_squeeze %dma_start3A_61 : memref<1x128x16xf32, #tpu.memory_space<vmem>> -> memref<128x16xf32, #tpu.memory_space<vmem>>
    %dma_start3A_63 = arith.constant 0 : i32
    %dma_start3A_64 = tpu.memref_slice %arg9[%dma_start3A_56, %dma_start3A_63] : memref<96x128xi32, #tpu.memory_space<vmem>> -> memref<1x128xi32, #tpu.memory_space<vmem>>
    %dma_start3A_65 = tpu.memref_squeeze %dma_start3A_64 : memref<1x128xi32, #tpu.memory_space<vmem>> -> memref<128xi32, #tpu.memory_space<vmem>>
    %dma_start3A_66 = arith.constant 0 : i32
    %dma_start3A_67 = arith.constant 0 : i32
    %dma_start3A_68 = tpu.memref_slice %arg12[%dma_start3A_66, %dma_start3A_67] : memref<10240x16xf32, #tpu.memory_space<vmem_shared>> -> memref<10240x16xf32, #tpu.memory_space<vmem_shared>>
    %dma_start3A_69 = tpu.memref_slice %arg13[%dma_start3A_58] : memref<8x!tpu.dma_semaphore, #tpu.memory_space<semaphore_mem>> -> memref<1x!tpu.dma_semaphore, #tpu.memory_space<semaphore_mem>>
    %dma_start3A_70 = tpu.memref_squeeze %dma_start3A_69 : memref<1x!tpu.dma_semaphore, #tpu.memory_space<semaphore_mem>> -> memref<!tpu.dma_semaphore, #tpu.memory_space<semaphore_mem>>
    tpu.enqueue_indirect_dma source(%dma_start3A_68 : memref<10240x16xf32, #tpu.memory_space<vmem_shared>>) target(%dma_start3A_62 : memref<128x16xf32, #tpu.memory_space<vmem>>) offsets(%dma_start3A_65 : memref<128xi32, #tpu.memory_space<vmem>>) semaphore(%dma_start3A_70 : memref<!tpu.dma_semaphore, #tpu.memory_space<semaphore_mem>>)
    %dma_start3A_71 = arith.constant 3 : i32
    %dma_start3A_72 = arith.constant 3 : i32
    %dma_start3A_73 = arith.constant 3 : i32
    %dma_start3A_74 = arith.constant 0 : i32
    %dma_start3A_75 = arith.constant 0 : i32
    %dma_start3A_76 = tpu.memref_slice %arg10[%dma_start3A_72, %dma_start3A_74, %dma_start3A_75] : memref<8x128x16xf32, #tpu.memory_space<vmem>> -> memref<1x128x16xf32, #tpu.memory_space<vmem>>
    %dma_start3A_77 = tpu.memref_squeeze %dma_start3A_76 : memref<1x128x16xf32, #tpu.memory_space<vmem>> -> memref<128x16xf32, #tpu.memory_space<vmem>>
    %dma_start3A_78 = arith.constant 0 : i32
    %dma_start3A_79 = tpu.memref_slice %arg9[%dma_start3A_71, %dma_start3A_78] : memref<96x128xi32, #tpu.memory_space<vmem>> -> memref<1x128xi32, #tpu.memory_space<vmem>>
    %dma_start3A_80 = tpu.memref_squeeze %dma_start3A_79 : memref<1x128xi32, #tpu.memory_space<vmem>> -> memref<128xi32, #tpu.memory_space<vmem>>
    %dma_start3A_81 = arith.constant 0 : i32
    %dma_start3A_82 = arith.constant 0 : i32
    %dma_start3A_83 = tpu.memref_slice %arg12[%dma_start3A_81, %dma_start3A_82] : memref<10240x16xf32, #tpu.memory_space<vmem_shared>> -> memref<10240x16xf32, #tpu.memory_space<vmem_shared>>
    %dma_start3A_84 = tpu.memref_slice %arg13[%dma_start3A_73] : memref<8x!tpu.dma_semaphore, #tpu.memory_space<semaphore_mem>> -> memref<1x!tpu.dma_semaphore, #tpu.memory_space<semaphore_mem>>
    %dma_start3A_85 = tpu.memref_squeeze %dma_start3A_84 : memref<1x!tpu.dma_semaphore, #tpu.memory_space<semaphore_mem>> -> memref<!tpu.dma_semaphore, #tpu.memory_space<semaphore_mem>>
    tpu.enqueue_indirect_dma source(%dma_start3A_83 : memref<10240x16xf32, #tpu.memory_space<vmem_shared>>) target(%dma_start3A_77 : memref<128x16xf32, #tpu.memory_space<vmem>>) offsets(%dma_start3A_80 : memref<128xi32, #tpu.memory_space<vmem>>) semaphore(%dma_start3A_85 : memref<!tpu.dma_semaphore, #tpu.memory_space<semaphore_mem>>)
    %jit3A_86 = arith.constant 8 : i32
    %div3A = arith.divsi %select_n3A, %jit3A_86 : i32
    %sign3A = arith.constant 0 : i32
    %sign3A_87 = arith.cmpi sgt, %select_n3A, %sign3A : i32
    %sign3A_88 = arith.extui %sign3A_87 : i1 to i32
    %sign3A_89 = arith.constant 0 : i32
    %sign3A_90 = arith.cmpi slt, %select_n3A, %sign3A_89 : i32
    %sign3A_91 = arith.extui %sign3A_90 : i1 to i32
    %sign3A_92 = arith.subi %sign3A_88, %sign3A_91 : i32
    %sign3A_93 = arith.constant 0 : i32
    %sign3A_94 = arith.cmpi sgt, %jit3A_86, %sign3A_93 : i32
    %sign3A_95 = arith.extui %sign3A_94 : i1 to i32
    %sign3A_96 = arith.constant 0 : i32
    %sign3A_97 = arith.cmpi slt, %jit3A_86, %sign3A_96 : i32
    %sign3A_98 = arith.extui %sign3A_97 : i1 to i32
    %sign3A_99 = arith.subi %sign3A_95, %sign3A_98 : i32
    %ne3A = arith.cmpi ne, %sign3A_92, %sign3A_99 : i32
    %rem3A = arith.remsi %select_n3A, %jit3A_86 : i32
    %ne3A_100 = arith.constant 0 : i32
    %ne3A_101 = arith.cmpi ne, %rem3A, %ne3A_100 : i32
    %and3A_102 = arith.andi %ne3A, %ne3A_101 : i1
    %sub3A = arith.constant 1 : i32
    %sub3A_103 = arith.subi %div3A, %sub3A : i32
    %select_n3A_104 = arith.select %and3A_102, %sub3A_103, %div3A : i32
    %while3A = arith.constant 0 : i32
    %while3A_105 = arith.constant 0 : i32
    %while3A_106 = arith.subi %select_n3A_104, %while3A : i32
    %while3A_107 = arith.addi %while3A, %while3A_106 : i32
    %while3A_108 = arith.constant 1 : i32
    %while3A_109 = arith.divsi %while3A_106, %while3A_108 : i32
    %while3A_110 = arith.muli %while3A_109, %while3A_108 : i32
    %while3A_111 = arith.addi %while3A, %while3A_110 : i32
    %while3A_112 = arith.constant 1 : i32
    %while3A_113 = scf.for %while3A_263 = %while3A to %while3A_111 step %while3A_112 iter_args(%while3A_264 = %while3A_105) -> (i32)  : i32 {
      %mul3A_265 = arith.constant 8 : i32
      %mul3A_266 = arith.muli %while3A_263, %mul3A_265 : i32
      %add3A_267 = arith.constant 0 : i32
      %add3A_268 = arith.addi %mul3A_266, %add3A_267 : i32
      %dma_wait3A_269 = arith.constant 0 : i32
      %dma_wait3A_270 = arith.constant 0 : i32
      %dma_wait3A_271 = arith.constant 0 : i32
      %dma_wait3A_272 = arith.constant 0 : i32
      %dma_wait3A_273 = tpu.memref_slice %arg10[%dma_wait3A_269, %dma_wait3A_271, %dma_wait3A_272] : memref<8x128x16xf32, #tpu.memory_space<vmem>> -> memref<1x128x16xf32, #tpu.memory_space<vmem>>
      %dma_wait3A_274 = tpu.memref_squeeze %dma_wait3A_273 : memref<1x128x16xf32, #tpu.memory_space<vmem>> -> memref<128x16xf32, #tpu.memory_space<vmem>>
      %dma_wait3A_275 = arith.constant 0 : i32
      %dma_wait3A_276 = tpu.memref_slice %arg9[%add3A_268, %dma_wait3A_275] : memref<96x128xi32, #tpu.memory_space<vmem>> -> memref<1x128xi32, #tpu.memory_space<vmem>>
      %dma_wait3A_277 = tpu.memref_squeeze %dma_wait3A_276 : memref<1x128xi32, #tpu.memory_space<vmem>> -> memref<128xi32, #tpu.memory_space<vmem>>
      %dma_wait3A_278 = arith.constant 0 : i32
      %dma_wait3A_279 = arith.constant 0 : i32
      %dma_wait3A_280 = tpu.memref_slice %arg12[%dma_wait3A_278, %dma_wait3A_279] : memref<10240x16xf32, #tpu.memory_space<vmem_shared>> -> memref<10240x16xf32, #tpu.memory_space<vmem_shared>>
      %dma_wait3A_281 = tpu.memref_slice %arg13[%dma_wait3A_270] : memref<8x!tpu.dma_semaphore, #tpu.memory_space<semaphore_mem>> -> memref<1x!tpu.dma_semaphore, #tpu.memory_space<semaphore_mem>>
      %dma_wait3A_282 = tpu.memref_squeeze %dma_wait3A_281 : memref<1x!tpu.dma_semaphore, #tpu.memory_space<semaphore_mem>> -> memref<!tpu.dma_semaphore, #tpu.memory_space<semaphore_mem>>
      tpu.wait_indirect_dma semaphore(%dma_wait3A_282 : memref<!tpu.dma_semaphore, #tpu.memory_space<semaphore_mem>>) src(%dma_wait3A_280 : memref<10240x16xf32, #tpu.memory_space<vmem_shared>>) dst(%dma_wait3A_274 : memref<128x16xf32, #tpu.memory_space<vmem>>)
      %dma_start3A_283 = arith.constant 0 : i32
      %dma_start3A_284 = arith.constant 0 : i32
      %dma_start3A_285 = arith.constant 0 : i32
      %dma_start3A_286 = arith.constant 0 : i32
      %dma_start3A_287 = tpu.memref_slice %arg10[%dma_start3A_283, %dma_start3A_285, %dma_start3A_286] : memref<8x128x16xf32, #tpu.memory_space<vmem>> -> memref<1x128x16xf32, #tpu.memory_space<vmem>>
      %dma_start3A_288 = tpu.memref_squeeze %dma_start3A_287 : memref<1x128x16xf32, #tpu.memory_space<vmem>> -> memref<128x16xf32, #tpu.memory_space<vmem>>
      %dma_start3A_289 = arith.constant 0 : i32
      %dma_start3A_290 = tpu.memref_slice %arg8[%add3A_268, %dma_start3A_289] : memref<96x128xi32, #tpu.memory_space<vmem>> -> memref<1x128xi32, #tpu.memory_space<vmem>>
      %dma_start3A_291 = tpu.memref_squeeze %dma_start3A_290 : memref<1x128xi32, #tpu.memory_space<vmem>> -> memref<128xi32, #tpu.memory_space<vmem>>
      %dma_start3A_292 = arith.constant 0 : i32
      %dma_start3A_293 = arith.constant 0 : i32
      %dma_start3A_294 = tpu.memref_slice %arg11[%dma_start3A_292, %dma_start3A_293] : memref<10240x16xf32, #tpu.memory_space<vmem_shared>> -> memref<10240x16xf32, #tpu.memory_space<vmem_shared>>
      %dma_start3A_295 = tpu.memref_slice %arg14[%dma_start3A_284] : memref<8x!tpu.dma_semaphore, #tpu.memory_space<semaphore_mem>> -> memref<1x!tpu.dma_semaphore, #tpu.memory_space<semaphore_mem>>
      %dma_start3A_296 = tpu.memref_squeeze %dma_start3A_295 : memref<1x!tpu.dma_semaphore, #tpu.memory_space<semaphore_mem>> -> memref<!tpu.dma_semaphore, #tpu.memory_space<semaphore_mem>>
      tpu.enqueue_indirect_dma source(%dma_start3A_288 : memref<128x16xf32, #tpu.memory_space<vmem>>) target(%dma_start3A_294 : memref<10240x16xf32, #tpu.memory_space<vmem_shared>>) offsets(%dma_start3A_291 : memref<128xi32, #tpu.memory_space<vmem>>) semaphore(%dma_start3A_296 : memref<!tpu.dma_semaphore, #tpu.memory_space<semaphore_mem>>) {add = true}
      %add3A_297 = arith.constant 4 : i32
      %add3A_298 = arith.addi %add3A_268, %add3A_297 : i32
      %lt3A_299 = arith.cmpi slt, %add3A_298, %select_n3A : i32
      %convert_element_type3A_300 = arith.extui %lt3A_299 : i1 to i32
      %cond3A_301 = arith.constant 0 : i32
      %cond3A_302 = arith.cmpi ne, %convert_element_type3A_300, %cond3A_301 : i32
      scf.if %cond3A_302 {
        %ge3A = arith.constant 4 : i32
        %ge3A_556 = arith.cmpi sge, %add3A_268, %ge3A : i32
        %convert_element_type3A_557 = arith.extui %ge3A_556 : i1 to i32
        %cond3A_558 = arith.constant 0 : i32
        %cond3A_559 = arith.cmpi ne, %convert_element_type3A_557, %cond3A_558 : i32
        scf.if %cond3A_559 {
          %sub3A_576 = arith.constant 4 : i32
          %sub3A_577 = arith.subi %add3A_268, %sub3A_576 : i32
          %dma_wait3A_578 = arith.constant 4 : i32
          %dma_wait3A_579 = arith.constant 4 : i32
          %dma_wait3A_580 = arith.constant 0 : i32
          %dma_wait3A_581 = arith.constant 0 : i32
          %dma_wait3A_582 = tpu.memref_slice %arg10[%dma_wait3A_578, %dma_wait3A_580, %dma_wait3A_581] : memref<8x128x16xf32, #tpu.memory_space<vmem>> -> memref<1x128x16xf32, #tpu.memory_space<vmem>>
          %dma_wait3A_583 = tpu.memref_squeeze %dma_wait3A_582 : memref<1x128x16xf32, #tpu.memory_space<vmem>> -> memref<128x16xf32, #tpu.memory_space<vmem>>
          %dma_wait3A_584 = arith.constant 0 : i32
          %dma_wait3A_585 = tpu.memref_slice %arg8[%sub3A_577, %dma_wait3A_584] : memref<96x128xi32, #tpu.memory_space<vmem>> -> memref<1x128xi32, #tpu.memory_space<vmem>>
          %dma_wait3A_586 = tpu.memref_squeeze %dma_wait3A_585 : memref<1x128xi32, #tpu.memory_space<vmem>> -> memref<128xi32, #tpu.memory_space<vmem>>
          %dma_wait3A_587 = arith.constant 0 : i32
          %dma_wait3A_588 = arith.constant 0 : i32
          %dma_wait3A_589 = tpu.memref_slice %arg11[%dma_wait3A_587, %dma_wait3A_588] : memref<10240x16xf32, #tpu.memory_space<vmem_shared>> -> memref<10240x16xf32, #tpu.memory_space<vmem_shared>>
          %dma_wait3A_590 = tpu.memref_slice %arg14[%dma_wait3A_579] : memref<8x!tpu.dma_semaphore, #tpu.memory_space<semaphore_mem>> -> memref<1x!tpu.dma_semaphore, #tpu.memory_space<semaphore_mem>>
          %dma_wait3A_591 = tpu.memref_squeeze %dma_wait3A_590 : memref<1x!tpu.dma_semaphore, #tpu.memory_space<semaphore_mem>> -> memref<!tpu.dma_semaphore, #tpu.memory_space<semaphore_mem>>
          tpu.wait_indirect_dma semaphore(%dma_wait3A_591 : memref<!tpu.dma_semaphore, #tpu.memory_space<semaphore_mem>>) src(%dma_wait3A_583 : memref<128x16xf32, #tpu.memory_space<vmem>>) dst(%dma_wait3A_589 : memref<10240x16xf32, #tpu.memory_space<vmem_shared>>)
        } else {
        }
        %add3A_560 = arith.constant 4 : i32
        %add3A_561 = arith.addi %add3A_268, %add3A_560 : i32
        %dma_start3A_562 = arith.constant 4 : i32
        %dma_start3A_563 = arith.constant 4 : i32
        %dma_start3A_564 = arith.constant 0 : i32
        %dma_start3A_565 = arith.constant 0 : i32
        %dma_start3A_566 = tpu.memref_slice %arg10[%dma_start3A_562, %dma_start3A_564, %dma_start3A_565] : memref<8x128x16xf32, #tpu.memory_space<vmem>> -> memref<1x128x16xf32, #tpu.memory_space<vmem>>
        %dma_start3A_567 = tpu.memref_squeeze %dma_start3A_566 : memref<1x128x16xf32, #tpu.memory_space<vmem>> -> memref<128x16xf32, #tpu.memory_space<vmem>>
        %dma_start3A_568 = arith.constant 0 : i32
        %dma_start3A_569 = tpu.memref_slice %arg9[%add3A_561, %dma_start3A_568] : memref<96x128xi32, #tpu.memory_space<vmem>> -> memref<1x128xi32, #tpu.memory_space<vmem>>
        %dma_start3A_570 = tpu.memref_squeeze %dma_start3A_569 : memref<1x128xi32, #tpu.memory_space<vmem>> -> memref<128xi32, #tpu.memory_space<vmem>>
        %dma_start3A_571 = arith.constant 0 : i32
        %dma_start3A_572 = arith.constant 0 : i32
        %dma_start3A_573 = tpu.memref_slice %arg12[%dma_start3A_571, %dma_start3A_572] : memref<10240x16xf32, #tpu.memory_space<vmem_shared>> -> memref<10240x16xf32, #tpu.memory_space<vmem_shared>>
        %dma_start3A_574 = tpu.memref_slice %arg13[%dma_start3A_563] : memref<8x!tpu.dma_semaphore, #tpu.memory_space<semaphore_mem>> -> memref<1x!tpu.dma_semaphore, #tpu.memory_space<semaphore_mem>>
        %dma_start3A_575 = tpu.memref_squeeze %dma_start3A_574 : memref<1x!tpu.dma_semaphore, #tpu.memory_space<semaphore_mem>> -> memref<!tpu.dma_semaphore, #tpu.memory_space<semaphore_mem>>
        tpu.enqueue_indirect_dma source(%dma_start3A_573 : memref<10240x16xf32, #tpu.memory_space<vmem_shared>>) target(%dma_start3A_567 : memref<128x16xf32, #tpu.memory_space<vmem>>) offsets(%dma_start3A_570 : memref<128xi32, #tpu.memory_space<vmem>>) semaphore(%dma_start3A_575 : memref<!tpu.dma_semaphore, #tpu.memory_space<semaphore_mem>>)
      } else {
      }
      %add3A_303 = arith.constant 1 : i32
      %add3A_304 = arith.addi %mul3A_266, %add3A_303 : i32
      %dma_wait3A_305 = arith.constant 1 : i32
      %dma_wait3A_306 = arith.constant 1 : i32
      %dma_wait3A_307 = arith.constant 0 : i32
      %dma_wait3A_308 = arith.constant 0 : i32
      %dma_wait3A_309 = tpu.memref_slice %arg10[%dma_wait3A_305, %dma_wait3A_307, %dma_wait3A_308] : memref<8x128x16xf32, #tpu.memory_space<vmem>> -> memref<1x128x16xf32, #tpu.memory_space<vmem>>
      %dma_wait3A_310 = tpu.memref_squeeze %dma_wait3A_309 : memref<1x128x16xf32, #tpu.memory_space<vmem>> -> memref<128x16xf32, #tpu.memory_space<vmem>>
      %dma_wait3A_311 = arith.constant 0 : i32
      %dma_wait3A_312 = tpu.memref_slice %arg9[%add3A_304, %dma_wait3A_311] : memref<96x128xi32, #tpu.memory_space<vmem>> -> memref<1x128xi32, #tpu.memory_space<vmem>>
      %dma_wait3A_313 = tpu.memref_squeeze %dma_wait3A_312 : memref<1x128xi32, #tpu.memory_space<vmem>> -> memref<128xi32, #tpu.memory_space<vmem>>
      %dma_wait3A_314 = arith.constant 0 : i32
      %dma_wait3A_315 = arith.constant 0 : i32
      %dma_wait3A_316 = tpu.memref_slice %arg12[%dma_wait3A_314, %dma_wait3A_315] : memref<10240x16xf32, #tpu.memory_space<vmem_shared>> -> memref<10240x16xf32, #tpu.memory_space<vmem_shared>>
      %dma_wait3A_317 = tpu.memref_slice %arg13[%dma_wait3A_306] : memref<8x!tpu.dma_semaphore, #tpu.memory_space<semaphore_mem>> -> memref<1x!tpu.dma_semaphore, #tpu.memory_space<semaphore_mem>>
      %dma_wait3A_318 = tpu.memref_squeeze %dma_wait3A_317 : memref<1x!tpu.dma_semaphore, #tpu.memory_space<semaphore_mem>> -> memref<!tpu.dma_semaphore, #tpu.memory_space<semaphore_mem>>
      tpu.wait_indirect_dma semaphore(%dma_wait3A_318 : memref<!tpu.dma_semaphore, #tpu.memory_space<semaphore_mem>>) src(%dma_wait3A_316 : memref<10240x16xf32, #tpu.memory_space<vmem_shared>>) dst(%dma_wait3A_310 : memref<128x16xf32, #tpu.memory_space<vmem>>)
      %dma_start3A_319 = arith.constant 1 : i32
      %dma_start3A_320 = arith.constant 1 : i32
      %dma_start3A_321 = arith.constant 0 : i32
      %dma_start3A_322 = arith.constant 0 : i32
      %dma_start3A_323 = tpu.memref_slice %arg10[%dma_start3A_319, %dma_start3A_321, %dma_start3A_322] : memref<8x128x16xf32, #tpu.memory_space<vmem>> -> memref<1x128x16xf32, #tpu.memory_space<vmem>>
      %dma_start3A_324 = tpu.memref_squeeze %dma_start3A_323 : memref<1x128x16xf32, #tpu.memory_space<vmem>> -> memref<128x16xf32, #tpu.memory_space<vmem>>
      %dma_start3A_325 = arith.constant 0 : i32
      %dma_start3A_326 = tpu.memref_slice %arg8[%add3A_304, %dma_start3A_325] : memref<96x128xi32, #tpu.memory_space<vmem>> -> memref<1x128xi32, #tpu.memory_space<vmem>>
      %dma_start3A_327 = tpu.memref_squeeze %dma_start3A_326 : memref<1x128xi32, #tpu.memory_space<vmem>> -> memref<128xi32, #tpu.memory_space<vmem>>
      %dma_start3A_328 = arith.constant 0 : i32
      %dma_start3A_329 = arith.constant 0 : i32
      %dma_start3A_330 = tpu.memref_slice %arg11[%dma_start3A_328, %dma_start3A_329] : memref<10240x16xf32, #tpu.memory_space<vmem_shared>> -> memref<10240x16xf32, #tpu.memory_space<vmem_shared>>
      %dma_start3A_331 = tpu.memref_slice %arg14[%dma_start3A_320] : memref<8x!tpu.dma_semaphore, #tpu.memory_space<semaphore_mem>> -> memref<1x!tpu.dma_semaphore, #tpu.memory_space<semaphore_mem>>
      %dma_start3A_332 = tpu.memref_squeeze %dma_start3A_331 : memref<1x!tpu.dma_semaphore, #tpu.memory_space<semaphore_mem>> -> memref<!tpu.dma_semaphore, #tpu.memory_space<semaphore_mem>>
      tpu.enqueue_indirect_dma source(%dma_start3A_324 : memref<128x16xf32, #tpu.memory_space<vmem>>) target(%dma_start3A_330 : memref<10240x16xf32, #tpu.memory_space<vmem_shared>>) offsets(%dma_start3A_327 : memref<128xi32, #tpu.memory_space<vmem>>) semaphore(%dma_start3A_332 : memref<!tpu.dma_semaphore, #tpu.memory_space<semaphore_mem>>) {add = true}
      %add3A_333 = arith.constant 4 : i32
      %add3A_334 = arith.addi %add3A_304, %add3A_333 : i32
      %lt3A_335 = arith.cmpi slt, %add3A_334, %select_n3A : i32
      %convert_element_type3A_336 = arith.extui %lt3A_335 : i1 to i32
      %cond3A_337 = arith.constant 0 : i32
      %cond3A_338 = arith.cmpi ne, %convert_element_type3A_336, %cond3A_337 : i32
      scf.if %cond3A_338 {
        %ge3A = arith.constant 4 : i32
        %ge3A_556 = arith.cmpi sge, %add3A_304, %ge3A : i32
        %convert_element_type3A_557 = arith.extui %ge3A_556 : i1 to i32
        %cond3A_558 = arith.constant 0 : i32
        %cond3A_559 = arith.cmpi ne, %convert_element_type3A_557, %cond3A_558 : i32
        scf.if %cond3A_559 {
          %sub3A_576 = arith.constant 4 : i32
          %sub3A_577 = arith.subi %add3A_304, %sub3A_576 : i32
          %dma_wait3A_578 = arith.constant 5 : i32
          %dma_wait3A_579 = arith.constant 5 : i32
          %dma_wait3A_580 = arith.constant 0 : i32
          %dma_wait3A_581 = arith.constant 0 : i32
          %dma_wait3A_582 = tpu.memref_slice %arg10[%dma_wait3A_578, %dma_wait3A_580, %dma_wait3A_581] : memref<8x128x16xf32, #tpu.memory_space<vmem>> -> memref<1x128x16xf32, #tpu.memory_space<vmem>>
          %dma_wait3A_583 = tpu.memref_squeeze %dma_wait3A_582 : memref<1x128x16xf32, #tpu.memory_space<vmem>> -> memref<128x16xf32, #tpu.memory_space<vmem>>
          %dma_wait3A_584 = arith.constant 0 : i32
          %dma_wait3A_585 = tpu.memref_slice %arg8[%sub3A_577, %dma_wait3A_584] : memref<96x128xi32, #tpu.memory_space<vmem>> -> memref<1x128xi32, #tpu.memory_space<vmem>>
          %dma_wait3A_586 = tpu.memref_squeeze %dma_wait3A_585 : memref<1x128xi32, #tpu.memory_space<vmem>> -> memref<128xi32, #tpu.memory_space<vmem>>
          %dma_wait3A_587 = arith.constant 0 : i32
          %dma_wait3A_588 = arith.constant 0 : i32
          %dma_wait3A_589 = tpu.memref_slice %arg11[%dma_wait3A_587, %dma_wait3A_588] : memref<10240x16xf32, #tpu.memory_space<vmem_shared>> -> memref<10240x16xf32, #tpu.memory_space<vmem_shared>>
          %dma_wait3A_590 = tpu.memref_slice %arg14[%dma_wait3A_579] : memref<8x!tpu.dma_semaphore, #tpu.memory_space<semaphore_mem>> -> memref<1x!tpu.dma_semaphore, #tpu.memory_space<semaphore_mem>>
          %dma_wait3A_591 = tpu.memref_squeeze %dma_wait3A_590 : memref<1x!tpu.dma_semaphore, #tpu.memory_space<semaphore_mem>> -> memref<!tpu.dma_semaphore, #tpu.memory_space<semaphore_mem>>
          tpu.wait_indirect_dma semaphore(%dma_wait3A_591 : memref<!tpu.dma_semaphore, #tpu.memory_space<semaphore_mem>>) src(%dma_wait3A_583 : memref<128x16xf32, #tpu.memory_space<vmem>>) dst(%dma_wait3A_589 : memref<10240x16xf32, #tpu.memory_space<vmem_shared>>)
        } else {
        }
        %add3A_560 = arith.constant 4 : i32
        %add3A_561 = arith.addi %add3A_304, %add3A_560 : i32
        %dma_start3A_562 = arith.constant 5 : i32
        %dma_start3A_563 = arith.constant 5 : i32
        %dma_start3A_564 = arith.constant 0 : i32
        %dma_start3A_565 = arith.constant 0 : i32
        %dma_start3A_566 = tpu.memref_slice %arg10[%dma_start3A_562, %dma_start3A_564, %dma_start3A_565] : memref<8x128x16xf32, #tpu.memory_space<vmem>> -> memref<1x128x16xf32, #tpu.memory_space<vmem>>
        %dma_start3A_567 = tpu.memref_squeeze %dma_start3A_566 : memref<1x128x16xf32, #tpu.memory_space<vmem>> -> memref<128x16xf32, #tpu.memory_space<vmem>>
        %dma_start3A_568 = arith.constant 0 : i32
        %dma_start3A_569 = tpu.memref_slice %arg9[%add3A_561, %dma_start3A_568] : memref<96x128xi32, #tpu.memory_space<vmem>> -> memref<1x128xi32, #tpu.memory_space<vmem>>
        %dma_start3A_570 = tpu.memref_squeeze %dma_start3A_569 : memref<1x128xi32, #tpu.memory_space<vmem>> -> memref<128xi32, #tpu.memory_space<vmem>>
        %dma_start3A_571 = arith.constant 0 : i32
        %dma_start3A_572 = arith.constant 0 : i32
        %dma_start3A_573 = tpu.memref_slice %arg12[%dma_start3A_571, %dma_start3A_572] : memref<10240x16xf32, #tpu.memory_space<vmem_shared>> -> memref<10240x16xf32, #tpu.memory_space<vmem_shared>>
        %dma_start3A_574 = tpu.memref_slice %arg13[%dma_start3A_563] : memref<8x!tpu.dma_semaphore, #tpu.memory_space<semaphore_mem>> -> memref<1x!tpu.dma_semaphore, #tpu.memory_space<semaphore_mem>>
        %dma_start3A_575 = tpu.memref_squeeze %dma_start3A_574 : memref<1x!tpu.dma_semaphore, #tpu.memory_space<semaphore_mem>> -> memref<!tpu.dma_semaphore, #tpu.memory_space<semaphore_mem>>
        tpu.enqueue_indirect_dma source(%dma_start3A_573 : memref<10240x16xf32, #tpu.memory_space<vmem_shared>>) target(%dma_start3A_567 : memref<128x16xf32, #tpu.memory_space<vmem>>) offsets(%dma_start3A_570 : memref<128xi32, #tpu.memory_space<vmem>>) semaphore(%dma_start3A_575 : memref<!tpu.dma_semaphore, #tpu.memory_space<semaphore_mem>>)
      } else {
      }
      %add3A_339 = arith.constant 2 : i32
      %add3A_340 = arith.addi %mul3A_266, %add3A_339 : i32
      %dma_wait3A_341 = arith.constant 2 : i32
      %dma_wait3A_342 = arith.constant 2 : i32
      %dma_wait3A_343 = arith.constant 0 : i32
      %dma_wait3A_344 = arith.constant 0 : i32
      %dma_wait3A_345 = tpu.memref_slice %arg10[%dma_wait3A_341, %dma_wait3A_343, %dma_wait3A_344] : memref<8x128x16xf32, #tpu.memory_space<vmem>> -> memref<1x128x16xf32, #tpu.memory_space<vmem>>
      %dma_wait3A_346 = tpu.memref_squeeze %dma_wait3A_345 : memref<1x128x16xf32, #tpu.memory_space<vmem>> -> memref<128x16xf32, #tpu.memory_space<vmem>>
      %dma_wait3A_347 = arith.constant 0 : i32
      %dma_wait3A_348 = tpu.memref_slice %arg9[%add3A_340, %dma_wait3A_347] : memref<96x128xi32, #tpu.memory_space<vmem>> -> memref<1x128xi32, #tpu.memory_space<vmem>>
      %dma_wait3A_349 = tpu.memref_squeeze %dma_wait3A_348 : memref<1x128xi32, #tpu.memory_space<vmem>> -> memref<128xi32, #tpu.memory_space<vmem>>
      %dma_wait3A_350 = arith.constant 0 : i32
      %dma_wait3A_351 = arith.constant 0 : i32
      %dma_wait3A_352 = tpu.memref_slice %arg12[%dma_wait3A_350, %dma_wait3A_351] : memref<10240x16xf32, #tpu.memory_space<vmem_shared>> -> memref<10240x16xf32, #tpu.memory_space<vmem_shared>>
      %dma_wait3A_353 = tpu.memref_slice %arg13[%dma_wait3A_342] : memref<8x!tpu.dma_semaphore, #tpu.memory_space<semaphore_mem>> -> memref<1x!tpu.dma_semaphore, #tpu.memory_space<semaphore_mem>>
      %dma_wait3A_354 = tpu.memref_squeeze %dma_wait3A_353 : memref<1x!tpu.dma_semaphore, #tpu.memory_space<semaphore_mem>> -> memref<!tpu.dma_semaphore, #tpu.memory_space<semaphore_mem>>
      tpu.wait_indirect_dma semaphore(%dma_wait3A_354 : memref<!tpu.dma_semaphore, #tpu.memory_space<semaphore_mem>>) src(%dma_wait3A_352 : memref<10240x16xf32, #tpu.memory_space<vmem_shared>>) dst(%dma_wait3A_346 : memref<128x16xf32, #tpu.memory_space<vmem>>)
      %dma_start3A_355 = arith.constant 2 : i32
      %dma_start3A_356 = arith.constant 2 : i32
      %dma_start3A_357 = arith.constant 0 : i32
      %dma_start3A_358 = arith.constant 0 : i32
      %dma_start3A_359 = tpu.memref_slice %arg10[%dma_start3A_355, %dma_start3A_357, %dma_start3A_358] : memref<8x128x16xf32, #tpu.memory_space<vmem>> -> memref<1x128x16xf32, #tpu.memory_space<vmem>>
      %dma_start3A_360 = tpu.memref_squeeze %dma_start3A_359 : memref<1x128x16xf32, #tpu.memory_space<vmem>> -> memref<128x16xf32, #tpu.memory_space<vmem>>
      %dma_start3A_361 = arith.constant 0 : i32
      %dma_start3A_362 = tpu.memref_slice %arg8[%add3A_340, %dma_start3A_361] : memref<96x128xi32, #tpu.memory_space<vmem>> -> memref<1x128xi32, #tpu.memory_space<vmem>>
      %dma_start3A_363 = tpu.memref_squeeze %dma_start3A_362 : memref<1x128xi32, #tpu.memory_space<vmem>> -> memref<128xi32, #tpu.memory_space<vmem>>
      %dma_start3A_364 = arith.constant 0 : i32
      %dma_start3A_365 = arith.constant 0 : i32
      %dma_start3A_366 = tpu.memref_slice %arg11[%dma_start3A_364, %dma_start3A_365] : memref<10240x16xf32, #tpu.memory_space<vmem_shared>> -> memref<10240x16xf32, #tpu.memory_space<vmem_shared>>
      %dma_start3A_367 = tpu.memref_slice %arg14[%dma_start3A_356] : memref<8x!tpu.dma_semaphore, #tpu.memory_space<semaphore_mem>> -> memref<1x!tpu.dma_semaphore, #tpu.memory_space<semaphore_mem>>
      %dma_start3A_368 = tpu.memref_squeeze %dma_start3A_367 : memref<1x!tpu.dma_semaphore, #tpu.memory_space<semaphore_mem>> -> memref<!tpu.dma_semaphore, #tpu.memory_space<semaphore_mem>>
      tpu.enqueue_indirect_dma source(%dma_start3A_360 : memref<128x16xf32, #tpu.memory_space<vmem>>) target(%dma_start3A_366 : memref<10240x16xf32, #tpu.memory_space<vmem_shared>>) offsets(%dma_start3A_363 : memref<128xi32, #tpu.memory_space<vmem>>) semaphore(%dma_start3A_368 : memref<!tpu.dma_semaphore, #tpu.memory_space<semaphore_mem>>) {add = true}
      %add3A_369 = arith.constant 4 : i32
      %add3A_370 = arith.addi %add3A_340, %add3A_369 : i32
      %lt3A_371 = arith.cmpi slt, %add3A_370, %select_n3A : i32
      %convert_element_type3A_372 = arith.extui %lt3A_371 : i1 to i32
      %cond3A_373 = arith.constant 0 : i32
      %cond3A_374 = arith.cmpi ne, %convert_element_type3A_372, %cond3A_373 : i32
      scf.if %cond3A_374 {
        %ge3A = arith.constant 4 : i32
        %ge3A_556 = arith.cmpi sge, %add3A_340, %ge3A : i32
        %convert_element_type3A_557 = arith.extui %ge3A_556 : i1 to i32
        %cond3A_558 = arith.constant 0 : i32
        %cond3A_559 = arith.cmpi ne, %convert_element_type3A_557, %cond3A_558 : i32
        scf.if %cond3A_559 {
          %sub3A_576 = arith.constant 4 : i32
          %sub3A_577 = arith.subi %add3A_340, %sub3A_576 : i32
          %dma_wait3A_578 = arith.constant 6 : i32
          %dma_wait3A_579 = arith.constant 6 : i32
          %dma_wait3A_580 = arith.constant 0 : i32
          %dma_wait3A_581 = arith.constant 0 : i32
          %dma_wait3A_582 = tpu.memref_slice %arg10[%dma_wait3A_578, %dma_wait3A_580, %dma_wait3A_581] : memref<8x128x16xf32, #tpu.memory_space<vmem>> -> memref<1x128x16xf32, #tpu.memory_space<vmem>>
          %dma_wait3A_583 = tpu.memref_squeeze %dma_wait3A_582 : memref<1x128x16xf32, #tpu.memory_space<vmem>> -> memref<128x16xf32, #tpu.memory_space<vmem>>
          %dma_wait3A_584 = arith.constant 0 : i32
          %dma_wait3A_585 = tpu.memref_slice %arg8[%sub3A_577, %dma_wait3A_584] : memref<96x128xi32, #tpu.memory_space<vmem>> -> memref<1x128xi32, #tpu.memory_space<vmem>>
          %dma_wait3A_586 = tpu.memref_squeeze %dma_wait3A_585 : memref<1x128xi32, #tpu.memory_space<vmem>> -> memref<128xi32, #tpu.memory_space<vmem>>
          %dma_wait3A_587 = arith.constant 0 : i32
          %dma_wait3A_588 = arith.constant 0 : i32
          %dma_wait3A_589 = tpu.memref_slice %arg11[%dma_wait3A_587, %dma_wait3A_588] : memref<10240x16xf32, #tpu.memory_space<vmem_shared>> -> memref<10240x16xf32, #tpu.memory_space<vmem_shared>>
          %dma_wait3A_590 = tpu.memref_slice %arg14[%dma_wait3A_579] : memref<8x!tpu.dma_semaphore, #tpu.memory_space<semaphore_mem>> -> memref<1x!tpu.dma_semaphore, #tpu.memory_space<semaphore_mem>>
          %dma_wait3A_591 = tpu.memref_squeeze %dma_wait3A_590 : memref<1x!tpu.dma_semaphore, #tpu.memory_space<semaphore_mem>> -> memref<!tpu.dma_semaphore, #tpu.memory_space<semaphore_mem>>
          tpu.wait_indirect_dma semaphore(%dma_wait3A_591 : memref<!tpu.dma_semaphore, #tpu.memory_space<semaphore_mem>>) src(%dma_wait3A_583 : memref<128x16xf32, #tpu.memory_space<vmem>>) dst(%dma_wait3A_589 : memref<10240x16xf32, #tpu.memory_space<vmem_shared>>)
        } else {
        }
        %add3A_560 = arith.constant 4 : i32
        %add3A_561 = arith.addi %add3A_340, %add3A_560 : i32
        %dma_start3A_562 = arith.constant 6 : i32
        %dma_start3A_563 = arith.constant 6 : i32
        %dma_start3A_564 = arith.constant 0 : i32
        %dma_start3A_565 = arith.constant 0 : i32
        %dma_start3A_566 = tpu.memref_slice %arg10[%dma_start3A_562, %dma_start3A_564, %dma_start3A_565] : memref<8x128x16xf32, #tpu.memory_space<vmem>> -> memref<1x128x16xf32, #tpu.memory_space<vmem>>
        %dma_start3A_567 = tpu.memref_squeeze %dma_start3A_566 : memref<1x128x16xf32, #tpu.memory_space<vmem>> -> memref<128x16xf32, #tpu.memory_space<vmem>>
        %dma_start3A_568 = arith.constant 0 : i32
        %dma_start3A_569 = tpu.memref_slice %arg9[%add3A_561, %dma_start3A_568] : memref<96x128xi32, #tpu.memory_space<vmem>> -> memref<1x128xi32, #tpu.memory_space<vmem>>
        %dma_start3A_570 = tpu.memref_squeeze %dma_start3A_569 : memref<1x128xi32, #tpu.memory_space<vmem>> -> memref<128xi32, #tpu.memory_space<vmem>>
        %dma_start3A_571 = arith.constant 0 : i32
        %dma_start3A_572 = arith.constant 0 : i32
        %dma_start3A_573 = tpu.memref_slice %arg12[%dma_start3A_571, %dma_start3A_572] : memref<10240x16xf32, #tpu.memory_space<vmem_shared>> -> memref<10240x16xf32, #tpu.memory_space<vmem_shared>>
        %dma_start3A_574 = tpu.memref_slice %arg13[%dma_start3A_563] : memref<8x!tpu.dma_semaphore, #tpu.memory_space<semaphore_mem>> -> memref<1x!tpu.dma_semaphore, #tpu.memory_space<semaphore_mem>>
        %dma_start3A_575 = tpu.memref_squeeze %dma_start3A_574 : memref<1x!tpu.dma_semaphore, #tpu.memory_space<semaphore_mem>> -> memref<!tpu.dma_semaphore, #tpu.memory_space<semaphore_mem>>
        tpu.enqueue_indirect_dma source(%dma_start3A_573 : memref<10240x16xf32, #tpu.memory_space<vmem_shared>>) target(%dma_start3A_567 : memref<128x16xf32, #tpu.memory_space<vmem>>) offsets(%dma_start3A_570 : memref<128xi32, #tpu.memory_space<vmem>>) semaphore(%dma_start3A_575 : memref<!tpu.dma_semaphore, #tpu.memory_space<semaphore_mem>>)
      } else {
      }
      %add3A_375 = arith.constant 3 : i32
      %add3A_376 = arith.addi %mul3A_266, %add3A_375 : i32
      %dma_wait3A_377 = arith.constant 3 : i32
      %dma_wait3A_378 = arith.constant 3 : i32
      %dma_wait3A_379 = arith.constant 0 : i32
      %dma_wait3A_380 = arith.constant 0 : i32
      %dma_wait3A_381 = tpu.memref_slice %arg10[%dma_wait3A_377, %dma_wait3A_379, %dma_wait3A_380] : memref<8x128x16xf32, #tpu.memory_space<vmem>> -> memref<1x128x16xf32, #tpu.memory_space<vmem>>
      %dma_wait3A_382 = tpu.memref_squeeze %dma_wait3A_381 : memref<1x128x16xf32, #tpu.memory_space<vmem>> -> memref<128x16xf32, #tpu.memory_space<vmem>>
      %dma_wait3A_383 = arith.constant 0 : i32
      %dma_wait3A_384 = tpu.memref_slice %arg9[%add3A_376, %dma_wait3A_383] : memref<96x128xi32, #tpu.memory_space<vmem>> -> memref<1x128xi32, #tpu.memory_space<vmem>>
      %dma_wait3A_385 = tpu.memref_squeeze %dma_wait3A_384 : memref<1x128xi32, #tpu.memory_space<vmem>> -> memref<128xi32, #tpu.memory_space<vmem>>
      %dma_wait3A_386 = arith.constant 0 : i32
      %dma_wait3A_387 = arith.constant 0 : i32
      %dma_wait3A_388 = tpu.memref_slice %arg12[%dma_wait3A_386, %dma_wait3A_387] : memref<10240x16xf32, #tpu.memory_space<vmem_shared>> -> memref<10240x16xf32, #tpu.memory_space<vmem_shared>>
      %dma_wait3A_389 = tpu.memref_slice %arg13[%dma_wait3A_378] : memref<8x!tpu.dma_semaphore, #tpu.memory_space<semaphore_mem>> -> memref<1x!tpu.dma_semaphore, #tpu.memory_space<semaphore_mem>>
      %dma_wait3A_390 = tpu.memref_squeeze %dma_wait3A_389 : memref<1x!tpu.dma_semaphore, #tpu.memory_space<semaphore_mem>> -> memref<!tpu.dma_semaphore, #tpu.memory_space<semaphore_mem>>
      tpu.wait_indirect_dma semaphore(%dma_wait3A_390 : memref<!tpu.dma_semaphore, #tpu.memory_space<semaphore_mem>>) src(%dma_wait3A_388 : memref<10240x16xf32, #tpu.memory_space<vmem_shared>>) dst(%dma_wait3A_382 : memref<128x16xf32, #tpu.memory_space<vmem>>)
      %dma_start3A_391 = arith.constant 3 : i32
      %dma_start3A_392 = arith.constant 3 : i32
      %dma_start3A_393 = arith.constant 0 : i32
      %dma_start3A_394 = arith.constant 0 : i32
      %dma_start3A_395 = tpu.memref_slice %arg10[%dma_start3A_391, %dma_start3A_393, %dma_start3A_394] : memref<8x128x16xf32, #tpu.memory_space<vmem>> -> memref<1x128x16xf32, #tpu.memory_space<vmem>>
      %dma_start3A_396 = tpu.memref_squeeze %dma_start3A_395 : memref<1x128x16xf32, #tpu.memory_space<vmem>> -> memref<128x16xf32, #tpu.memory_space<vmem>>
      %dma_start3A_397 = arith.constant 0 : i32
      %dma_start3A_398 = tpu.memref_slice %arg8[%add3A_376, %dma_start3A_397] : memref<96x128xi32, #tpu.memory_space<vmem>> -> memref<1x128xi32, #tpu.memory_space<vmem>>
      %dma_start3A_399 = tpu.memref_squeeze %dma_start3A_398 : memref<1x128xi32, #tpu.memory_space<vmem>> -> memref<128xi32, #tpu.memory_space<vmem>>
      %dma_start3A_400 = arith.constant 0 : i32
      %dma_start3A_401 = arith.constant 0 : i32
      %dma_start3A_402 = tpu.memref_slice %arg11[%dma_start3A_400, %dma_start3A_401] : memref<10240x16xf32, #tpu.memory_space<vmem_shared>> -> memref<10240x16xf32, #tpu.memory_space<vmem_shared>>
      %dma_start3A_403 = tpu.memref_slice %arg14[%dma_start3A_392] : memref<8x!tpu.dma_semaphore, #tpu.memory_space<semaphore_mem>> -> memref<1x!tpu.dma_semaphore, #tpu.memory_space<semaphore_mem>>
      %dma_start3A_404 = tpu.memref_squeeze %dma_start3A_403 : memref<1x!tpu.dma_semaphore, #tpu.memory_space<semaphore_mem>> -> memref<!tpu.dma_semaphore, #tpu.memory_space<semaphore_mem>>
      tpu.enqueue_indirect_dma source(%dma_start3A_396 : memref<128x16xf32, #tpu.memory_space<vmem>>) target(%dma_start3A_402 : memref<10240x16xf32, #tpu.memory_space<vmem_shared>>) offsets(%dma_start3A_399 : memref<128xi32, #tpu.memory_space<vmem>>) semaphore(%dma_start3A_404 : memref<!tpu.dma_semaphore, #tpu.memory_space<semaphore_mem>>) {add = true}
      %add3A_405 = arith.constant 4 : i32
      %add3A_406 = arith.addi %add3A_376, %add3A_405 : i32
      %lt3A_407 = arith.cmpi slt, %add3A_406, %select_n3A : i32
      %convert_element_type3A_408 = arith.extui %lt3A_407 : i1 to i32
      %cond3A_409 = arith.constant 0 : i32
      %cond3A_410 = arith.cmpi ne, %convert_element_type3A_408, %cond3A_409 : i32
      scf.if %cond3A_410 {
        %ge3A = arith.constant 4 : i32
        %ge3A_556 = arith.cmpi sge, %add3A_376, %ge3A : i32
        %convert_element_type3A_557 = arith.extui %ge3A_556 : i1 to i32
        %cond3A_558 = arith.constant 0 : i32
        %cond3A_559 = arith.cmpi ne, %convert_element_type3A_557, %cond3A_558 : i32
        scf.if %cond3A_559 {
          %sub3A_576 = arith.constant 4 : i32
          %sub3A_577 = arith.subi %add3A_376, %sub3A_576 : i32
          %dma_wait3A_578 = arith.constant 7 : i32
          %dma_wait3A_579 = arith.constant 7 : i32
          %dma_wait3A_580 = arith.constant 0 : i32
          %dma_wait3A_581 = arith.constant 0 : i32
          %dma_wait3A_582 = tpu.memref_slice %arg10[%dma_wait3A_578, %dma_wait3A_580, %dma_wait3A_581] : memref<8x128x16xf32, #tpu.memory_space<vmem>> -> memref<1x128x16xf32, #tpu.memory_space<vmem>>
          %dma_wait3A_583 = tpu.memref_squeeze %dma_wait3A_582 : memref<1x128x16xf32, #tpu.memory_space<vmem>> -> memref<128x16xf32, #tpu.memory_space<vmem>>
          %dma_wait3A_584 = arith.constant 0 : i32
          %dma_wait3A_585 = tpu.memref_slice %arg8[%sub3A_577, %dma_wait3A_584] : memref<96x128xi32, #tpu.memory_space<vmem>> -> memref<1x128xi32, #tpu.memory_space<vmem>>
          %dma_wait3A_586 = tpu.memref_squeeze %dma_wait3A_585 : memref<1x128xi32, #tpu.memory_space<vmem>> -> memref<128xi32, #tpu.memory_space<vmem>>
          %dma_wait3A_587 = arith.constant 0 : i32
          %dma_wait3A_588 = arith.constant 0 : i32
          %dma_wait3A_589 = tpu.memref_slice %arg11[%dma_wait3A_587, %dma_wait3A_588] : memref<10240x16xf32, #tpu.memory_space<vmem_shared>> -> memref<10240x16xf32, #tpu.memory_space<vmem_shared>>
          %dma_wait3A_590 = tpu.memref_slice %arg14[%dma_wait3A_579] : memref<8x!tpu.dma_semaphore, #tpu.memory_space<semaphore_mem>> -> memref<1x!tpu.dma_semaphore, #tpu.memory_space<semaphore_mem>>
          %dma_wait3A_591 = tpu.memref_squeeze %dma_wait3A_590 : memref<1x!tpu.dma_semaphore, #tpu.memory_space<semaphore_mem>> -> memref<!tpu.dma_semaphore, #tpu.memory_space<semaphore_mem>>
          tpu.wait_indirect_dma semaphore(%dma_wait3A_591 : memref<!tpu.dma_semaphore, #tpu.memory_space<semaphore_mem>>) src(%dma_wait3A_583 : memref<128x16xf32, #tpu.memory_space<vmem>>) dst(%dma_wait3A_589 : memref<10240x16xf32, #tpu.memory_space<vmem_shared>>)
        } else {
        }
        %add3A_560 = arith.constant 4 : i32
        %add3A_561 = arith.addi %add3A_376, %add3A_560 : i32
        %dma_start3A_562 = arith.constant 7 : i32
        %dma_start3A_563 = arith.constant 7 : i32
        %dma_start3A_564 = arith.constant 0 : i32
        %dma_start3A_565 = arith.constant 0 : i32
        %dma_start3A_566 = tpu.memref_slice %arg10[%dma_start3A_562, %dma_start3A_564, %dma_start3A_565] : memref<8x128x16xf32, #tpu.memory_space<vmem>> -> memref<1x128x16xf32, #tpu.memory_space<vmem>>
        %dma_start3A_567 = tpu.memref_squeeze %dma_start3A_566 : memref<1x128x16xf32, #tpu.memory_space<vmem>> -> memref<128x16xf32, #tpu.memory_space<vmem>>
        %dma_start3A_568 = arith.constant 0 : i32
        %dma_start3A_569 = tpu.memref_slice %arg9[%add3A_561, %dma_start3A_568] : memref<96x128xi32, #tpu.memory_space<vmem>> -> memref<1x128xi32, #tpu.memory_space<vmem>>
        %dma_start3A_570 = tpu.memref_squeeze %dma_start3A_569 : memref<1x128xi32, #tpu.memory_space<vmem>> -> memref<128xi32, #tpu.memory_space<vmem>>
        %dma_start3A_571 = arith.constant 0 : i32
        %dma_start3A_572 = arith.constant 0 : i32
        %dma_start3A_573 = tpu.memref_slice %arg12[%dma_start3A_571, %dma_start3A_572] : memref<10240x16xf32, #tpu.memory_space<vmem_shared>> -> memref<10240x16xf32, #tpu.memory_space<vmem_shared>>
        %dma_start3A_574 = tpu.memref_slice %arg13[%dma_start3A_563] : memref<8x!tpu.dma_semaphore, #tpu.memory_space<semaphore_mem>> -> memref<1x!tpu.dma_semaphore, #tpu.memory_space<semaphore_mem>>
        %dma_start3A_575 = tpu.memref_squeeze %dma_start3A_574 : memref<1x!tpu.dma_semaphore, #tpu.memory_space<semaphore_mem>> -> memref<!tpu.dma_semaphore, #tpu.memory_space<semaphore_mem>>
        tpu.enqueue_indirect_dma source(%dma_start3A_573 : memref<10240x16xf32, #tpu.memory_space<vmem_shared>>) target(%dma_start3A_567 : memref<128x16xf32, #tpu.memory_space<vmem>>) offsets(%dma_start3A_570 : memref<128xi32, #tpu.memory_space<vmem>>) semaphore(%dma_start3A_575 : memref<!tpu.dma_semaphore, #tpu.memory_space<semaphore_mem>>)
      } else {
      }
      %add3A_411 = arith.constant 4 : i32
      %add3A_412 = arith.addi %mul3A_266, %add3A_411 : i32
      %dma_wait3A_413 = arith.constant 4 : i32
      %dma_wait3A_414 = arith.constant 4 : i32
      %dma_wait3A_415 = arith.constant 0 : i32
      %dma_wait3A_416 = arith.constant 0 : i32
      %dma_wait3A_417 = tpu.memref_slice %arg10[%dma_wait3A_413, %dma_wait3A_415, %dma_wait3A_416] : memref<8x128x16xf32, #tpu.memory_space<vmem>> -> memref<1x128x16xf32, #tpu.memory_space<vmem>>
      %dma_wait3A_418 = tpu.memref_squeeze %dma_wait3A_417 : memref<1x128x16xf32, #tpu.memory_space<vmem>> -> memref<128x16xf32, #tpu.memory_space<vmem>>
      %dma_wait3A_419 = arith.constant 0 : i32
      %dma_wait3A_420 = tpu.memref_slice %arg9[%add3A_412, %dma_wait3A_419] : memref<96x128xi32, #tpu.memory_space<vmem>> -> memref<1x128xi32, #tpu.memory_space<vmem>>
      %dma_wait3A_421 = tpu.memref_squeeze %dma_wait3A_420 : memref<1x128xi32, #tpu.memory_space<vmem>> -> memref<128xi32, #tpu.memory_space<vmem>>
      %dma_wait3A_422 = arith.constant 0 : i32
      %dma_wait3A_423 = arith.constant 0 : i32
      %dma_wait3A_424 = tpu.memref_slice %arg12[%dma_wait3A_422, %dma_wait3A_423] : memref<10240x16xf32, #tpu.memory_space<vmem_shared>> -> memref<10240x16xf32, #tpu.memory_space<vmem_shared>>
      %dma_wait3A_425 = tpu.memref_slice %arg13[%dma_wait3A_414] : memref<8x!tpu.dma_semaphore, #tpu.memory_space<semaphore_mem>> -> memref<1x!tpu.dma_semaphore, #tpu.memory_space<semaphore_mem>>
      %dma_wait3A_426 = tpu.memref_squeeze %dma_wait3A_425 : memref<1x!tpu.dma_semaphore, #tpu.memory_space<semaphore_mem>> -> memref<!tpu.dma_semaphore, #tpu.memory_space<semaphore_mem>>
      tpu.wait_indirect_dma semaphore(%dma_wait3A_426 : memref<!tpu.dma_semaphore, #tpu.memory_space<semaphore_mem>>) src(%dma_wait3A_424 : memref<10240x16xf32, #tpu.memory_space<vmem_shared>>) dst(%dma_wait3A_418 : memref<128x16xf32, #tpu.memory_space<vmem>>)
      %dma_start3A_427 = arith.constant 4 : i32
      %dma_start3A_428 = arith.constant 4 : i32
      %dma_start3A_429 = arith.constant 0 : i32
      %dma_start3A_430 = arith.constant 0 : i32
      %dma_start3A_431 = tpu.memref_slice %arg10[%dma_start3A_427, %dma_start3A_429, %dma_start3A_430] : memref<8x128x16xf32, #tpu.memory_space<vmem>> -> memref<1x128x16xf32, #tpu.memory_space<vmem>>
      %dma_start3A_432 = tpu.memref_squeeze %dma_start3A_431 : memref<1x128x16xf32, #tpu.memory_space<vmem>> -> memref<128x16xf32, #tpu.memory_space<vmem>>
      %dma_start3A_433 = arith.constant 0 : i32
      %dma_start3A_434 = tpu.memref_slice %arg8[%add3A_412, %dma_start3A_433] : memref<96x128xi32, #tpu.memory_space<vmem>> -> memref<1x128xi32, #tpu.memory_space<vmem>>
      %dma_start3A_435 = tpu.memref_squeeze %dma_start3A_434 : memref<1x128xi32, #tpu.memory_space<vmem>> -> memref<128xi32, #tpu.memory_space<vmem>>
      %dma_start3A_436 = arith.constant 0 : i32
      %dma_start3A_437 = arith.constant 0 : i32
      %dma_start3A_438 = tpu.memref_slice %arg11[%dma_start3A_436, %dma_start3A_437] : memref<10240x16xf32, #tpu.memory_space<vmem_shared>> -> memref<10240x16xf32, #tpu.memory_space<vmem_shared>>
      %dma_start3A_439 = tpu.memref_slice %arg14[%dma_start3A_428] : memref<8x!tpu.dma_semaphore, #tpu.memory_space<semaphore_mem>> -> memref<1x!tpu.dma_semaphore, #tpu.memory_space<semaphore_mem>>
      %dma_start3A_440 = tpu.memref_squeeze %dma_start3A_439 : memref<1x!tpu.dma_semaphore, #tpu.memory_space<semaphore_mem>> -> memref<!tpu.dma_semaphore, #tpu.memory_space<semaphore_mem>>
      tpu.enqueue_indirect_dma source(%dma_start3A_432 : memref<128x16xf32, #tpu.memory_space<vmem>>) target(%dma_start3A_438 : memref<10240x16xf32, #tpu.memory_space<vmem_shared>>) offsets(%dma_start3A_435 : memref<128xi32, #tpu.memory_space<vmem>>) semaphore(%dma_start3A_440 : memref<!tpu.dma_semaphore, #tpu.memory_space<semaphore_mem>>) {add = true}
      %add3A_441 = arith.constant 4 : i32
      %add3A_442 = arith.addi %add3A_412, %add3A_441 : i32
      %lt3A_443 = arith.cmpi slt, %add3A_442, %select_n3A : i32
      %convert_element_type3A_444 = arith.extui %lt3A_443 : i1 to i32
      %cond3A_445 = arith.constant 0 : i32
      %cond3A_446 = arith.cmpi ne, %convert_element_type3A_444, %cond3A_445 : i32
      scf.if %cond3A_446 {
        %ge3A = arith.constant 4 : i32
        %ge3A_556 = arith.cmpi sge, %add3A_412, %ge3A : i32
        %convert_element_type3A_557 = arith.extui %ge3A_556 : i1 to i32
        %cond3A_558 = arith.constant 0 : i32
        %cond3A_559 = arith.cmpi ne, %convert_element_type3A_557, %cond3A_558 : i32
        scf.if %cond3A_559 {
          %sub3A_576 = arith.constant 4 : i32
          %sub3A_577 = arith.subi %add3A_412, %sub3A_576 : i32
          %dma_wait3A_578 = arith.constant 0 : i32
          %dma_wait3A_579 = arith.constant 0 : i32
          %dma_wait3A_580 = arith.constant 0 : i32
          %dma_wait3A_581 = arith.constant 0 : i32
          %dma_wait3A_582 = tpu.memref_slice %arg10[%dma_wait3A_578, %dma_wait3A_580, %dma_wait3A_581] : memref<8x128x16xf32, #tpu.memory_space<vmem>> -> memref<1x128x16xf32, #tpu.memory_space<vmem>>
          %dma_wait3A_583 = tpu.memref_squeeze %dma_wait3A_582 : memref<1x128x16xf32, #tpu.memory_space<vmem>> -> memref<128x16xf32, #tpu.memory_space<vmem>>
          %dma_wait3A_584 = arith.constant 0 : i32
          %dma_wait3A_585 = tpu.memref_slice %arg8[%sub3A_577, %dma_wait3A_584] : memref<96x128xi32, #tpu.memory_space<vmem>> -> memref<1x128xi32, #tpu.memory_space<vmem>>
          %dma_wait3A_586 = tpu.memref_squeeze %dma_wait3A_585 : memref<1x128xi32, #tpu.memory_space<vmem>> -> memref<128xi32, #tpu.memory_space<vmem>>
          %dma_wait3A_587 = arith.constant 0 : i32
          %dma_wait3A_588 = arith.constant 0 : i32
          %dma_wait3A_589 = tpu.memref_slice %arg11[%dma_wait3A_587, %dma_wait3A_588] : memref<10240x16xf32, #tpu.memory_space<vmem_shared>> -> memref<10240x16xf32, #tpu.memory_space<vmem_shared>>
          %dma_wait3A_590 = tpu.memref_slice %arg14[%dma_wait3A_579] : memref<8x!tpu.dma_semaphore, #tpu.memory_space<semaphore_mem>> -> memref<1x!tpu.dma_semaphore, #tpu.memory_space<semaphore_mem>>
          %dma_wait3A_591 = tpu.memref_squeeze %dma_wait3A_590 : memref<1x!tpu.dma_semaphore, #tpu.memory_space<semaphore_mem>> -> memref<!tpu.dma_semaphore, #tpu.memory_space<semaphore_mem>>
          tpu.wait_indirect_dma semaphore(%dma_wait3A_591 : memref<!tpu.dma_semaphore, #tpu.memory_space<semaphore_mem>>) src(%dma_wait3A_583 : memref<128x16xf32, #tpu.memory_space<vmem>>) dst(%dma_wait3A_589 : memref<10240x16xf32, #tpu.memory_space<vmem_shared>>)
        } else {
        }
        %add3A_560 = arith.constant 4 : i32
        %add3A_561 = arith.addi %add3A_412, %add3A_560 : i32
        %dma_start3A_562 = arith.constant 0 : i32
        %dma_start3A_563 = arith.constant 0 : i32
        %dma_start3A_564 = arith.constant 0 : i32
        %dma_start3A_565 = arith.constant 0 : i32
        %dma_start3A_566 = tpu.memref_slice %arg10[%dma_start3A_562, %dma_start3A_564, %dma_start3A_565] : memref<8x128x16xf32, #tpu.memory_space<vmem>> -> memref<1x128x16xf32, #tpu.memory_space<vmem>>
        %dma_start3A_567 = tpu.memref_squeeze %dma_start3A_566 : memref<1x128x16xf32, #tpu.memory_space<vmem>> -> memref<128x16xf32, #tpu.memory_space<vmem>>
        %dma_start3A_568 = arith.constant 0 : i32
        %dma_start3A_569 = tpu.memref_slice %arg9[%add3A_561, %dma_start3A_568] : memref<96x128xi32, #tpu.memory_space<vmem>> -> memref<1x128xi32, #tpu.memory_space<vmem>>
        %dma_start3A_570 = tpu.memref_squeeze %dma_start3A_569 : memref<1x128xi32, #tpu.memory_space<vmem>> -> memref<128xi32, #tpu.memory_space<vmem>>
        %dma_start3A_571 = arith.constant 0 : i32
        %dma_start3A_572 = arith.constant 0 : i32
        %dma_start3A_573 = tpu.memref_slice %arg12[%dma_start3A_571, %dma_start3A_572] : memref<10240x16xf32, #tpu.memory_space<vmem_shared>> -> memref<10240x16xf32, #tpu.memory_space<vmem_shared>>
        %dma_start3A_574 = tpu.memref_slice %arg13[%dma_start3A_563] : memref<8x!tpu.dma_semaphore, #tpu.memory_space<semaphore_mem>> -> memref<1x!tpu.dma_semaphore, #tpu.memory_space<semaphore_mem>>
        %dma_start3A_575 = tpu.memref_squeeze %dma_start3A_574 : memref<1x!tpu.dma_semaphore, #tpu.memory_space<semaphore_mem>> -> memref<!tpu.dma_semaphore, #tpu.memory_space<semaphore_mem>>
        tpu.enqueue_indirect_dma source(%dma_start3A_573 : memref<10240x16xf32, #tpu.memory_space<vmem_shared>>) target(%dma_start3A_567 : memref<128x16xf32, #tpu.memory_space<vmem>>) offsets(%dma_start3A_570 : memref<128xi32, #tpu.memory_space<vmem>>) semaphore(%dma_start3A_575 : memref<!tpu.dma_semaphore, #tpu.memory_space<semaphore_mem>>)
      } else {
      }
      %add3A_447 = arith.constant 5 : i32
      %add3A_448 = arith.addi %mul3A_266, %add3A_447 : i32
      %dma_wait3A_449 = arith.constant 5 : i32
      %dma_wait3A_450 = arith.constant 5 : i32
      %dma_wait3A_451 = arith.constant 0 : i32
      %dma_wait3A_452 = arith.constant 0 : i32
      %dma_wait3A_453 = tpu.memref_slice %arg10[%dma_wait3A_449, %dma_wait3A_451, %dma_wait3A_452] : memref<8x128x16xf32, #tpu.memory_space<vmem>> -> memref<1x128x16xf32, #tpu.memory_space<vmem>>
      %dma_wait3A_454 = tpu.memref_squeeze %dma_wait3A_453 : memref<1x128x16xf32, #tpu.memory_space<vmem>> -> memref<128x16xf32, #tpu.memory_space<vmem>>
      %dma_wait3A_455 = arith.constant 0 : i32
      %dma_wait3A_456 = tpu.memref_slice %arg9[%add3A_448, %dma_wait3A_455] : memref<96x128xi32, #tpu.memory_space<vmem>> -> memref<1x128xi32, #tpu.memory_space<vmem>>
      %dma_wait3A_457 = tpu.memref_squeeze %dma_wait3A_456 : memref<1x128xi32, #tpu.memory_space<vmem>> -> memref<128xi32, #tpu.memory_space<vmem>>
      %dma_wait3A_458 = arith.constant 0 : i32
      %dma_wait3A_459 = arith.constant 0 : i32
      %dma_wait3A_460 = tpu.memref_slice %arg12[%dma_wait3A_458, %dma_wait3A_459] : memref<10240x16xf32, #tpu.memory_space<vmem_shared>> -> memref<10240x16xf32, #tpu.memory_space<vmem_shared>>
      %dma_wait3A_461 = tpu.memref_slice %arg13[%dma_wait3A_450] : memref<8x!tpu.dma_semaphore, #tpu.memory_space<semaphore_mem>> -> memref<1x!tpu.dma_semaphore, #tpu.memory_space<semaphore_mem>>
      %dma_wait3A_462 = tpu.memref_squeeze %dma_wait3A_461 : memref<1x!tpu.dma_semaphore, #tpu.memory_space<semaphore_mem>> -> memref<!tpu.dma_semaphore, #tpu.memory_space<semaphore_mem>>
      tpu.wait_indirect_dma semaphore(%dma_wait3A_462 : memref<!tpu.dma_semaphore, #tpu.memory_space<semaphore_mem>>) src(%dma_wait3A_460 : memref<10240x16xf32, #tpu.memory_space<vmem_shared>>) dst(%dma_wait3A_454 : memref<128x16xf32, #tpu.memory_space<vmem>>)
      %dma_start3A_463 = arith.constant 5 : i32
      %dma_start3A_464 = arith.constant 5 : i32
      %dma_start3A_465 = arith.constant 0 : i32
      %dma_start3A_466 = arith.constant 0 : i32
      %dma_start3A_467 = tpu.memref_slice %arg10[%dma_start3A_463, %dma_start3A_465, %dma_start3A_466] : memref<8x128x16xf32, #tpu.memory_space<vmem>> -> memref<1x128x16xf32, #tpu.memory_space<vmem>>
      %dma_start3A_468 = tpu.memref_squeeze %dma_start3A_467 : memref<1x128x16xf32, #tpu.memory_space<vmem>> -> memref<128x16xf32, #tpu.memory_space<vmem>>
      %dma_start3A_469 = arith.constant 0 : i32
      %dma_start3A_470 = tpu.memref_slice %arg8[%add3A_448, %dma_start3A_469] : memref<96x128xi32, #tpu.memory_space<vmem>> -> memref<1x128xi32, #tpu.memory_space<vmem>>
      %dma_start3A_471 = tpu.memref_squeeze %dma_start3A_470 : memref<1x128xi32, #tpu.memory_space<vmem>> -> memref<128xi32, #tpu.memory_space<vmem>>
      %dma_start3A_472 = arith.constant 0 : i32
      %dma_start3A_473 = arith.constant 0 : i32
      %dma_start3A_474 = tpu.memref_slice %arg11[%dma_start3A_472, %dma_start3A_473] : memref<10240x16xf32, #tpu.memory_space<vmem_shared>> -> memref<10240x16xf32, #tpu.memory_space<vmem_shared>>
      %dma_start3A_475 = tpu.memref_slice %arg14[%dma_start3A_464] : memref<8x!tpu.dma_semaphore, #tpu.memory_space<semaphore_mem>> -> memref<1x!tpu.dma_semaphore, #tpu.memory_space<semaphore_mem>>
      %dma_start3A_476 = tpu.memref_squeeze %dma_start3A_475 : memref<1x!tpu.dma_semaphore, #tpu.memory_space<semaphore_mem>> -> memref<!tpu.dma_semaphore, #tpu.memory_space<semaphore_mem>>
      tpu.enqueue_indirect_dma source(%dma_start3A_468 : memref<128x16xf32, #tpu.memory_space<vmem>>) target(%dma_start3A_474 : memref<10240x16xf32, #tpu.memory_space<vmem_shared>>) offsets(%dma_start3A_471 : memref<128xi32, #tpu.memory_space<vmem>>) semaphore(%dma_start3A_476 : memref<!tpu.dma_semaphore, #tpu.memory_space<semaphore_mem>>) {add = true}
      %add3A_477 = arith.constant 4 : i32
      %add3A_478 = arith.addi %add3A_448, %add3A_477 : i32
      %lt3A_479 = arith.cmpi slt, %add3A_478, %select_n3A : i32
      %convert_element_type3A_480 = arith.extui %lt3A_479 : i1 to i32
      %cond3A_481 = arith.constant 0 : i32
      %cond3A_482 = arith.cmpi ne, %convert_element_type3A_480, %cond3A_481 : i32
      scf.if %cond3A_482 {
        %ge3A = arith.constant 4 : i32
        %ge3A_556 = arith.cmpi sge, %add3A_448, %ge3A : i32
        %convert_element_type3A_557 = arith.extui %ge3A_556 : i1 to i32
        %cond3A_558 = arith.constant 0 : i32
        %cond3A_559 = arith.cmpi ne, %convert_element_type3A_557, %cond3A_558 : i32
        scf.if %cond3A_559 {
          %sub3A_576 = arith.constant 4 : i32
          %sub3A_577 = arith.subi %add3A_448, %sub3A_576 : i32
          %dma_wait3A_578 = arith.constant 1 : i32
          %dma_wait3A_579 = arith.constant 1 : i32
          %dma_wait3A_580 = arith.constant 0 : i32
          %dma_wait3A_581 = arith.constant 0 : i32
          %dma_wait3A_582 = tpu.memref_slice %arg10[%dma_wait3A_578, %dma_wait3A_580, %dma_wait3A_581] : memref<8x128x16xf32, #tpu.memory_space<vmem>> -> memref<1x128x16xf32, #tpu.memory_space<vmem>>
          %dma_wait3A_583 = tpu.memref_squeeze %dma_wait3A_582 : memref<1x128x16xf32, #tpu.memory_space<vmem>> -> memref<128x16xf32, #tpu.memory_space<vmem>>
          %dma_wait3A_584 = arith.constant 0 : i32
          %dma_wait3A_585 = tpu.memref_slice %arg8[%sub3A_577, %dma_wait3A_584] : memref<96x128xi32, #tpu.memory_space<vmem>> -> memref<1x128xi32, #tpu.memory_space<vmem>>
          %dma_wait3A_586 = tpu.memref_squeeze %dma_wait3A_585 : memref<1x128xi32, #tpu.memory_space<vmem>> -> memref<128xi32, #tpu.memory_space<vmem>>
          %dma_wait3A_587 = arith.constant 0 : i32
          %dma_wait3A_588 = arith.constant 0 : i32
          %dma_wait3A_589 = tpu.memref_slice %arg11[%dma_wait3A_587, %dma_wait3A_588] : memref<10240x16xf32, #tpu.memory_space<vmem_shared>> -> memref<10240x16xf32, #tpu.memory_space<vmem_shared>>
          %dma_wait3A_590 = tpu.memref_slice %arg14[%dma_wait3A_579] : memref<8x!tpu.dma_semaphore, #tpu.memory_space<semaphore_mem>> -> memref<1x!tpu.dma_semaphore, #tpu.memory_space<semaphore_mem>>
          %dma_wait3A_591 = tpu.memref_squeeze %dma_wait3A_590 : memref<1x!tpu.dma_semaphore, #tpu.memory_space<semaphore_mem>> -> memref<!tpu.dma_semaphore, #tpu.memory_space<semaphore_mem>>
          tpu.wait_indirect_dma semaphore(%dma_wait3A_591 : memref<!tpu.dma_semaphore, #tpu.memory_space<semaphore_mem>>) src(%dma_wait3A_583 : memref<128x16xf32, #tpu.memory_space<vmem>>) dst(%dma_wait3A_589 : memref<10240x16xf32, #tpu.memory_space<vmem_shared>>)
        } else {
        }
        %add3A_560 = arith.constant 4 : i32
        %add3A_561 = arith.addi %add3A_448, %add3A_560 : i32
        %dma_start3A_562 = arith.constant 1 : i32
        %dma_start3A_563 = arith.constant 1 : i32
        %dma_start3A_564 = arith.constant 0 : i32
        %dma_start3A_565 = arith.constant 0 : i32
        %dma_start3A_566 = tpu.memref_slice %arg10[%dma_start3A_562, %dma_start3A_564, %dma_start3A_565] : memref<8x128x16xf32, #tpu.memory_space<vmem>> -> memref<1x128x16xf32, #tpu.memory_space<vmem>>
        %dma_start3A_567 = tpu.memref_squeeze %dma_start3A_566 : memref<1x128x16xf32, #tpu.memory_space<vmem>> -> memref<128x16xf32, #tpu.memory_space<vmem>>
        %dma_start3A_568 = arith.constant 0 : i32
        %dma_start3A_569 = tpu.memref_slice %arg9[%add3A_561, %dma_start3A_568] : memref<96x128xi32, #tpu.memory_space<vmem>> -> memref<1x128xi32, #tpu.memory_space<vmem>>
        %dma_start3A_570 = tpu.memref_squeeze %dma_start3A_569 : memref<1x128xi32, #tpu.memory_space<vmem>> -> memref<128xi32, #tpu.memory_space<vmem>>
        %dma_start3A_571 = arith.constant 0 : i32
        %dma_start3A_572 = arith.constant 0 : i32
        %dma_start3A_573 = tpu.memref_slice %arg12[%dma_start3A_571, %dma_start3A_572] : memref<10240x16xf32, #tpu.memory_space<vmem_shared>> -> memref<10240x16xf32, #tpu.memory_space<vmem_shared>>
        %dma_start3A_574 = tpu.memref_slice %arg13[%dma_start3A_563] : memref<8x!tpu.dma_semaphore, #tpu.memory_space<semaphore_mem>> -> memref<1x!tpu.dma_semaphore, #tpu.memory_space<semaphore_mem>>
        %dma_start3A_575 = tpu.memref_squeeze %dma_start3A_574 : memref<1x!tpu.dma_semaphore, #tpu.memory_space<semaphore_mem>> -> memref<!tpu.dma_semaphore, #tpu.memory_space<semaphore_mem>>
        tpu.enqueue_indirect_dma source(%dma_start3A_573 : memref<10240x16xf32, #tpu.memory_space<vmem_shared>>) target(%dma_start3A_567 : memref<128x16xf32, #tpu.memory_space<vmem>>) offsets(%dma_start3A_570 : memref<128xi32, #tpu.memory_space<vmem>>) semaphore(%dma_start3A_575 : memref<!tpu.dma_semaphore, #tpu.memory_space<semaphore_mem>>)
      } else {
      }
      %add3A_483 = arith.constant 6 : i32
      %add3A_484 = arith.addi %mul3A_266, %add3A_483 : i32
      %dma_wait3A_485 = arith.constant 6 : i32
      %dma_wait3A_486 = arith.constant 6 : i32
      %dma_wait3A_487 = arith.constant 0 : i32
      %dma_wait3A_488 = arith.constant 0 : i32
      %dma_wait3A_489 = tpu.memref_slice %arg10[%dma_wait3A_485, %dma_wait3A_487, %dma_wait3A_488] : memref<8x128x16xf32, #tpu.memory_space<vmem>> -> memref<1x128x16xf32, #tpu.memory_space<vmem>>
      %dma_wait3A_490 = tpu.memref_squeeze %dma_wait3A_489 : memref<1x128x16xf32, #tpu.memory_space<vmem>> -> memref<128x16xf32, #tpu.memory_space<vmem>>
      %dma_wait3A_491 = arith.constant 0 : i32
      %dma_wait3A_492 = tpu.memref_slice %arg9[%add3A_484, %dma_wait3A_491] : memref<96x128xi32, #tpu.memory_space<vmem>> -> memref<1x128xi32, #tpu.memory_space<vmem>>
      %dma_wait3A_493 = tpu.memref_squeeze %dma_wait3A_492 : memref<1x128xi32, #tpu.memory_space<vmem>> -> memref<128xi32, #tpu.memory_space<vmem>>
      %dma_wait3A_494 = arith.constant 0 : i32
      %dma_wait3A_495 = arith.constant 0 : i32
      %dma_wait3A_496 = tpu.memref_slice %arg12[%dma_wait3A_494, %dma_wait3A_495] : memref<10240x16xf32, #tpu.memory_space<vmem_shared>> -> memref<10240x16xf32, #tpu.memory_space<vmem_shared>>
      %dma_wait3A_497 = tpu.memref_slice %arg13[%dma_wait3A_486] : memref<8x!tpu.dma_semaphore, #tpu.memory_space<semaphore_mem>> -> memref<1x!tpu.dma_semaphore, #tpu.memory_space<semaphore_mem>>
      %dma_wait3A_498 = tpu.memref_squeeze %dma_wait3A_497 : memref<1x!tpu.dma_semaphore, #tpu.memory_space<semaphore_mem>> -> memref<!tpu.dma_semaphore, #tpu.memory_space<semaphore_mem>>
      tpu.wait_indirect_dma semaphore(%dma_wait3A_498 : memref<!tpu.dma_semaphore, #tpu.memory_space<semaphore_mem>>) src(%dma_wait3A_496 : memref<10240x16xf32, #tpu.memory_space<vmem_shared>>) dst(%dma_wait3A_490 : memref<128x16xf32, #tpu.memory_space<vmem>>)
      %dma_start3A_499 = arith.constant 6 : i32
      %dma_start3A_500 = arith.constant 6 : i32
      %dma_start3A_501 = arith.constant 0 : i32
      %dma_start3A_502 = arith.constant 0 : i32
      %dma_start3A_503 = tpu.memref_slice %arg10[%dma_start3A_499, %dma_start3A_501, %dma_start3A_502] : memref<8x128x16xf32, #tpu.memory_space<vmem>> -> memref<1x128x16xf32, #tpu.memory_space<vmem>>
      %dma_start3A_504 = tpu.memref_squeeze %dma_start3A_503 : memref<1x128x16xf32, #tpu.memory_space<vmem>> -> memref<128x16xf32, #tpu.memory_space<vmem>>
      %dma_start3A_505 = arith.constant 0 : i32
      %dma_start3A_506 = tpu.memref_slice %arg8[%add3A_484, %dma_start3A_505] : memref<96x128xi32, #tpu.memory_space<vmem>> -> memref<1x128xi32, #tpu.memory_space<vmem>>
      %dma_start3A_507 = tpu.memref_squeeze %dma_start3A_506 : memref<1x128xi32, #tpu.memory_space<vmem>> -> memref<128xi32, #tpu.memory_space<vmem>>
      %dma_start3A_508 = arith.constant 0 : i32
      %dma_start3A_509 = arith.constant 0 : i32
      %dma_start3A_510 = tpu.memref_slice %arg11[%dma_start3A_508, %dma_start3A_509] : memref<10240x16xf32, #tpu.memory_space<vmem_shared>> -> memref<10240x16xf32, #tpu.memory_space<vmem_shared>>
      %dma_start3A_511 = tpu.memref_slice %arg14[%dma_start3A_500] : memref<8x!tpu.dma_semaphore, #tpu.memory_space<semaphore_mem>> -> memref<1x!tpu.dma_semaphore, #tpu.memory_space<semaphore_mem>>
      %dma_start3A_512 = tpu.memref_squeeze %dma_start3A_511 : memref<1x!tpu.dma_semaphore, #tpu.memory_space<semaphore_mem>> -> memref<!tpu.dma_semaphore, #tpu.memory_space<semaphore_mem>>
      tpu.enqueue_indirect_dma source(%dma_start3A_504 : memref<128x16xf32, #tpu.memory_space<vmem>>) target(%dma_start3A_510 : memref<10240x16xf32, #tpu.memory_space<vmem_shared>>) offsets(%dma_start3A_507 : memref<128xi32, #tpu.memory_space<vmem>>) semaphore(%dma_start3A_512 : memref<!tpu.dma_semaphore, #tpu.memory_space<semaphore_mem>>) {add = true}
      %add3A_513 = arith.constant 4 : i32
      %add3A_514 = arith.addi %add3A_484, %add3A_513 : i32
      %lt3A_515 = arith.cmpi slt, %add3A_514, %select_n3A : i32
      %convert_element_type3A_516 = arith.extui %lt3A_515 : i1 to i32
      %cond3A_517 = arith.constant 0 : i32
      %cond3A_518 = arith.cmpi ne, %convert_element_type3A_516, %cond3A_517 : i32
      scf.if %cond3A_518 {
        %ge3A = arith.constant 4 : i32
        %ge3A_556 = arith.cmpi sge, %add3A_484, %ge3A : i32
        %convert_element_type3A_557 = arith.extui %ge3A_556 : i1 to i32
        %cond3A_558 = arith.constant 0 : i32
        %cond3A_559 = arith.cmpi ne, %convert_element_type3A_557, %cond3A_558 : i32
        scf.if %cond3A_559 {
          %sub3A_576 = arith.constant 4 : i32
          %sub3A_577 = arith.subi %add3A_484, %sub3A_576 : i32
          %dma_wait3A_578 = arith.constant 2 : i32
          %dma_wait3A_579 = arith.constant 2 : i32
          %dma_wait3A_580 = arith.constant 0 : i32
          %dma_wait3A_581 = arith.constant 0 : i32
          %dma_wait3A_582 = tpu.memref_slice %arg10[%dma_wait3A_578, %dma_wait3A_580, %dma_wait3A_581] : memref<8x128x16xf32, #tpu.memory_space<vmem>> -> memref<1x128x16xf32, #tpu.memory_space<vmem>>
          %dma_wait3A_583 = tpu.memref_squeeze %dma_wait3A_582 : memref<1x128x16xf32, #tpu.memory_space<vmem>> -> memref<128x16xf32, #tpu.memory_space<vmem>>
          %dma_wait3A_584 = arith.constant 0 : i32
          %dma_wait3A_585 = tpu.memref_slice %arg8[%sub3A_577, %dma_wait3A_584] : memref<96x128xi32, #tpu.memory_space<vmem>> -> memref<1x128xi32, #tpu.memory_space<vmem>>
          %dma_wait3A_586 = tpu.memref_squeeze %dma_wait3A_585 : memref<1x128xi32, #tpu.memory_space<vmem>> -> memref<128xi32, #tpu.memory_space<vmem>>
          %dma_wait3A_587 = arith.constant 0 : i32
          %dma_wait3A_588 = arith.constant 0 : i32
          %dma_wait3A_589 = tpu.memref_slice %arg11[%dma_wait3A_587, %dma_wait3A_588] : memref<10240x16xf32, #tpu.memory_space<vmem_shared>> -> memref<10240x16xf32, #tpu.memory_space<vmem_shared>>
          %dma_wait3A_590 = tpu.memref_slice %arg14[%dma_wait3A_579] : memref<8x!tpu.dma_semaphore, #tpu.memory_space<semaphore_mem>> -> memref<1x!tpu.dma_semaphore, #tpu.memory_space<semaphore_mem>>
          %dma_wait3A_591 = tpu.memref_squeeze %dma_wait3A_590 : memref<1x!tpu.dma_semaphore, #tpu.memory_space<semaphore_mem>> -> memref<!tpu.dma_semaphore, #tpu.memory_space<semaphore_mem>>
          tpu.wait_indirect_dma semaphore(%dma_wait3A_591 : memref<!tpu.dma_semaphore, #tpu.memory_space<semaphore_mem>>) src(%dma_wait3A_583 : memref<128x16xf32, #tpu.memory_space<vmem>>) dst(%dma_wait3A_589 : memref<10240x16xf32, #tpu.memory_space<vmem_shared>>)
        } else {
        }
        %add3A_560 = arith.constant 4 : i32
        %add3A_561 = arith.addi %add3A_484, %add3A_560 : i32
        %dma_start3A_562 = arith.constant 2 : i32
        %dma_start3A_563 = arith.constant 2 : i32
        %dma_start3A_564 = arith.constant 0 : i32
        %dma_start3A_565 = arith.constant 0 : i32
        %dma_start3A_566 = tpu.memref_slice %arg10[%dma_start3A_562, %dma_start3A_564, %dma_start3A_565] : memref<8x128x16xf32, #tpu.memory_space<vmem>> -> memref<1x128x16xf32, #tpu.memory_space<vmem>>
        %dma_start3A_567 = tpu.memref_squeeze %dma_start3A_566 : memref<1x128x16xf32, #tpu.memory_space<vmem>> -> memref<128x16xf32, #tpu.memory_space<vmem>>
        %dma_start3A_568 = arith.constant 0 : i32
        %dma_start3A_569 = tpu.memref_slice %arg9[%add3A_561, %dma_start3A_568] : memref<96x128xi32, #tpu.memory_space<vmem>> -> memref<1x128xi32, #tpu.memory_space<vmem>>
        %dma_start3A_570 = tpu.memref_squeeze %dma_start3A_569 : memref<1x128xi32, #tpu.memory_space<vmem>> -> memref<128xi32, #tpu.memory_space<vmem>>
        %dma_start3A_571 = arith.constant 0 : i32
        %dma_start3A_572 = arith.constant 0 : i32
        %dma_start3A_573 = tpu.memref_slice %arg12[%dma_start3A_571, %dma_start3A_572] : memref<10240x16xf32, #tpu.memory_space<vmem_shared>> -> memref<10240x16xf32, #tpu.memory_space<vmem_shared>>
        %dma_start3A_574 = tpu.memref_slice %arg13[%dma_start3A_563] : memref<8x!tpu.dma_semaphore, #tpu.memory_space<semaphore_mem>> -> memref<1x!tpu.dma_semaphore, #tpu.memory_space<semaphore_mem>>
        %dma_start3A_575 = tpu.memref_squeeze %dma_start3A_574 : memref<1x!tpu.dma_semaphore, #tpu.memory_space<semaphore_mem>> -> memref<!tpu.dma_semaphore, #tpu.memory_space<semaphore_mem>>
        tpu.enqueue_indirect_dma source(%dma_start3A_573 : memref<10240x16xf32, #tpu.memory_space<vmem_shared>>) target(%dma_start3A_567 : memref<128x16xf32, #tpu.memory_space<vmem>>) offsets(%dma_start3A_570 : memref<128xi32, #tpu.memory_space<vmem>>) semaphore(%dma_start3A_575 : memref<!tpu.dma_semaphore, #tpu.memory_space<semaphore_mem>>)
      } else {
      }
      %add3A_519 = arith.constant 7 : i32
      %add3A_520 = arith.addi %mul3A_266, %add3A_519 : i32
      %dma_wait3A_521 = arith.constant 7 : i32
      %dma_wait3A_522 = arith.constant 7 : i32
      %dma_wait3A_523 = arith.constant 0 : i32
      %dma_wait3A_524 = arith.constant 0 : i32
      %dma_wait3A_525 = tpu.memref_slice %arg10[%dma_wait3A_521, %dma_wait3A_523, %dma_wait3A_524] : memref<8x128x16xf32, #tpu.memory_space<vmem>> -> memref<1x128x16xf32, #tpu.memory_space<vmem>>
      %dma_wait3A_526 = tpu.memref_squeeze %dma_wait3A_525 : memref<1x128x16xf32, #tpu.memory_space<vmem>> -> memref<128x16xf32, #tpu.memory_space<vmem>>
      %dma_wait3A_527 = arith.constant 0 : i32
      %dma_wait3A_528 = tpu.memref_slice %arg9[%add3A_520, %dma_wait3A_527] : memref<96x128xi32, #tpu.memory_space<vmem>> -> memref<1x128xi32, #tpu.memory_space<vmem>>
      %dma_wait3A_529 = tpu.memref_squeeze %dma_wait3A_528 : memref<1x128xi32, #tpu.memory_space<vmem>> -> memref<128xi32, #tpu.memory_space<vmem>>
      %dma_wait3A_530 = arith.constant 0 : i32
      %dma_wait3A_531 = arith.constant 0 : i32
      %dma_wait3A_532 = tpu.memref_slice %arg12[%dma_wait3A_530, %dma_wait3A_531] : memref<10240x16xf32, #tpu.memory_space<vmem_shared>> -> memref<10240x16xf32, #tpu.memory_space<vmem_shared>>
      %dma_wait3A_533 = tpu.memref_slice %arg13[%dma_wait3A_522] : memref<8x!tpu.dma_semaphore, #tpu.memory_space<semaphore_mem>> -> memref<1x!tpu.dma_semaphore, #tpu.memory_space<semaphore_mem>>
      %dma_wait3A_534 = tpu.memref_squeeze %dma_wait3A_533 : memref<1x!tpu.dma_semaphore, #tpu.memory_space<semaphore_mem>> -> memref<!tpu.dma_semaphore, #tpu.memory_space<semaphore_mem>>
      tpu.wait_indirect_dma semaphore(%dma_wait3A_534 : memref<!tpu.dma_semaphore, #tpu.memory_space<semaphore_mem>>) src(%dma_wait3A_532 : memref<10240x16xf32, #tpu.memory_space<vmem_shared>>) dst(%dma_wait3A_526 : memref<128x16xf32, #tpu.memory_space<vmem>>)
      %dma_start3A_535 = arith.constant 7 : i32
      %dma_start3A_536 = arith.constant 7 : i32
      %dma_start3A_537 = arith.constant 0 : i32
      %dma_start3A_538 = arith.constant 0 : i32
      %dma_start3A_539 = tpu.memref_slice %arg10[%dma_start3A_535, %dma_start3A_537, %dma_start3A_538] : memref<8x128x16xf32, #tpu.memory_space<vmem>> -> memref<1x128x16xf32, #tpu.memory_space<vmem>>
      %dma_start3A_540 = tpu.memref_squeeze %dma_start3A_539 : memref<1x128x16xf32, #tpu.memory_space<vmem>> -> memref<128x16xf32, #tpu.memory_space<vmem>>
      %dma_start3A_541 = arith.constant 0 : i32
      %dma_start3A_542 = tpu.memref_slice %arg8[%add3A_520, %dma_start3A_541] : memref<96x128xi32, #tpu.memory_space<vmem>> -> memref<1x128xi32, #tpu.memory_space<vmem>>
      %dma_start3A_543 = tpu.memref_squeeze %dma_start3A_542 : memref<1x128xi32, #tpu.memory_space<vmem>> -> memref<128xi32, #tpu.memory_space<vmem>>
      %dma_start3A_544 = arith.constant 0 : i32
      %dma_start3A_545 = arith.constant 0 : i32
      %dma_start3A_546 = tpu.memref_slice %arg11[%dma_start3A_544, %dma_start3A_545] : memref<10240x16xf32, #tpu.memory_space<vmem_shared>> -> memref<10240x16xf32, #tpu.memory_space<vmem_shared>>
      %dma_start3A_547 = tpu.memref_slice %arg14[%dma_start3A_536] : memref<8x!tpu.dma_semaphore, #tpu.memory_space<semaphore_mem>> -> memref<1x!tpu.dma_semaphore, #tpu.memory_space<semaphore_mem>>
      %dma_start3A_548 = tpu.memref_squeeze %dma_start3A_547 : memref<1x!tpu.dma_semaphore, #tpu.memory_space<semaphore_mem>> -> memref<!tpu.dma_semaphore, #tpu.memory_space<semaphore_mem>>
      tpu.enqueue_indirect_dma source(%dma_start3A_540 : memref<128x16xf32, #tpu.memory_space<vmem>>) target(%dma_start3A_546 : memref<10240x16xf32, #tpu.memory_space<vmem_shared>>) offsets(%dma_start3A_543 : memref<128xi32, #tpu.memory_space<vmem>>) semaphore(%dma_start3A_548 : memref<!tpu.dma_semaphore, #tpu.memory_space<semaphore_mem>>) {add = true}
      %add3A_549 = arith.constant 4 : i32
      %add3A_550 = arith.addi %add3A_520, %add3A_549 : i32
      %lt3A_551 = arith.cmpi slt, %add3A_550, %select_n3A : i32
      %convert_element_type3A_552 = arith.extui %lt3A_551 : i1 to i32
      %cond3A_553 = arith.constant 0 : i32
      %cond3A_554 = arith.cmpi ne, %convert_element_type3A_552, %cond3A_553 : i32
      scf.if %cond3A_554 {
        %ge3A = arith.constant 4 : i32
        %ge3A_556 = arith.cmpi sge, %add3A_520, %ge3A : i32
        %convert_element_type3A_557 = arith.extui %ge3A_556 : i1 to i32
        %cond3A_558 = arith.constant 0 : i32
        %cond3A_559 = arith.cmpi ne, %convert_element_type3A_557, %cond3A_558 : i32
        scf.if %cond3A_559 {
          %sub3A_576 = arith.constant 4 : i32
          %sub3A_577 = arith.subi %add3A_520, %sub3A_576 : i32
          %dma_wait3A_578 = arith.constant 3 : i32
          %dma_wait3A_579 = arith.constant 3 : i32
          %dma_wait3A_580 = arith.constant 0 : i32
          %dma_wait3A_581 = arith.constant 0 : i32
          %dma_wait3A_582 = tpu.memref_slice %arg10[%dma_wait3A_578, %dma_wait3A_580, %dma_wait3A_581] : memref<8x128x16xf32, #tpu.memory_space<vmem>> -> memref<1x128x16xf32, #tpu.memory_space<vmem>>
          %dma_wait3A_583 = tpu.memref_squeeze %dma_wait3A_582 : memref<1x128x16xf32, #tpu.memory_space<vmem>> -> memref<128x16xf32, #tpu.memory_space<vmem>>
          %dma_wait3A_584 = arith.constant 0 : i32
          %dma_wait3A_585 = tpu.memref_slice %arg8[%sub3A_577, %dma_wait3A_584] : memref<96x128xi32, #tpu.memory_space<vmem>> -> memref<1x128xi32, #tpu.memory_space<vmem>>
          %dma_wait3A_586 = tpu.memref_squeeze %dma_wait3A_585 : memref<1x128xi32, #tpu.memory_space<vmem>> -> memref<128xi32, #tpu.memory_space<vmem>>
          %dma_wait3A_587 = arith.constant 0 : i32
          %dma_wait3A_588 = arith.constant 0 : i32
          %dma_wait3A_589 = tpu.memref_slice %arg11[%dma_wait3A_587, %dma_wait3A_588] : memref<10240x16xf32, #tpu.memory_space<vmem_shared>> -> memref<10240x16xf32, #tpu.memory_space<vmem_shared>>
          %dma_wait3A_590 = tpu.memref_slice %arg14[%dma_wait3A_579] : memref<8x!tpu.dma_semaphore, #tpu.memory_space<semaphore_mem>> -> memref<1x!tpu.dma_semaphore, #tpu.memory_space<semaphore_mem>>
          %dma_wait3A_591 = tpu.memref_squeeze %dma_wait3A_590 : memref<1x!tpu.dma_semaphore, #tpu.memory_space<semaphore_mem>> -> memref<!tpu.dma_semaphore, #tpu.memory_space<semaphore_mem>>
          tpu.wait_indirect_dma semaphore(%dma_wait3A_591 : memref<!tpu.dma_semaphore, #tpu.memory_space<semaphore_mem>>) src(%dma_wait3A_583 : memref<128x16xf32, #tpu.memory_space<vmem>>) dst(%dma_wait3A_589 : memref<10240x16xf32, #tpu.memory_space<vmem_shared>>)
        } else {
        }
        %add3A_560 = arith.constant 4 : i32
        %add3A_561 = arith.addi %add3A_520, %add3A_560 : i32
        %dma_start3A_562 = arith.constant 3 : i32
        %dma_start3A_563 = arith.constant 3 : i32
        %dma_start3A_564 = arith.constant 0 : i32
        %dma_start3A_565 = arith.constant 0 : i32
        %dma_start3A_566 = tpu.memref_slice %arg10[%dma_start3A_562, %dma_start3A_564, %dma_start3A_565] : memref<8x128x16xf32, #tpu.memory_space<vmem>> -> memref<1x128x16xf32, #tpu.memory_space<vmem>>
        %dma_start3A_567 = tpu.memref_squeeze %dma_start3A_566 : memref<1x128x16xf32, #tpu.memory_space<vmem>> -> memref<128x16xf32, #tpu.memory_space<vmem>>
        %dma_start3A_568 = arith.constant 0 : i32
        %dma_start3A_569 = tpu.memref_slice %arg9[%add3A_561, %dma_start3A_568] : memref<96x128xi32, #tpu.memory_space<vmem>> -> memref<1x128xi32, #tpu.memory_space<vmem>>
        %dma_start3A_570 = tpu.memref_squeeze %dma_start3A_569 : memref<1x128xi32, #tpu.memory_space<vmem>> -> memref<128xi32, #tpu.memory_space<vmem>>
        %dma_start3A_571 = arith.constant 0 : i32
        %dma_start3A_572 = arith.constant 0 : i32
        %dma_start3A_573 = tpu.memref_slice %arg12[%dma_start3A_571, %dma_start3A_572] : memref<10240x16xf32, #tpu.memory_space<vmem_shared>> -> memref<10240x16xf32, #tpu.memory_space<vmem_shared>>
        %dma_start3A_574 = tpu.memref_slice %arg13[%dma_start3A_563] : memref<8x!tpu.dma_semaphore, #tpu.memory_space<semaphore_mem>> -> memref<1x!tpu.dma_semaphore, #tpu.memory_space<semaphore_mem>>
        %dma_start3A_575 = tpu.memref_squeeze %dma_start3A_574 : memref<1x!tpu.dma_semaphore, #tpu.memory_space<semaphore_mem>> -> memref<!tpu.dma_semaphore, #tpu.memory_space<semaphore_mem>>
        tpu.enqueue_indirect_dma source(%dma_start3A_573 : memref<10240x16xf32, #tpu.memory_space<vmem_shared>>) target(%dma_start3A_567 : memref<128x16xf32, #tpu.memory_space<vmem>>) offsets(%dma_start3A_570 : memref<128xi32, #tpu.memory_space<vmem>>) semaphore(%dma_start3A_575 : memref<!tpu.dma_semaphore, #tpu.memory_space<semaphore_mem>>)
      } else {
      }
      %while3A_555 = arith.constant 0 : i32
      scf.yield %while3A_555 : i32
    }
    %while3A_114 = arith.constant 1 : i32
    %while3A_115 = scf.for %while3A_263 = %while3A_111 to %while3A_107 step %while3A_114 iter_args(%while3A_264 = %while3A_113) -> (i32)  : i32 {
      %mul3A_265 = arith.constant 8 : i32
      %mul3A_266 = arith.muli %while3A_263, %mul3A_265 : i32
      %add3A_267 = arith.constant 0 : i32
      %add3A_268 = arith.addi %mul3A_266, %add3A_267 : i32
      %dma_wait3A_269 = arith.constant 0 : i32
      %dma_wait3A_270 = arith.constant 0 : i32
      %dma_wait3A_271 = arith.constant 0 : i32
      %dma_wait3A_272 = arith.constant 0 : i32
      %dma_wait3A_273 = tpu.memref_slice %arg10[%dma_wait3A_269, %dma_wait3A_271, %dma_wait3A_272] : memref<8x128x16xf32, #tpu.memory_space<vmem>> -> memref<1x128x16xf32, #tpu.memory_space<vmem>>
      %dma_wait3A_274 = tpu.memref_squeeze %dma_wait3A_273 : memref<1x128x16xf32, #tpu.memory_space<vmem>> -> memref<128x16xf32, #tpu.memory_space<vmem>>
      %dma_wait3A_275 = arith.constant 0 : i32
      %dma_wait3A_276 = tpu.memref_slice %arg9[%add3A_268, %dma_wait3A_275] : memref<96x128xi32, #tpu.memory_space<vmem>> -> memref<1x128xi32, #tpu.memory_space<vmem>>
      %dma_wait3A_277 = tpu.memref_squeeze %dma_wait3A_276 : memref<1x128xi32, #tpu.memory_space<vmem>> -> memref<128xi32, #tpu.memory_space<vmem>>
      %dma_wait3A_278 = arith.constant 0 : i32
      %dma_wait3A_279 = arith.constant 0 : i32
      %dma_wait3A_280 = tpu.memref_slice %arg12[%dma_wait3A_278, %dma_wait3A_279] : memref<10240x16xf32, #tpu.memory_space<vmem_shared>> -> memref<10240x16xf32, #tpu.memory_space<vmem_shared>>
      %dma_wait3A_281 = tpu.memref_slice %arg13[%dma_wait3A_270] : memref<8x!tpu.dma_semaphore, #tpu.memory_space<semaphore_mem>> -> memref<1x!tpu.dma_semaphore, #tpu.memory_space<semaphore_mem>>
      %dma_wait3A_282 = tpu.memref_squeeze %dma_wait3A_281 : memref<1x!tpu.dma_semaphore, #tpu.memory_space<semaphore_mem>> -> memref<!tpu.dma_semaphore, #tpu.memory_space<semaphore_mem>>
      tpu.wait_indirect_dma semaphore(%dma_wait3A_282 : memref<!tpu.dma_semaphore, #tpu.memory_space<semaphore_mem>>) src(%dma_wait3A_280 : memref<10240x16xf32, #tpu.memory_space<vmem_shared>>) dst(%dma_wait3A_274 : memref<128x16xf32, #tpu.memory_space<vmem>>)
      %dma_start3A_283 = arith.constant 0 : i32
      %dma_start3A_284 = arith.constant 0 : i32
      %dma_start3A_285 = arith.constant 0 : i32
      %dma_start3A_286 = arith.constant 0 : i32
      %dma_start3A_287 = tpu.memref_slice %arg10[%dma_start3A_283, %dma_start3A_285, %dma_start3A_286] : memref<8x128x16xf32, #tpu.memory_space<vmem>> -> memref<1x128x16xf32, #tpu.memory_space<vmem>>
      %dma_start3A_288 = tpu.memref_squeeze %dma_start3A_287 : memref<1x128x16xf32, #tpu.memory_space<vmem>> -> memref<128x16xf32, #tpu.memory_space<vmem>>
      %dma_start3A_289 = arith.constant 0 : i32
      %dma_start3A_290 = tpu.memref_slice %arg8[%add3A_268, %dma_start3A_289] : memref<96x128xi32, #tpu.memory_space<vmem>> -> memref<1x128xi32, #tpu.memory_space<vmem>>
      %dma_start3A_291 = tpu.memref_squeeze %dma_start3A_290 : memref<1x128xi32, #tpu.memory_space<vmem>> -> memref<128xi32, #tpu.memory_space<vmem>>
      %dma_start3A_292 = arith.constant 0 : i32
      %dma_start3A_293 = arith.constant 0 : i32
      %dma_start3A_294 = tpu.memref_slice %arg11[%dma_start3A_292, %dma_start3A_293] : memref<10240x16xf32, #tpu.memory_space<vmem_shared>> -> memref<10240x16xf32, #tpu.memory_space<vmem_shared>>
      %dma_start3A_295 = tpu.memref_slice %arg14[%dma_start3A_284] : memref<8x!tpu.dma_semaphore, #tpu.memory_space<semaphore_mem>> -> memref<1x!tpu.dma_semaphore, #tpu.memory_space<semaphore_mem>>
      %dma_start3A_296 = tpu.memref_squeeze %dma_start3A_295 : memref<1x!tpu.dma_semaphore, #tpu.memory_space<semaphore_mem>> -> memref<!tpu.dma_semaphore, #tpu.memory_space<semaphore_mem>>
      tpu.enqueue_indirect_dma source(%dma_start3A_288 : memref<128x16xf32, #tpu.memory_space<vmem>>) target(%dma_start3A_294 : memref<10240x16xf32, #tpu.memory_space<vmem_shared>>) offsets(%dma_start3A_291 : memref<128xi32, #tpu.memory_space<vmem>>) semaphore(%dma_start3A_296 : memref<!tpu.dma_semaphore, #tpu.memory_space<semaphore_mem>>) {add = true}
      %add3A_297 = arith.constant 4 : i32
      %add3A_298 = arith.addi %add3A_268, %add3A_297 : i32
      %lt3A_299 = arith.cmpi slt, %add3A_298, %select_n3A : i32
      %convert_element_type3A_300 = arith.extui %lt3A_299 : i1 to i32
      %cond3A_301 = arith.constant 0 : i32
      %cond3A_302 = arith.cmpi ne, %convert_element_type3A_300, %cond3A_301 : i32
      scf.if %cond3A_302 {
        %ge3A = arith.constant 4 : i32
        %ge3A_556 = arith.cmpi sge, %add3A_268, %ge3A : i32
        %convert_element_type3A_557 = arith.extui %ge3A_556 : i1 to i32
        %cond3A_558 = arith.constant 0 : i32
        %cond3A_559 = arith.cmpi ne, %convert_element_type3A_557, %cond3A_558 : i32
        scf.if %cond3A_559 {
          %sub3A_576 = arith.constant 4 : i32
          %sub3A_577 = arith.subi %add3A_268, %sub3A_576 : i32
          %dma_wait3A_578 = arith.constant 4 : i32
          %dma_wait3A_579 = arith.constant 4 : i32
          %dma_wait3A_580 = arith.constant 0 : i32
          %dma_wait3A_581 = arith.constant 0 : i32
          %dma_wait3A_582 = tpu.memref_slice %arg10[%dma_wait3A_578, %dma_wait3A_580, %dma_wait3A_581] : memref<8x128x16xf32, #tpu.memory_space<vmem>> -> memref<1x128x16xf32, #tpu.memory_space<vmem>>
          %dma_wait3A_583 = tpu.memref_squeeze %dma_wait3A_582 : memref<1x128x16xf32, #tpu.memory_space<vmem>> -> memref<128x16xf32, #tpu.memory_space<vmem>>
          %dma_wait3A_584 = arith.constant 0 : i32
          %dma_wait3A_585 = tpu.memref_slice %arg8[%sub3A_577, %dma_wait3A_584] : memref<96x128xi32, #tpu.memory_space<vmem>> -> memref<1x128xi32, #tpu.memory_space<vmem>>
          %dma_wait3A_586 = tpu.memref_squeeze %dma_wait3A_585 : memref<1x128xi32, #tpu.memory_space<vmem>> -> memref<128xi32, #tpu.memory_space<vmem>>
          %dma_wait3A_587 = arith.constant 0 : i32
          %dma_wait3A_588 = arith.constant 0 : i32
          %dma_wait3A_589 = tpu.memref_slice %arg11[%dma_wait3A_587, %dma_wait3A_588] : memref<10240x16xf32, #tpu.memory_space<vmem_shared>> -> memref<10240x16xf32, #tpu.memory_space<vmem_shared>>
          %dma_wait3A_590 = tpu.memref_slice %arg14[%dma_wait3A_579] : memref<8x!tpu.dma_semaphore, #tpu.memory_space<semaphore_mem>> -> memref<1x!tpu.dma_semaphore, #tpu.memory_space<semaphore_mem>>
          %dma_wait3A_591 = tpu.memref_squeeze %dma_wait3A_590 : memref<1x!tpu.dma_semaphore, #tpu.memory_space<semaphore_mem>> -> memref<!tpu.dma_semaphore, #tpu.memory_space<semaphore_mem>>
          tpu.wait_indirect_dma semaphore(%dma_wait3A_591 : memref<!tpu.dma_semaphore, #tpu.memory_space<semaphore_mem>>) src(%dma_wait3A_583 : memref<128x16xf32, #tpu.memory_space<vmem>>) dst(%dma_wait3A_589 : memref<10240x16xf32, #tpu.memory_space<vmem_shared>>)
        } else {
        }
        %add3A_560 = arith.constant 4 : i32
        %add3A_561 = arith.addi %add3A_268, %add3A_560 : i32
        %dma_start3A_562 = arith.constant 4 : i32
        %dma_start3A_563 = arith.constant 4 : i32
        %dma_start3A_564 = arith.constant 0 : i32
        %dma_start3A_565 = arith.constant 0 : i32
        %dma_start3A_566 = tpu.memref_slice %arg10[%dma_start3A_562, %dma_start3A_564, %dma_start3A_565] : memref<8x128x16xf32, #tpu.memory_space<vmem>> -> memref<1x128x16xf32, #tpu.memory_space<vmem>>
        %dma_start3A_567 = tpu.memref_squeeze %dma_start3A_566 : memref<1x128x16xf32, #tpu.memory_space<vmem>> -> memref<128x16xf32, #tpu.memory_space<vmem>>
        %dma_start3A_568 = arith.constant 0 : i32
        %dma_start3A_569 = tpu.memref_slice %arg9[%add3A_561, %dma_start3A_568] : memref<96x128xi32, #tpu.memory_space<vmem>> -> memref<1x128xi32, #tpu.memory_space<vmem>>
        %dma_start3A_570 = tpu.memref_squeeze %dma_start3A_569 : memref<1x128xi32, #tpu.memory_space<vmem>> -> memref<128xi32, #tpu.memory_space<vmem>>
        %dma_start3A_571 = arith.constant 0 : i32
        %dma_start3A_572 = arith.constant 0 : i32
        %dma_start3A_573 = tpu.memref_slice %arg12[%dma_start3A_571, %dma_start3A_572] : memref<10240x16xf32, #tpu.memory_space<vmem_shared>> -> memref<10240x16xf32, #tpu.memory_space<vmem_shared>>
        %dma_start3A_574 = tpu.memref_slice %arg13[%dma_start3A_563] : memref<8x!tpu.dma_semaphore, #tpu.memory_space<semaphore_mem>> -> memref<1x!tpu.dma_semaphore, #tpu.memory_space<semaphore_mem>>
        %dma_start3A_575 = tpu.memref_squeeze %dma_start3A_574 : memref<1x!tpu.dma_semaphore, #tpu.memory_space<semaphore_mem>> -> memref<!tpu.dma_semaphore, #tpu.memory_space<semaphore_mem>>
        tpu.enqueue_indirect_dma source(%dma_start3A_573 : memref<10240x16xf32, #tpu.memory_space<vmem_shared>>) target(%dma_start3A_567 : memref<128x16xf32, #tpu.memory_space<vmem>>) offsets(%dma_start3A_570 : memref<128xi32, #tpu.memory_space<vmem>>) semaphore(%dma_start3A_575 : memref<!tpu.dma_semaphore, #tpu.memory_space<semaphore_mem>>)
      } else {
      }
      %add3A_303 = arith.constant 1 : i32
      %add3A_304 = arith.addi %mul3A_266, %add3A_303 : i32
      %dma_wait3A_305 = arith.constant 1 : i32
      %dma_wait3A_306 = arith.constant 1 : i32
      %dma_wait3A_307 = arith.constant 0 : i32
      %dma_wait3A_308 = arith.constant 0 : i32
      %dma_wait3A_309 = tpu.memref_slice %arg10[%dma_wait3A_305, %dma_wait3A_307, %dma_wait3A_308] : memref<8x128x16xf32, #tpu.memory_space<vmem>> -> memref<1x128x16xf32, #tpu.memory_space<vmem>>
      %dma_wait3A_310 = tpu.memref_squeeze %dma_wait3A_309 : memref<1x128x16xf32, #tpu.memory_space<vmem>> -> memref<128x16xf32, #tpu.memory_space<vmem>>
      %dma_wait3A_311 = arith.constant 0 : i32
      %dma_wait3A_312 = tpu.memref_slice %arg9[%add3A_304, %dma_wait3A_311] : memref<96x128xi32, #tpu.memory_space<vmem>> -> memref<1x128xi32, #tpu.memory_space<vmem>>
      %dma_wait3A_313 = tpu.memref_squeeze %dma_wait3A_312 : memref<1x128xi32, #tpu.memory_space<vmem>> -> memref<128xi32, #tpu.memory_space<vmem>>
      %dma_wait3A_314 = arith.constant 0 : i32
      %dma_wait3A_315 = arith.constant 0 : i32
      %dma_wait3A_316 = tpu.memref_slice %arg12[%dma_wait3A_314, %dma_wait3A_315] : memref<10240x16xf32, #tpu.memory_space<vmem_shared>> -> memref<10240x16xf32, #tpu.memory_space<vmem_shared>>
      %dma_wait3A_317 = tpu.memref_slice %arg13[%dma_wait3A_306] : memref<8x!tpu.dma_semaphore, #tpu.memory_space<semaphore_mem>> -> memref<1x!tpu.dma_semaphore, #tpu.memory_space<semaphore_mem>>
      %dma_wait3A_318 = tpu.memref_squeeze %dma_wait3A_317 : memref<1x!tpu.dma_semaphore, #tpu.memory_space<semaphore_mem>> -> memref<!tpu.dma_semaphore, #tpu.memory_space<semaphore_mem>>
      tpu.wait_indirect_dma semaphore(%dma_wait3A_318 : memref<!tpu.dma_semaphore, #tpu.memory_space<semaphore_mem>>) src(%dma_wait3A_316 : memref<10240x16xf32, #tpu.memory_space<vmem_shared>>) dst(%dma_wait3A_310 : memref<128x16xf32, #tpu.memory_space<vmem>>)
      %dma_start3A_319 = arith.constant 1 : i32
      %dma_start3A_320 = arith.constant 1 : i32
      %dma_start3A_321 = arith.constant 0 : i32
      %dma_start3A_322 = arith.constant 0 : i32
      %dma_start3A_323 = tpu.memref_slice %arg10[%dma_start3A_319, %dma_start3A_321, %dma_start3A_322] : memref<8x128x16xf32, #tpu.memory_space<vmem>> -> memref<1x128x16xf32, #tpu.memory_space<vmem>>
      %dma_start3A_324 = tpu.memref_squeeze %dma_start3A_323 : memref<1x128x16xf32, #tpu.memory_space<vmem>> -> memref<128x16xf32, #tpu.memory_space<vmem>>
      %dma_start3A_325 = arith.constant 0 : i32
      %dma_start3A_326 = tpu.memref_slice %arg8[%add3A_304, %dma_start3A_325] : memref<96x128xi32, #tpu.memory_space<vmem>> -> memref<1x128xi32, #tpu.memory_space<vmem>>
      %dma_start3A_327 = tpu.memref_squeeze %dma_start3A_326 : memref<1x128xi32, #tpu.memory_space<vmem>> -> memref<128xi32, #tpu.memory_space<vmem>>
      %dma_start3A_328 = arith.constant 0 : i32
      %dma_start3A_329 = arith.constant 0 : i32
      %dma_start3A_330 = tpu.memref_slice %arg11[%dma_start3A_328, %dma_start3A_329] : memref<10240x16xf32, #tpu.memory_space<vmem_shared>> -> memref<10240x16xf32, #tpu.memory_space<vmem_shared>>
      %dma_start3A_331 = tpu.memref_slice %arg14[%dma_start3A_320] : memref<8x!tpu.dma_semaphore, #tpu.memory_space<semaphore_mem>> -> memref<1x!tpu.dma_semaphore, #tpu.memory_space<semaphore_mem>>
      %dma_start3A_332 = tpu.memref_squeeze %dma_start3A_331 : memref<1x!tpu.dma_semaphore, #tpu.memory_space<semaphore_mem>> -> memref<!tpu.dma_semaphore, #tpu.memory_space<semaphore_mem>>
      tpu.enqueue_indirect_dma source(%dma_start3A_324 : memref<128x16xf32, #tpu.memory_space<vmem>>) target(%dma_start3A_330 : memref<10240x16xf32, #tpu.memory_space<vmem_shared>>) offsets(%dma_start3A_327 : memref<128xi32, #tpu.memory_space<vmem>>) semaphore(%dma_start3A_332 : memref<!tpu.dma_semaphore, #tpu.memory_space<semaphore_mem>>) {add = true}
      %add3A_333 = arith.constant 4 : i32
      %add3A_334 = arith.addi %add3A_304, %add3A_333 : i32
      %lt3A_335 = arith.cmpi slt, %add3A_334, %select_n3A : i32
      %convert_element_type3A_336 = arith.extui %lt3A_335 : i1 to i32
      %cond3A_337 = arith.constant 0 : i32
      %cond3A_338 = arith.cmpi ne, %convert_element_type3A_336, %cond3A_337 : i32
      scf.if %cond3A_338 {
        %ge3A = arith.constant 4 : i32
        %ge3A_556 = arith.cmpi sge, %add3A_304, %ge3A : i32
        %convert_element_type3A_557 = arith.extui %ge3A_556 : i1 to i32
        %cond3A_558 = arith.constant 0 : i32
        %cond3A_559 = arith.cmpi ne, %convert_element_type3A_557, %cond3A_558 : i32
        scf.if %cond3A_559 {
          %sub3A_576 = arith.constant 4 : i32
          %sub3A_577 = arith.subi %add3A_304, %sub3A_576 : i32
          %dma_wait3A_578 = arith.constant 5 : i32
          %dma_wait3A_579 = arith.constant 5 : i32
          %dma_wait3A_580 = arith.constant 0 : i32
          %dma_wait3A_581 = arith.constant 0 : i32
          %dma_wait3A_582 = tpu.memref_slice %arg10[%dma_wait3A_578, %dma_wait3A_580, %dma_wait3A_581] : memref<8x128x16xf32, #tpu.memory_space<vmem>> -> memref<1x128x16xf32, #tpu.memory_space<vmem>>
          %dma_wait3A_583 = tpu.memref_squeeze %dma_wait3A_582 : memref<1x128x16xf32, #tpu.memory_space<vmem>> -> memref<128x16xf32, #tpu.memory_space<vmem>>
          %dma_wait3A_584 = arith.constant 0 : i32
          %dma_wait3A_585 = tpu.memref_slice %arg8[%sub3A_577, %dma_wait3A_584] : memref<96x128xi32, #tpu.memory_space<vmem>> -> memref<1x128xi32, #tpu.memory_space<vmem>>
          %dma_wait3A_586 = tpu.memref_squeeze %dma_wait3A_585 : memref<1x128xi32, #tpu.memory_space<vmem>> -> memref<128xi32, #tpu.memory_space<vmem>>
          %dma_wait3A_587 = arith.constant 0 : i32
          %dma_wait3A_588 = arith.constant 0 : i32
          %dma_wait3A_589 = tpu.memref_slice %arg11[%dma_wait3A_587, %dma_wait3A_588] : memref<10240x16xf32, #tpu.memory_space<vmem_shared>> -> memref<10240x16xf32, #tpu.memory_space<vmem_shared>>
          %dma_wait3A_590 = tpu.memref_slice %arg14[%dma_wait3A_579] : memref<8x!tpu.dma_semaphore, #tpu.memory_space<semaphore_mem>> -> memref<1x!tpu.dma_semaphore, #tpu.memory_space<semaphore_mem>>
          %dma_wait3A_591 = tpu.memref_squeeze %dma_wait3A_590 : memref<1x!tpu.dma_semaphore, #tpu.memory_space<semaphore_mem>> -> memref<!tpu.dma_semaphore, #tpu.memory_space<semaphore_mem>>
          tpu.wait_indirect_dma semaphore(%dma_wait3A_591 : memref<!tpu.dma_semaphore, #tpu.memory_space<semaphore_mem>>) src(%dma_wait3A_583 : memref<128x16xf32, #tpu.memory_space<vmem>>) dst(%dma_wait3A_589 : memref<10240x16xf32, #tpu.memory_space<vmem_shared>>)
        } else {
        }
        %add3A_560 = arith.constant 4 : i32
        %add3A_561 = arith.addi %add3A_304, %add3A_560 : i32
        %dma_start3A_562 = arith.constant 5 : i32
        %dma_start3A_563 = arith.constant 5 : i32
        %dma_start3A_564 = arith.constant 0 : i32
        %dma_start3A_565 = arith.constant 0 : i32
        %dma_start3A_566 = tpu.memref_slice %arg10[%dma_start3A_562, %dma_start3A_564, %dma_start3A_565] : memref<8x128x16xf32, #tpu.memory_space<vmem>> -> memref<1x128x16xf32, #tpu.memory_space<vmem>>
        %dma_start3A_567 = tpu.memref_squeeze %dma_start3A_566 : memref<1x128x16xf32, #tpu.memory_space<vmem>> -> memref<128x16xf32, #tpu.memory_space<vmem>>
        %dma_start3A_568 = arith.constant 0 : i32
        %dma_start3A_569 = tpu.memref_slice %arg9[%add3A_561, %dma_start3A_568] : memref<96x128xi32, #tpu.memory_space<vmem>> -> memref<1x128xi32, #tpu.memory_space<vmem>>
        %dma_start3A_570 = tpu.memref_squeeze %dma_start3A_569 : memref<1x128xi32, #tpu.memory_space<vmem>> -> memref<128xi32, #tpu.memory_space<vmem>>
        %dma_start3A_571 = arith.constant 0 : i32
        %dma_start3A_572 = arith.constant 0 : i32
        %dma_start3A_573 = tpu.memref_slice %arg12[%dma_start3A_571, %dma_start3A_572] : memref<10240x16xf32, #tpu.memory_space<vmem_shared>> -> memref<10240x16xf32, #tpu.memory_space<vmem_shared>>
        %dma_start3A_574 = tpu.memref_slice %arg13[%dma_start3A_563] : memref<8x!tpu.dma_semaphore, #tpu.memory_space<semaphore_mem>> -> memref<1x!tpu.dma_semaphore, #tpu.memory_space<semaphore_mem>>
        %dma_start3A_575 = tpu.memref_squeeze %dma_start3A_574 : memref<1x!tpu.dma_semaphore, #tpu.memory_space<semaphore_mem>> -> memref<!tpu.dma_semaphore, #tpu.memory_space<semaphore_mem>>
        tpu.enqueue_indirect_dma source(%dma_start3A_573 : memref<10240x16xf32, #tpu.memory_space<vmem_shared>>) target(%dma_start3A_567 : memref<128x16xf32, #tpu.memory_space<vmem>>) offsets(%dma_start3A_570 : memref<128xi32, #tpu.memory_space<vmem>>) semaphore(%dma_start3A_575 : memref<!tpu.dma_semaphore, #tpu.memory_space<semaphore_mem>>)
      } else {
      }
      %add3A_339 = arith.constant 2 : i32
      %add3A_340 = arith.addi %mul3A_266, %add3A_339 : i32
      %dma_wait3A_341 = arith.constant 2 : i32
      %dma_wait3A_342 = arith.constant 2 : i32
      %dma_wait3A_343 = arith.constant 0 : i32
      %dma_wait3A_344 = arith.constant 0 : i32
      %dma_wait3A_345 = tpu.memref_slice %arg10[%dma_wait3A_341, %dma_wait3A_343, %dma_wait3A_344] : memref<8x128x16xf32, #tpu.memory_space<vmem>> -> memref<1x128x16xf32, #tpu.memory_space<vmem>>
      %dma_wait3A_346 = tpu.memref_squeeze %dma_wait3A_345 : memref<1x128x16xf32, #tpu.memory_space<vmem>> -> memref<128x16xf32, #tpu.memory_space<vmem>>
      %dma_wait3A_347 = arith.constant 0 : i32
      %dma_wait3A_348 = tpu.memref_slice %arg9[%add3A_340, %dma_wait3A_347] : memref<96x128xi32, #tpu.memory_space<vmem>> -> memref<1x128xi32, #tpu.memory_space<vmem>>
      %dma_wait3A_349 = tpu.memref_squeeze %dma_wait3A_348 : memref<1x128xi32, #tpu.memory_space<vmem>> -> memref<128xi32, #tpu.memory_space<vmem>>
      %dma_wait3A_350 = arith.constant 0 : i32
      %dma_wait3A_351 = arith.constant 0 : i32
      %dma_wait3A_352 = tpu.memref_slice %arg12[%dma_wait3A_350, %dma_wait3A_351] : memref<10240x16xf32, #tpu.memory_space<vmem_shared>> -> memref<10240x16xf32, #tpu.memory_space<vmem_shared>>
      %dma_wait3A_353 = tpu.memref_slice %arg13[%dma_wait3A_342] : memref<8x!tpu.dma_semaphore, #tpu.memory_space<semaphore_mem>> -> memref<1x!tpu.dma_semaphore, #tpu.memory_space<semaphore_mem>>
      %dma_wait3A_354 = tpu.memref_squeeze %dma_wait3A_353 : memref<1x!tpu.dma_semaphore, #tpu.memory_space<semaphore_mem>> -> memref<!tpu.dma_semaphore, #tpu.memory_space<semaphore_mem>>
      tpu.wait_indirect_dma semaphore(%dma_wait3A_354 : memref<!tpu.dma_semaphore, #tpu.memory_space<semaphore_mem>>) src(%dma_wait3A_352 : memref<10240x16xf32, #tpu.memory_space<vmem_shared>>) dst(%dma_wait3A_346 : memref<128x16xf32, #tpu.memory_space<vmem>>)
      %dma_start3A_355 = arith.constant 2 : i32
      %dma_start3A_356 = arith.constant 2 : i32
      %dma_start3A_357 = arith.constant 0 : i32
      %dma_start3A_358 = arith.constant 0 : i32
      %dma_start3A_359 = tpu.memref_slice %arg10[%dma_start3A_355, %dma_start3A_357, %dma_start3A_358] : memref<8x128x16xf32, #tpu.memory_space<vmem>> -> memref<1x128x16xf32, #tpu.memory_space<vmem>>
      %dma_start3A_360 = tpu.memref_squeeze %dma_start3A_359 : memref<1x128x16xf32, #tpu.memory_space<vmem>> -> memref<128x16xf32, #tpu.memory_space<vmem>>
      %dma_start3A_361 = arith.constant 0 : i32
      %dma_start3A_362 = tpu.memref_slice %arg8[%add3A_340, %dma_start3A_361] : memref<96x128xi32, #tpu.memory_space<vmem>> -> memref<1x128xi32, #tpu.memory_space<vmem>>
      %dma_start3A_363 = tpu.memref_squeeze %dma_start3A_362 : memref<1x128xi32, #tpu.memory_space<vmem>> -> memref<128xi32, #tpu.memory_space<vmem>>
      %dma_start3A_364 = arith.constant 0 : i32
      %dma_start3A_365 = arith.constant 0 : i32
      %dma_start3A_366 = tpu.memref_slice %arg11[%dma_start3A_364, %dma_start3A_365] : memref<10240x16xf32, #tpu.memory_space<vmem_shared>> -> memref<10240x16xf32, #tpu.memory_space<vmem_shared>>
      %dma_start3A_367 = tpu.memref_slice %arg14[%dma_start3A_356] : memref<8x!tpu.dma_semaphore, #tpu.memory_space<semaphore_mem>> -> memref<1x!tpu.dma_semaphore, #tpu.memory_space<semaphore_mem>>
      %dma_start3A_368 = tpu.memref_squeeze %dma_start3A_367 : memref<1x!tpu.dma_semaphore, #tpu.memory_space<semaphore_mem>> -> memref<!tpu.dma_semaphore, #tpu.memory_space<semaphore_mem>>
      tpu.enqueue_indirect_dma source(%dma_start3A_360 : memref<128x16xf32, #tpu.memory_space<vmem>>) target(%dma_start3A_366 : memref<10240x16xf32, #tpu.memory_space<vmem_shared>>) offsets(%dma_start3A_363 : memref<128xi32, #tpu.memory_space<vmem>>) semaphore(%dma_start3A_368 : memref<!tpu.dma_semaphore, #tpu.memory_space<semaphore_mem>>) {add = true}
      %add3A_369 = arith.constant 4 : i32
      %add3A_370 = arith.addi %add3A_340, %add3A_369 : i32
      %lt3A_371 = arith.cmpi slt, %add3A_370, %select_n3A : i32
      %convert_element_type3A_372 = arith.extui %lt3A_371 : i1 to i32
      %cond3A_373 = arith.constant 0 : i32
      %cond3A_374 = arith.cmpi ne, %convert_element_type3A_372, %cond3A_373 : i32
      scf.if %cond3A_374 {
        %ge3A = arith.constant 4 : i32
        %ge3A_556 = arith.cmpi sge, %add3A_340, %ge3A : i32
        %convert_element_type3A_557 = arith.extui %ge3A_556 : i1 to i32
        %cond3A_558 = arith.constant 0 : i32
        %cond3A_559 = arith.cmpi ne, %convert_element_type3A_557, %cond3A_558 : i32
        scf.if %cond3A_559 {
          %sub3A_576 = arith.constant 4 : i32
          %sub3A_577 = arith.subi %add3A_340, %sub3A_576 : i32
          %dma_wait3A_578 = arith.constant 6 : i32
          %dma_wait3A_579 = arith.constant 6 : i32
          %dma_wait3A_580 = arith.constant 0 : i32
          %dma_wait3A_581 = arith.constant 0 : i32
          %dma_wait3A_582 = tpu.memref_slice %arg10[%dma_wait3A_578, %dma_wait3A_580, %dma_wait3A_581] : memref<8x128x16xf32, #tpu.memory_space<vmem>> -> memref<1x128x16xf32, #tpu.memory_space<vmem>>
          %dma_wait3A_583 = tpu.memref_squeeze %dma_wait3A_582 : memref<1x128x16xf32, #tpu.memory_space<vmem>> -> memref<128x16xf32, #tpu.memory_space<vmem>>
          %dma_wait3A_584 = arith.constant 0 : i32
          %dma_wait3A_585 = tpu.memref_slice %arg8[%sub3A_577, %dma_wait3A_584] : memref<96x128xi32, #tpu.memory_space<vmem>> -> memref<1x128xi32, #tpu.memory_space<vmem>>
          %dma_wait3A_586 = tpu.memref_squeeze %dma_wait3A_585 : memref<1x128xi32, #tpu.memory_space<vmem>> -> memref<128xi32, #tpu.memory_space<vmem>>
          %dma_wait3A_587 = arith.constant 0 : i32
          %dma_wait3A_588 = arith.constant 0 : i32
          %dma_wait3A_589 = tpu.memref_slice %arg11[%dma_wait3A_587, %dma_wait3A_588] : memref<10240x16xf32, #tpu.memory_space<vmem_shared>> -> memref<10240x16xf32, #tpu.memory_space<vmem_shared>>
          %dma_wait3A_590 = tpu.memref_slice %arg14[%dma_wait3A_579] : memref<8x!tpu.dma_semaphore, #tpu.memory_space<semaphore_mem>> -> memref<1x!tpu.dma_semaphore, #tpu.memory_space<semaphore_mem>>
          %dma_wait3A_591 = tpu.memref_squeeze %dma_wait3A_590 : memref<1x!tpu.dma_semaphore, #tpu.memory_space<semaphore_mem>> -> memref<!tpu.dma_semaphore, #tpu.memory_space<semaphore_mem>>
          tpu.wait_indirect_dma semaphore(%dma_wait3A_591 : memref<!tpu.dma_semaphore, #tpu.memory_space<semaphore_mem>>) src(%dma_wait3A_583 : memref<128x16xf32, #tpu.memory_space<vmem>>) dst(%dma_wait3A_589 : memref<10240x16xf32, #tpu.memory_space<vmem_shared>>)
        } else {
        }
        %add3A_560 = arith.constant 4 : i32
        %add3A_561 = arith.addi %add3A_340, %add3A_560 : i32
        %dma_start3A_562 = arith.constant 6 : i32
        %dma_start3A_563 = arith.constant 6 : i32
        %dma_start3A_564 = arith.constant 0 : i32
        %dma_start3A_565 = arith.constant 0 : i32
        %dma_start3A_566 = tpu.memref_slice %arg10[%dma_start3A_562, %dma_start3A_564, %dma_start3A_565] : memref<8x128x16xf32, #tpu.memory_space<vmem>> -> memref<1x128x16xf32, #tpu.memory_space<vmem>>
        %dma_start3A_567 = tpu.memref_squeeze %dma_start3A_566 : memref<1x128x16xf32, #tpu.memory_space<vmem>> -> memref<128x16xf32, #tpu.memory_space<vmem>>
        %dma_start3A_568 = arith.constant 0 : i32
        %dma_start3A_569 = tpu.memref_slice %arg9[%add3A_561, %dma_start3A_568] : memref<96x128xi32, #tpu.memory_space<vmem>> -> memref<1x128xi32, #tpu.memory_space<vmem>>
        %dma_start3A_570 = tpu.memref_squeeze %dma_start3A_569 : memref<1x128xi32, #tpu.memory_space<vmem>> -> memref<128xi32, #tpu.memory_space<vmem>>
        %dma_start3A_571 = arith.constant 0 : i32
        %dma_start3A_572 = arith.constant 0 : i32
        %dma_start3A_573 = tpu.memref_slice %arg12[%dma_start3A_571, %dma_start3A_572] : memref<10240x16xf32, #tpu.memory_space<vmem_shared>> -> memref<10240x16xf32, #tpu.memory_space<vmem_shared>>
        %dma_start3A_574 = tpu.memref_slice %arg13[%dma_start3A_563] : memref<8x!tpu.dma_semaphore, #tpu.memory_space<semaphore_mem>> -> memref<1x!tpu.dma_semaphore, #tpu.memory_space<semaphore_mem>>
        %dma_start3A_575 = tpu.memref_squeeze %dma_start3A_574 : memref<1x!tpu.dma_semaphore, #tpu.memory_space<semaphore_mem>> -> memref<!tpu.dma_semaphore, #tpu.memory_space<semaphore_mem>>
        tpu.enqueue_indirect_dma source(%dma_start3A_573 : memref<10240x16xf32, #tpu.memory_space<vmem_shared>>) target(%dma_start3A_567 : memref<128x16xf32, #tpu.memory_space<vmem>>) offsets(%dma_start3A_570 : memref<128xi32, #tpu.memory_space<vmem>>) semaphore(%dma_start3A_575 : memref<!tpu.dma_semaphore, #tpu.memory_space<semaphore_mem>>)
      } else {
      }
      %add3A_375 = arith.constant 3 : i32
      %add3A_376 = arith.addi %mul3A_266, %add3A_375 : i32
      %dma_wait3A_377 = arith.constant 3 : i32
      %dma_wait3A_378 = arith.constant 3 : i32
      %dma_wait3A_379 = arith.constant 0 : i32
      %dma_wait3A_380 = arith.constant 0 : i32
      %dma_wait3A_381 = tpu.memref_slice %arg10[%dma_wait3A_377, %dma_wait3A_379, %dma_wait3A_380] : memref<8x128x16xf32, #tpu.memory_space<vmem>> -> memref<1x128x16xf32, #tpu.memory_space<vmem>>
      %dma_wait3A_382 = tpu.memref_squeeze %dma_wait3A_381 : memref<1x128x16xf32, #tpu.memory_space<vmem>> -> memref<128x16xf32, #tpu.memory_space<vmem>>
      %dma_wait3A_383 = arith.constant 0 : i32
      %dma_wait3A_384 = tpu.memref_slice %arg9[%add3A_376, %dma_wait3A_383] : memref<96x128xi32, #tpu.memory_space<vmem>> -> memref<1x128xi32, #tpu.memory_space<vmem>>
      %dma_wait3A_385 = tpu.memref_squeeze %dma_wait3A_384 : memref<1x128xi32, #tpu.memory_space<vmem>> -> memref<128xi32, #tpu.memory_space<vmem>>
      %dma_wait3A_386 = arith.constant 0 : i32
      %dma_wait3A_387 = arith.constant 0 : i32
      %dma_wait3A_388 = tpu.memref_slice %arg12[%dma_wait3A_386, %dma_wait3A_387] : memref<10240x16xf32, #tpu.memory_space<vmem_shared>> -> memref<10240x16xf32, #tpu.memory_space<vmem_shared>>
      %dma_wait3A_389 = tpu.memref_slice %arg13[%dma_wait3A_378] : memref<8x!tpu.dma_semaphore, #tpu.memory_space<semaphore_mem>> -> memref<1x!tpu.dma_semaphore, #tpu.memory_space<semaphore_mem>>
      %dma_wait3A_390 = tpu.memref_squeeze %dma_wait3A_389 : memref<1x!tpu.dma_semaphore, #tpu.memory_space<semaphore_mem>> -> memref<!tpu.dma_semaphore, #tpu.memory_space<semaphore_mem>>
      tpu.wait_indirect_dma semaphore(%dma_wait3A_390 : memref<!tpu.dma_semaphore, #tpu.memory_space<semaphore_mem>>) src(%dma_wait3A_388 : memref<10240x16xf32, #tpu.memory_space<vmem_shared>>) dst(%dma_wait3A_382 : memref<128x16xf32, #tpu.memory_space<vmem>>)
      %dma_start3A_391 = arith.constant 3 : i32
      %dma_start3A_392 = arith.constant 3 : i32
      %dma_start3A_393 = arith.constant 0 : i32
      %dma_start3A_394 = arith.constant 0 : i32
      %dma_start3A_395 = tpu.memref_slice %arg10[%dma_start3A_391, %dma_start3A_393, %dma_start3A_394] : memref<8x128x16xf32, #tpu.memory_space<vmem>> -> memref<1x128x16xf32, #tpu.memory_space<vmem>>
      %dma_start3A_396 = tpu.memref_squeeze %dma_start3A_395 : memref<1x128x16xf32, #tpu.memory_space<vmem>> -> memref<128x16xf32, #tpu.memory_space<vmem>>
      %dma_start3A_397 = arith.constant 0 : i32
      %dma_start3A_398 = tpu.memref_slice %arg8[%add3A_376, %dma_start3A_397] : memref<96x128xi32, #tpu.memory_space<vmem>> -> memref<1x128xi32, #tpu.memory_space<vmem>>
      %dma_start3A_399 = tpu.memref_squeeze %dma_start3A_398 : memref<1x128xi32, #tpu.memory_space<vmem>> -> memref<128xi32, #tpu.memory_space<vmem>>
      %dma_start3A_400 = arith.constant 0 : i32
      %dma_start3A_401 = arith.constant 0 : i32
      %dma_start3A_402 = tpu.memref_slice %arg11[%dma_start3A_400, %dma_start3A_401] : memref<10240x16xf32, #tpu.memory_space<vmem_shared>> -> memref<10240x16xf32, #tpu.memory_space<vmem_shared>>
      %dma_start3A_403 = tpu.memref_slice %arg14[%dma_start3A_392] : memref<8x!tpu.dma_semaphore, #tpu.memory_space<semaphore_mem>> -> memref<1x!tpu.dma_semaphore, #tpu.memory_space<semaphore_mem>>
      %dma_start3A_404 = tpu.memref_squeeze %dma_start3A_403 : memref<1x!tpu.dma_semaphore, #tpu.memory_space<semaphore_mem>> -> memref<!tpu.dma_semaphore, #tpu.memory_space<semaphore_mem>>
      tpu.enqueue_indirect_dma source(%dma_start3A_396 : memref<128x16xf32, #tpu.memory_space<vmem>>) target(%dma_start3A_402 : memref<10240x16xf32, #tpu.memory_space<vmem_shared>>) offsets(%dma_start3A_399 : memref<128xi32, #tpu.memory_space<vmem>>) semaphore(%dma_start3A_404 : memref<!tpu.dma_semaphore, #tpu.memory_space<semaphore_mem>>) {add = true}
      %add3A_405 = arith.constant 4 : i32
      %add3A_406 = arith.addi %add3A_376, %add3A_405 : i32
      %lt3A_407 = arith.cmpi slt, %add3A_406, %select_n3A : i32
      %convert_element_type3A_408 = arith.extui %lt3A_407 : i1 to i32
      %cond3A_409 = arith.constant 0 : i32
      %cond3A_410 = arith.cmpi ne, %convert_element_type3A_408, %cond3A_409 : i32
      scf.if %cond3A_410 {
        %ge3A = arith.constant 4 : i32
        %ge3A_556 = arith.cmpi sge, %add3A_376, %ge3A : i32
        %convert_element_type3A_557 = arith.extui %ge3A_556 : i1 to i32
        %cond3A_558 = arith.constant 0 : i32
        %cond3A_559 = arith.cmpi ne, %convert_element_type3A_557, %cond3A_558 : i32
        scf.if %cond3A_559 {
          %sub3A_576 = arith.constant 4 : i32
          %sub3A_577 = arith.subi %add3A_376, %sub3A_576 : i32
          %dma_wait3A_578 = arith.constant 7 : i32
          %dma_wait3A_579 = arith.constant 7 : i32
          %dma_wait3A_580 = arith.constant 0 : i32
          %dma_wait3A_581 = arith.constant 0 : i32
          %dma_wait3A_582 = tpu.memref_slice %arg10[%dma_wait3A_578, %dma_wait3A_580, %dma_wait3A_581] : memref<8x128x16xf32, #tpu.memory_space<vmem>> -> memref<1x128x16xf32, #tpu.memory_space<vmem>>
          %dma_wait3A_583 = tpu.memref_squeeze %dma_wait3A_582 : memref<1x128x16xf32, #tpu.memory_space<vmem>> -> memref<128x16xf32, #tpu.memory_space<vmem>>
          %dma_wait3A_584 = arith.constant 0 : i32
          %dma_wait3A_585 = tpu.memref_slice %arg8[%sub3A_577, %dma_wait3A_584] : memref<96x128xi32, #tpu.memory_space<vmem>> -> memref<1x128xi32, #tpu.memory_space<vmem>>
          %dma_wait3A_586 = tpu.memref_squeeze %dma_wait3A_585 : memref<1x128xi32, #tpu.memory_space<vmem>> -> memref<128xi32, #tpu.memory_space<vmem>>
          %dma_wait3A_587 = arith.constant 0 : i32
          %dma_wait3A_588 = arith.constant 0 : i32
          %dma_wait3A_589 = tpu.memref_slice %arg11[%dma_wait3A_587, %dma_wait3A_588] : memref<10240x16xf32, #tpu.memory_space<vmem_shared>> -> memref<10240x16xf32, #tpu.memory_space<vmem_shared>>
          %dma_wait3A_590 = tpu.memref_slice %arg14[%dma_wait3A_579] : memref<8x!tpu.dma_semaphore, #tpu.memory_space<semaphore_mem>> -> memref<1x!tpu.dma_semaphore, #tpu.memory_space<semaphore_mem>>
          %dma_wait3A_591 = tpu.memref_squeeze %dma_wait3A_590 : memref<1x!tpu.dma_semaphore, #tpu.memory_space<semaphore_mem>> -> memref<!tpu.dma_semaphore, #tpu.memory_space<semaphore_mem>>
          tpu.wait_indirect_dma semaphore(%dma_wait3A_591 : memref<!tpu.dma_semaphore, #tpu.memory_space<semaphore_mem>>) src(%dma_wait3A_583 : memref<128x16xf32, #tpu.memory_space<vmem>>) dst(%dma_wait3A_589 : memref<10240x16xf32, #tpu.memory_space<vmem_shared>>)
        } else {
        }
        %add3A_560 = arith.constant 4 : i32
        %add3A_561 = arith.addi %add3A_376, %add3A_560 : i32
        %dma_start3A_562 = arith.constant 7 : i32
        %dma_start3A_563 = arith.constant 7 : i32
        %dma_start3A_564 = arith.constant 0 : i32
        %dma_start3A_565 = arith.constant 0 : i32
        %dma_start3A_566 = tpu.memref_slice %arg10[%dma_start3A_562, %dma_start3A_564, %dma_start3A_565] : memref<8x128x16xf32, #tpu.memory_space<vmem>> -> memref<1x128x16xf32, #tpu.memory_space<vmem>>
        %dma_start3A_567 = tpu.memref_squeeze %dma_start3A_566 : memref<1x128x16xf32, #tpu.memory_space<vmem>> -> memref<128x16xf32, #tpu.memory_space<vmem>>
        %dma_start3A_568 = arith.constant 0 : i32
        %dma_start3A_569 = tpu.memref_slice %arg9[%add3A_561, %dma_start3A_568] : memref<96x128xi32, #tpu.memory_space<vmem>> -> memref<1x128xi32, #tpu.memory_space<vmem>>
        %dma_start3A_570 = tpu.memref_squeeze %dma_start3A_569 : memref<1x128xi32, #tpu.memory_space<vmem>> -> memref<128xi32, #tpu.memory_space<vmem>>
        %dma_start3A_571 = arith.constant 0 : i32
        %dma_start3A_572 = arith.constant 0 : i32
        %dma_start3A_573 = tpu.memref_slice %arg12[%dma_start3A_571, %dma_start3A_572] : memref<10240x16xf32, #tpu.memory_space<vmem_shared>> -> memref<10240x16xf32, #tpu.memory_space<vmem_shared>>
        %dma_start3A_574 = tpu.memref_slice %arg13[%dma_start3A_563] : memref<8x!tpu.dma_semaphore, #tpu.memory_space<semaphore_mem>> -> memref<1x!tpu.dma_semaphore, #tpu.memory_space<semaphore_mem>>
        %dma_start3A_575 = tpu.memref_squeeze %dma_start3A_574 : memref<1x!tpu.dma_semaphore, #tpu.memory_space<semaphore_mem>> -> memref<!tpu.dma_semaphore, #tpu.memory_space<semaphore_mem>>
        tpu.enqueue_indirect_dma source(%dma_start3A_573 : memref<10240x16xf32, #tpu.memory_space<vmem_shared>>) target(%dma_start3A_567 : memref<128x16xf32, #tpu.memory_space<vmem>>) offsets(%dma_start3A_570 : memref<128xi32, #tpu.memory_space<vmem>>) semaphore(%dma_start3A_575 : memref<!tpu.dma_semaphore, #tpu.memory_space<semaphore_mem>>)
      } else {
      }
      %add3A_411 = arith.constant 4 : i32
      %add3A_412 = arith.addi %mul3A_266, %add3A_411 : i32
      %dma_wait3A_413 = arith.constant 4 : i32
      %dma_wait3A_414 = arith.constant 4 : i32
      %dma_wait3A_415 = arith.constant 0 : i32
      %dma_wait3A_416 = arith.constant 0 : i32
      %dma_wait3A_417 = tpu.memref_slice %arg10[%dma_wait3A_413, %dma_wait3A_415, %dma_wait3A_416] : memref<8x128x16xf32, #tpu.memory_space<vmem>> -> memref<1x128x16xf32, #tpu.memory_space<vmem>>
      %dma_wait3A_418 = tpu.memref_squeeze %dma_wait3A_417 : memref<1x128x16xf32, #tpu.memory_space<vmem>> -> memref<128x16xf32, #tpu.memory_space<vmem>>
      %dma_wait3A_419 = arith.constant 0 : i32
      %dma_wait3A_420 = tpu.memref_slice %arg9[%add3A_412, %dma_wait3A_419] : memref<96x128xi32, #tpu.memory_space<vmem>> -> memref<1x128xi32, #tpu.memory_space<vmem>>
      %dma_wait3A_421 = tpu.memref_squeeze %dma_wait3A_420 : memref<1x128xi32, #tpu.memory_space<vmem>> -> memref<128xi32, #tpu.memory_space<vmem>>
      %dma_wait3A_422 = arith.constant 0 : i32
      %dma_wait3A_423 = arith.constant 0 : i32
      %dma_wait3A_424 = tpu.memref_slice %arg12[%dma_wait3A_422, %dma_wait3A_423] : memref<10240x16xf32, #tpu.memory_space<vmem_shared>> -> memref<10240x16xf32, #tpu.memory_space<vmem_shared>>
      %dma_wait3A_425 = tpu.memref_slice %arg13[%dma_wait3A_414] : memref<8x!tpu.dma_semaphore, #tpu.memory_space<semaphore_mem>> -> memref<1x!tpu.dma_semaphore, #tpu.memory_space<semaphore_mem>>
      %dma_wait3A_426 = tpu.memref_squeeze %dma_wait3A_425 : memref<1x!tpu.dma_semaphore, #tpu.memory_space<semaphore_mem>> -> memref<!tpu.dma_semaphore, #tpu.memory_space<semaphore_mem>>
      tpu.wait_indirect_dma semaphore(%dma_wait3A_426 : memref<!tpu.dma_semaphore, #tpu.memory_space<semaphore_mem>>) src(%dma_wait3A_424 : memref<10240x16xf32, #tpu.memory_space<vmem_shared>>) dst(%dma_wait3A_418 : memref<128x16xf32, #tpu.memory_space<vmem>>)
      %dma_start3A_427 = arith.constant 4 : i32
      %dma_start3A_428 = arith.constant 4 : i32
      %dma_start3A_429 = arith.constant 0 : i32
      %dma_start3A_430 = arith.constant 0 : i32
      %dma_start3A_431 = tpu.memref_slice %arg10[%dma_start3A_427, %dma_start3A_429, %dma_start3A_430] : memref<8x128x16xf32, #tpu.memory_space<vmem>> -> memref<1x128x16xf32, #tpu.memory_space<vmem>>
      %dma_start3A_432 = tpu.memref_squeeze %dma_start3A_431 : memref<1x128x16xf32, #tpu.memory_space<vmem>> -> memref<128x16xf32, #tpu.memory_space<vmem>>
      %dma_start3A_433 = arith.constant 0 : i32
      %dma_start3A_434 = tpu.memref_slice %arg8[%add3A_412, %dma_start3A_433] : memref<96x128xi32, #tpu.memory_space<vmem>> -> memref<1x128xi32, #tpu.memory_space<vmem>>
      %dma_start3A_435 = tpu.memref_squeeze %dma_start3A_434 : memref<1x128xi32, #tpu.memory_space<vmem>> -> memref<128xi32, #tpu.memory_space<vmem>>
      %dma_start3A_436 = arith.constant 0 : i32
      %dma_start3A_437 = arith.constant 0 : i32
      %dma_start3A_438 = tpu.memref_slice %arg11[%dma_start3A_436, %dma_start3A_437] : memref<10240x16xf32, #tpu.memory_space<vmem_shared>> -> memref<10240x16xf32, #tpu.memory_space<vmem_shared>>
      %dma_start3A_439 = tpu.memref_slice %arg14[%dma_start3A_428] : memref<8x!tpu.dma_semaphore, #tpu.memory_space<semaphore_mem>> -> memref<1x!tpu.dma_semaphore, #tpu.memory_space<semaphore_mem>>
      %dma_start3A_440 = tpu.memref_squeeze %dma_start3A_439 : memref<1x!tpu.dma_semaphore, #tpu.memory_space<semaphore_mem>> -> memref<!tpu.dma_semaphore, #tpu.memory_space<semaphore_mem>>
      tpu.enqueue_indirect_dma source(%dma_start3A_432 : memref<128x16xf32, #tpu.memory_space<vmem>>) target(%dma_start3A_438 : memref<10240x16xf32, #tpu.memory_space<vmem_shared>>) offsets(%dma_start3A_435 : memref<128xi32, #tpu.memory_space<vmem>>) semaphore(%dma_start3A_440 : memref<!tpu.dma_semaphore, #tpu.memory_space<semaphore_mem>>) {add = true}
      %add3A_441 = arith.constant 4 : i32
      %add3A_442 = arith.addi %add3A_412, %add3A_441 : i32
      %lt3A_443 = arith.cmpi slt, %add3A_442, %select_n3A : i32
      %convert_element_type3A_444 = arith.extui %lt3A_443 : i1 to i32
      %cond3A_445 = arith.constant 0 : i32
      %cond3A_446 = arith.cmpi ne, %convert_element_type3A_444, %cond3A_445 : i32
      scf.if %cond3A_446 {
        %ge3A = arith.constant 4 : i32
        %ge3A_556 = arith.cmpi sge, %add3A_412, %ge3A : i32
        %convert_element_type3A_557 = arith.extui %ge3A_556 : i1 to i32
        %cond3A_558 = arith.constant 0 : i32
        %cond3A_559 = arith.cmpi ne, %convert_element_type3A_557, %cond3A_558 : i32
        scf.if %cond3A_559 {
          %sub3A_576 = arith.constant 4 : i32
          %sub3A_577 = arith.subi %add3A_412, %sub3A_576 : i32
          %dma_wait3A_578 = arith.constant 0 : i32
          %dma_wait3A_579 = arith.constant 0 : i32
          %dma_wait3A_580 = arith.constant 0 : i32
          %dma_wait3A_581 = arith.constant 0 : i32
          %dma_wait3A_582 = tpu.memref_slice %arg10[%dma_wait3A_578, %dma_wait3A_580, %dma_wait3A_581] : memref<8x128x16xf32, #tpu.memory_space<vmem>> -> memref<1x128x16xf32, #tpu.memory_space<vmem>>
          %dma_wait3A_583 = tpu.memref_squeeze %dma_wait3A_582 : memref<1x128x16xf32, #tpu.memory_space<vmem>> -> memref<128x16xf32, #tpu.memory_space<vmem>>
          %dma_wait3A_584 = arith.constant 0 : i32
          %dma_wait3A_585 = tpu.memref_slice %arg8[%sub3A_577, %dma_wait3A_584] : memref<96x128xi32, #tpu.memory_space<vmem>> -> memref<1x128xi32, #tpu.memory_space<vmem>>
          %dma_wait3A_586 = tpu.memref_squeeze %dma_wait3A_585 : memref<1x128xi32, #tpu.memory_space<vmem>> -> memref<128xi32, #tpu.memory_space<vmem>>
          %dma_wait3A_587 = arith.constant 0 : i32
          %dma_wait3A_588 = arith.constant 0 : i32
          %dma_wait3A_589 = tpu.memref_slice %arg11[%dma_wait3A_587, %dma_wait3A_588] : memref<10240x16xf32, #tpu.memory_space<vmem_shared>> -> memref<10240x16xf32, #tpu.memory_space<vmem_shared>>
          %dma_wait3A_590 = tpu.memref_slice %arg14[%dma_wait3A_579] : memref<8x!tpu.dma_semaphore, #tpu.memory_space<semaphore_mem>> -> memref<1x!tpu.dma_semaphore, #tpu.memory_space<semaphore_mem>>
          %dma_wait3A_591 = tpu.memref_squeeze %dma_wait3A_590 : memref<1x!tpu.dma_semaphore, #tpu.memory_space<semaphore_mem>> -> memref<!tpu.dma_semaphore, #tpu.memory_space<semaphore_mem>>
          tpu.wait_indirect_dma semaphore(%dma_wait3A_591 : memref<!tpu.dma_semaphore, #tpu.memory_space<semaphore_mem>>) src(%dma_wait3A_583 : memref<128x16xf32, #tpu.memory_space<vmem>>) dst(%dma_wait3A_589 : memref<10240x16xf32, #tpu.memory_space<vmem_shared>>)
        } else {
        }
        %add3A_560 = arith.constant 4 : i32
        %add3A_561 = arith.addi %add3A_412, %add3A_560 : i32
        %dma_start3A_562 = arith.constant 0 : i32
        %dma_start3A_563 = arith.constant 0 : i32
        %dma_start3A_564 = arith.constant 0 : i32
        %dma_start3A_565 = arith.constant 0 : i32
        %dma_start3A_566 = tpu.memref_slice %arg10[%dma_start3A_562, %dma_start3A_564, %dma_start3A_565] : memref<8x128x16xf32, #tpu.memory_space<vmem>> -> memref<1x128x16xf32, #tpu.memory_space<vmem>>
        %dma_start3A_567 = tpu.memref_squeeze %dma_start3A_566 : memref<1x128x16xf32, #tpu.memory_space<vmem>> -> memref<128x16xf32, #tpu.memory_space<vmem>>
        %dma_start3A_568 = arith.constant 0 : i32
        %dma_start3A_569 = tpu.memref_slice %arg9[%add3A_561, %dma_start3A_568] : memref<96x128xi32, #tpu.memory_space<vmem>> -> memref<1x128xi32, #tpu.memory_space<vmem>>
        %dma_start3A_570 = tpu.memref_squeeze %dma_start3A_569 : memref<1x128xi32, #tpu.memory_space<vmem>> -> memref<128xi32, #tpu.memory_space<vmem>>
        %dma_start3A_571 = arith.constant 0 : i32
        %dma_start3A_572 = arith.constant 0 : i32
        %dma_start3A_573 = tpu.memref_slice %arg12[%dma_start3A_571, %dma_start3A_572] : memref<10240x16xf32, #tpu.memory_space<vmem_shared>> -> memref<10240x16xf32, #tpu.memory_space<vmem_shared>>
        %dma_start3A_574 = tpu.memref_slice %arg13[%dma_start3A_563] : memref<8x!tpu.dma_semaphore, #tpu.memory_space<semaphore_mem>> -> memref<1x!tpu.dma_semaphore, #tpu.memory_space<semaphore_mem>>
        %dma_start3A_575 = tpu.memref_squeeze %dma_start3A_574 : memref<1x!tpu.dma_semaphore, #tpu.memory_space<semaphore_mem>> -> memref<!tpu.dma_semaphore, #tpu.memory_space<semaphore_mem>>
        tpu.enqueue_indirect_dma source(%dma_start3A_573 : memref<10240x16xf32, #tpu.memory_space<vmem_shared>>) target(%dma_start3A_567 : memref<128x16xf32, #tpu.memory_space<vmem>>) offsets(%dma_start3A_570 : memref<128xi32, #tpu.memory_space<vmem>>) semaphore(%dma_start3A_575 : memref<!tpu.dma_semaphore, #tpu.memory_space<semaphore_mem>>)
      } else {
      }
      %add3A_447 = arith.constant 5 : i32
      %add3A_448 = arith.addi %mul3A_266, %add3A_447 : i32
      %dma_wait3A_449 = arith.constant 5 : i32
      %dma_wait3A_450 = arith.constant 5 : i32
      %dma_wait3A_451 = arith.constant 0 : i32
      %dma_wait3A_452 = arith.constant 0 : i32
      %dma_wait3A_453 = tpu.memref_slice %arg10[%dma_wait3A_449, %dma_wait3A_451, %dma_wait3A_452] : memref<8x128x16xf32, #tpu.memory_space<vmem>> -> memref<1x128x16xf32, #tpu.memory_space<vmem>>
      %dma_wait3A_454 = tpu.memref_squeeze %dma_wait3A_453 : memref<1x128x16xf32, #tpu.memory_space<vmem>> -> memref<128x16xf32, #tpu.memory_space<vmem>>
      %dma_wait3A_455 = arith.constant 0 : i32
      %dma_wait3A_456 = tpu.memref_slice %arg9[%add3A_448, %dma_wait3A_455] : memref<96x128xi32, #tpu.memory_space<vmem>> -> memref<1x128xi32, #tpu.memory_space<vmem>>
      %dma_wait3A_457 = tpu.memref_squeeze %dma_wait3A_456 : memref<1x128xi32, #tpu.memory_space<vmem>> -> memref<128xi32, #tpu.memory_space<vmem>>
      %dma_wait3A_458 = arith.constant 0 : i32
      %dma_wait3A_459 = arith.constant 0 : i32
      %dma_wait3A_460 = tpu.memref_slice %arg12[%dma_wait3A_458, %dma_wait3A_459] : memref<10240x16xf32, #tpu.memory_space<vmem_shared>> -> memref<10240x16xf32, #tpu.memory_space<vmem_shared>>
      %dma_wait3A_461 = tpu.memref_slice %arg13[%dma_wait3A_450] : memref<8x!tpu.dma_semaphore, #tpu.memory_space<semaphore_mem>> -> memref<1x!tpu.dma_semaphore, #tpu.memory_space<semaphore_mem>>
      %dma_wait3A_462 = tpu.memref_squeeze %dma_wait3A_461 : memref<1x!tpu.dma_semaphore, #tpu.memory_space<semaphore_mem>> -> memref<!tpu.dma_semaphore, #tpu.memory_space<semaphore_mem>>
      tpu.wait_indirect_dma semaphore(%dma_wait3A_462 : memref<!tpu.dma_semaphore, #tpu.memory_space<semaphore_mem>>) src(%dma_wait3A_460 : memref<10240x16xf32, #tpu.memory_space<vmem_shared>>) dst(%dma_wait3A_454 : memref<128x16xf32, #tpu.memory_space<vmem>>)
      %dma_start3A_463 = arith.constant 5 : i32
      %dma_start3A_464 = arith.constant 5 : i32
      %dma_start3A_465 = arith.constant 0 : i32
      %dma_start3A_466 = arith.constant 0 : i32
      %dma_start3A_467 = tpu.memref_slice %arg10[%dma_start3A_463, %dma_start3A_465, %dma_start3A_466] : memref<8x128x16xf32, #tpu.memory_space<vmem>> -> memref<1x128x16xf32, #tpu.memory_space<vmem>>
      %dma_start3A_468 = tpu.memref_squeeze %dma_start3A_467 : memref<1x128x16xf32, #tpu.memory_space<vmem>> -> memref<128x16xf32, #tpu.memory_space<vmem>>
      %dma_start3A_469 = arith.constant 0 : i32
      %dma_start3A_470 = tpu.memref_slice %arg8[%add3A_448, %dma_start3A_469] : memref<96x128xi32, #tpu.memory_space<vmem>> -> memref<1x128xi32, #tpu.memory_space<vmem>>
      %dma_start3A_471 = tpu.memref_squeeze %dma_start3A_470 : memref<1x128xi32, #tpu.memory_space<vmem>> -> memref<128xi32, #tpu.memory_space<vmem>>
      %dma_start3A_472 = arith.constant 0 : i32
      %dma_start3A_473 = arith.constant 0 : i32
      %dma_start3A_474 = tpu.memref_slice %arg11[%dma_start3A_472, %dma_start3A_473] : memref<10240x16xf32, #tpu.memory_space<vmem_shared>> -> memref<10240x16xf32, #tpu.memory_space<vmem_shared>>
      %dma_start3A_475 = tpu.memref_slice %arg14[%dma_start3A_464] : memref<8x!tpu.dma_semaphore, #tpu.memory_space<semaphore_mem>> -> memref<1x!tpu.dma_semaphore, #tpu.memory_space<semaphore_mem>>
      %dma_start3A_476 = tpu.memref_squeeze %dma_start3A_475 : memref<1x!tpu.dma_semaphore, #tpu.memory_space<semaphore_mem>> -> memref<!tpu.dma_semaphore, #tpu.memory_space<semaphore_mem>>
      tpu.enqueue_indirect_dma source(%dma_start3A_468 : memref<128x16xf32, #tpu.memory_space<vmem>>) target(%dma_start3A_474 : memref<10240x16xf32, #tpu.memory_space<vmem_shared>>) offsets(%dma_start3A_471 : memref<128xi32, #tpu.memory_space<vmem>>) semaphore(%dma_start3A_476 : memref<!tpu.dma_semaphore, #tpu.memory_space<semaphore_mem>>) {add = true}
      %add3A_477 = arith.constant 4 : i32
      %add3A_478 = arith.addi %add3A_448, %add3A_477 : i32
      %lt3A_479 = arith.cmpi slt, %add3A_478, %select_n3A : i32
      %convert_element_type3A_480 = arith.extui %lt3A_479 : i1 to i32
      %cond3A_481 = arith.constant 0 : i32
      %cond3A_482 = arith.cmpi ne, %convert_element_type3A_480, %cond3A_481 : i32
      scf.if %cond3A_482 {
        %ge3A = arith.constant 4 : i32
        %ge3A_556 = arith.cmpi sge, %add3A_448, %ge3A : i32
        %convert_element_type3A_557 = arith.extui %ge3A_556 : i1 to i32
        %cond3A_558 = arith.constant 0 : i32
        %cond3A_559 = arith.cmpi ne, %convert_element_type3A_557, %cond3A_558 : i32
        scf.if %cond3A_559 {
          %sub3A_576 = arith.constant 4 : i32
          %sub3A_577 = arith.subi %add3A_448, %sub3A_576 : i32
          %dma_wait3A_578 = arith.constant 1 : i32
          %dma_wait3A_579 = arith.constant 1 : i32
          %dma_wait3A_580 = arith.constant 0 : i32
          %dma_wait3A_581 = arith.constant 0 : i32
          %dma_wait3A_582 = tpu.memref_slice %arg10[%dma_wait3A_578, %dma_wait3A_580, %dma_wait3A_581] : memref<8x128x16xf32, #tpu.memory_space<vmem>> -> memref<1x128x16xf32, #tpu.memory_space<vmem>>
          %dma_wait3A_583 = tpu.memref_squeeze %dma_wait3A_582 : memref<1x128x16xf32, #tpu.memory_space<vmem>> -> memref<128x16xf32, #tpu.memory_space<vmem>>
          %dma_wait3A_584 = arith.constant 0 : i32
          %dma_wait3A_585 = tpu.memref_slice %arg8[%sub3A_577, %dma_wait3A_584] : memref<96x128xi32, #tpu.memory_space<vmem>> -> memref<1x128xi32, #tpu.memory_space<vmem>>
          %dma_wait3A_586 = tpu.memref_squeeze %dma_wait3A_585 : memref<1x128xi32, #tpu.memory_space<vmem>> -> memref<128xi32, #tpu.memory_space<vmem>>
          %dma_wait3A_587 = arith.constant 0 : i32
          %dma_wait3A_588 = arith.constant 0 : i32
          %dma_wait3A_589 = tpu.memref_slice %arg11[%dma_wait3A_587, %dma_wait3A_588] : memref<10240x16xf32, #tpu.memory_space<vmem_shared>> -> memref<10240x16xf32, #tpu.memory_space<vmem_shared>>
          %dma_wait3A_590 = tpu.memref_slice %arg14[%dma_wait3A_579] : memref<8x!tpu.dma_semaphore, #tpu.memory_space<semaphore_mem>> -> memref<1x!tpu.dma_semaphore, #tpu.memory_space<semaphore_mem>>
          %dma_wait3A_591 = tpu.memref_squeeze %dma_wait3A_590 : memref<1x!tpu.dma_semaphore, #tpu.memory_space<semaphore_mem>> -> memref<!tpu.dma_semaphore, #tpu.memory_space<semaphore_mem>>
          tpu.wait_indirect_dma semaphore(%dma_wait3A_591 : memref<!tpu.dma_semaphore, #tpu.memory_space<semaphore_mem>>) src(%dma_wait3A_583 : memref<128x16xf32, #tpu.memory_space<vmem>>) dst(%dma_wait3A_589 : memref<10240x16xf32, #tpu.memory_space<vmem_shared>>)
        } else {
        }
        %add3A_560 = arith.constant 4 : i32
        %add3A_561 = arith.addi %add3A_448, %add3A_560 : i32
        %dma_start3A_562 = arith.constant 1 : i32
        %dma_start3A_563 = arith.constant 1 : i32
        %dma_start3A_564 = arith.constant 0 : i32
        %dma_start3A_565 = arith.constant 0 : i32
        %dma_start3A_566 = tpu.memref_slice %arg10[%dma_start3A_562, %dma_start3A_564, %dma_start3A_565] : memref<8x128x16xf32, #tpu.memory_space<vmem>> -> memref<1x128x16xf32, #tpu.memory_space<vmem>>
        %dma_start3A_567 = tpu.memref_squeeze %dma_start3A_566 : memref<1x128x16xf32, #tpu.memory_space<vmem>> -> memref<128x16xf32, #tpu.memory_space<vmem>>
        %dma_start3A_568 = arith.constant 0 : i32
        %dma_start3A_569 = tpu.memref_slice %arg9[%add3A_561, %dma_start3A_568] : memref<96x128xi32, #tpu.memory_space<vmem>> -> memref<1x128xi32, #tpu.memory_space<vmem>>
        %dma_start3A_570 = tpu.memref_squeeze %dma_start3A_569 : memref<1x128xi32, #tpu.memory_space<vmem>> -> memref<128xi32, #tpu.memory_space<vmem>>
        %dma_start3A_571 = arith.constant 0 : i32
        %dma_start3A_572 = arith.constant 0 : i32
        %dma_start3A_573 = tpu.memref_slice %arg12[%dma_start3A_571, %dma_start3A_572] : memref<10240x16xf32, #tpu.memory_space<vmem_shared>> -> memref<10240x16xf32, #tpu.memory_space<vmem_shared>>
        %dma_start3A_574 = tpu.memref_slice %arg13[%dma_start3A_563] : memref<8x!tpu.dma_semaphore, #tpu.memory_space<semaphore_mem>> -> memref<1x!tpu.dma_semaphore, #tpu.memory_space<semaphore_mem>>
        %dma_start3A_575 = tpu.memref_squeeze %dma_start3A_574 : memref<1x!tpu.dma_semaphore, #tpu.memory_space<semaphore_mem>> -> memref<!tpu.dma_semaphore, #tpu.memory_space<semaphore_mem>>
        tpu.enqueue_indirect_dma source(%dma_start3A_573 : memref<10240x16xf32, #tpu.memory_space<vmem_shared>>) target(%dma_start3A_567 : memref<128x16xf32, #tpu.memory_space<vmem>>) offsets(%dma_start3A_570 : memref<128xi32, #tpu.memory_space<vmem>>) semaphore(%dma_start3A_575 : memref<!tpu.dma_semaphore, #tpu.memory_space<semaphore_mem>>)
      } else {
      }
      %add3A_483 = arith.constant 6 : i32
      %add3A_484 = arith.addi %mul3A_266, %add3A_483 : i32
      %dma_wait3A_485 = arith.constant 6 : i32
      %dma_wait3A_486 = arith.constant 6 : i32
      %dma_wait3A_487 = arith.constant 0 : i32
      %dma_wait3A_488 = arith.constant 0 : i32
      %dma_wait3A_489 = tpu.memref_slice %arg10[%dma_wait3A_485, %dma_wait3A_487, %dma_wait3A_488] : memref<8x128x16xf32, #tpu.memory_space<vmem>> -> memref<1x128x16xf32, #tpu.memory_space<vmem>>
      %dma_wait3A_490 = tpu.memref_squeeze %dma_wait3A_489 : memref<1x128x16xf32, #tpu.memory_space<vmem>> -> memref<128x16xf32, #tpu.memory_space<vmem>>
      %dma_wait3A_491 = arith.constant 0 : i32
      %dma_wait3A_492 = tpu.memref_slice %arg9[%add3A_484, %dma_wait3A_491] : memref<96x128xi32, #tpu.memory_space<vmem>> -> memref<1x128xi32, #tpu.memory_space<vmem>>
      %dma_wait3A_493 = tpu.memref_squeeze %dma_wait3A_492 : memref<1x128xi32, #tpu.memory_space<vmem>> -> memref<128xi32, #tpu.memory_space<vmem>>
      %dma_wait3A_494 = arith.constant 0 : i32
      %dma_wait3A_495 = arith.constant 0 : i32
      %dma_wait3A_496 = tpu.memref_slice %arg12[%dma_wait3A_494, %dma_wait3A_495] : memref<10240x16xf32, #tpu.memory_space<vmem_shared>> -> memref<10240x16xf32, #tpu.memory_space<vmem_shared>>
      %dma_wait3A_497 = tpu.memref_slice %arg13[%dma_wait3A_486] : memref<8x!tpu.dma_semaphore, #tpu.memory_space<semaphore_mem>> -> memref<1x!tpu.dma_semaphore, #tpu.memory_space<semaphore_mem>>
      %dma_wait3A_498 = tpu.memref_squeeze %dma_wait3A_497 : memref<1x!tpu.dma_semaphore, #tpu.memory_space<semaphore_mem>> -> memref<!tpu.dma_semaphore, #tpu.memory_space<semaphore_mem>>
      tpu.wait_indirect_dma semaphore(%dma_wait3A_498 : memref<!tpu.dma_semaphore, #tpu.memory_space<semaphore_mem>>) src(%dma_wait3A_496 : memref<10240x16xf32, #tpu.memory_space<vmem_shared>>) dst(%dma_wait3A_490 : memref<128x16xf32, #tpu.memory_space<vmem>>)
      %dma_start3A_499 = arith.constant 6 : i32
      %dma_start3A_500 = arith.constant 6 : i32
      %dma_start3A_501 = arith.constant 0 : i32
      %dma_start3A_502 = arith.constant 0 : i32
      %dma_start3A_503 = tpu.memref_slice %arg10[%dma_start3A_499, %dma_start3A_501, %dma_start3A_502] : memref<8x128x16xf32, #tpu.memory_space<vmem>> -> memref<1x128x16xf32, #tpu.memory_space<vmem>>
      %dma_start3A_504 = tpu.memref_squeeze %dma_start3A_503 : memref<1x128x16xf32, #tpu.memory_space<vmem>> -> memref<128x16xf32, #tpu.memory_space<vmem>>
      %dma_start3A_505 = arith.constant 0 : i32
      %dma_start3A_506 = tpu.memref_slice %arg8[%add3A_484, %dma_start3A_505] : memref<96x128xi32, #tpu.memory_space<vmem>> -> memref<1x128xi32, #tpu.memory_space<vmem>>
      %dma_start3A_507 = tpu.memref_squeeze %dma_start3A_506 : memref<1x128xi32, #tpu.memory_space<vmem>> -> memref<128xi32, #tpu.memory_space<vmem>>
      %dma_start3A_508 = arith.constant 0 : i32
      %dma_start3A_509 = arith.constant 0 : i32
      %dma_start3A_510 = tpu.memref_slice %arg11[%dma_start3A_508, %dma_start3A_509] : memref<10240x16xf32, #tpu.memory_space<vmem_shared>> -> memref<10240x16xf32, #tpu.memory_space<vmem_shared>>
      %dma_start3A_511 = tpu.memref_slice %arg14[%dma_start3A_500] : memref<8x!tpu.dma_semaphore, #tpu.memory_space<semaphore_mem>> -> memref<1x!tpu.dma_semaphore, #tpu.memory_space<semaphore_mem>>
      %dma_start3A_512 = tpu.memref_squeeze %dma_start3A_511 : memref<1x!tpu.dma_semaphore, #tpu.memory_space<semaphore_mem>> -> memref<!tpu.dma_semaphore, #tpu.memory_space<semaphore_mem>>
      tpu.enqueue_indirect_dma source(%dma_start3A_504 : memref<128x16xf32, #tpu.memory_space<vmem>>) target(%dma_start3A_510 : memref<10240x16xf32, #tpu.memory_space<vmem_shared>>) offsets(%dma_start3A_507 : memref<128xi32, #tpu.memory_space<vmem>>) semaphore(%dma_start3A_512 : memref<!tpu.dma_semaphore, #tpu.memory_space<semaphore_mem>>) {add = true}
      %add3A_513 = arith.constant 4 : i32
      %add3A_514 = arith.addi %add3A_484, %add3A_513 : i32
      %lt3A_515 = arith.cmpi slt, %add3A_514, %select_n3A : i32
      %convert_element_type3A_516 = arith.extui %lt3A_515 : i1 to i32
      %cond3A_517 = arith.constant 0 : i32
      %cond3A_518 = arith.cmpi ne, %convert_element_type3A_516, %cond3A_517 : i32
      scf.if %cond3A_518 {
        %ge3A = arith.constant 4 : i32
        %ge3A_556 = arith.cmpi sge, %add3A_484, %ge3A : i32
        %convert_element_type3A_557 = arith.extui %ge3A_556 : i1 to i32
        %cond3A_558 = arith.constant 0 : i32
        %cond3A_559 = arith.cmpi ne, %convert_element_type3A_557, %cond3A_558 : i32
        scf.if %cond3A_559 {
          %sub3A_576 = arith.constant 4 : i32
          %sub3A_577 = arith.subi %add3A_484, %sub3A_576 : i32
          %dma_wait3A_578 = arith.constant 2 : i32
          %dma_wait3A_579 = arith.constant 2 : i32
          %dma_wait3A_580 = arith.constant 0 : i32
          %dma_wait3A_581 = arith.constant 0 : i32
          %dma_wait3A_582 = tpu.memref_slice %arg10[%dma_wait3A_578, %dma_wait3A_580, %dma_wait3A_581] : memref<8x128x16xf32, #tpu.memory_space<vmem>> -> memref<1x128x16xf32, #tpu.memory_space<vmem>>
          %dma_wait3A_583 = tpu.memref_squeeze %dma_wait3A_582 : memref<1x128x16xf32, #tpu.memory_space<vmem>> -> memref<128x16xf32, #tpu.memory_space<vmem>>
          %dma_wait3A_584 = arith.constant 0 : i32
          %dma_wait3A_585 = tpu.memref_slice %arg8[%sub3A_577, %dma_wait3A_584] : memref<96x128xi32, #tpu.memory_space<vmem>> -> memref<1x128xi32, #tpu.memory_space<vmem>>
          %dma_wait3A_586 = tpu.memref_squeeze %dma_wait3A_585 : memref<1x128xi32, #tpu.memory_space<vmem>> -> memref<128xi32, #tpu.memory_space<vmem>>
          %dma_wait3A_587 = arith.constant 0 : i32
          %dma_wait3A_588 = arith.constant 0 : i32
          %dma_wait3A_589 = tpu.memref_slice %arg11[%dma_wait3A_587, %dma_wait3A_588] : memref<10240x16xf32, #tpu.memory_space<vmem_shared>> -> memref<10240x16xf32, #tpu.memory_space<vmem_shared>>
          %dma_wait3A_590 = tpu.memref_slice %arg14[%dma_wait3A_579] : memref<8x!tpu.dma_semaphore, #tpu.memory_space<semaphore_mem>> -> memref<1x!tpu.dma_semaphore, #tpu.memory_space<semaphore_mem>>
          %dma_wait3A_591 = tpu.memref_squeeze %dma_wait3A_590 : memref<1x!tpu.dma_semaphore, #tpu.memory_space<semaphore_mem>> -> memref<!tpu.dma_semaphore, #tpu.memory_space<semaphore_mem>>
          tpu.wait_indirect_dma semaphore(%dma_wait3A_591 : memref<!tpu.dma_semaphore, #tpu.memory_space<semaphore_mem>>) src(%dma_wait3A_583 : memref<128x16xf32, #tpu.memory_space<vmem>>) dst(%dma_wait3A_589 : memref<10240x16xf32, #tpu.memory_space<vmem_shared>>)
        } else {
        }
        %add3A_560 = arith.constant 4 : i32
        %add3A_561 = arith.addi %add3A_484, %add3A_560 : i32
        %dma_start3A_562 = arith.constant 2 : i32
        %dma_start3A_563 = arith.constant 2 : i32
        %dma_start3A_564 = arith.constant 0 : i32
        %dma_start3A_565 = arith.constant 0 : i32
        %dma_start3A_566 = tpu.memref_slice %arg10[%dma_start3A_562, %dma_start3A_564, %dma_start3A_565] : memref<8x128x16xf32, #tpu.memory_space<vmem>> -> memref<1x128x16xf32, #tpu.memory_space<vmem>>
        %dma_start3A_567 = tpu.memref_squeeze %dma_start3A_566 : memref<1x128x16xf32, #tpu.memory_space<vmem>> -> memref<128x16xf32, #tpu.memory_space<vmem>>
        %dma_start3A_568 = arith.constant 0 : i32
        %dma_start3A_569 = tpu.memref_slice %arg9[%add3A_561, %dma_start3A_568] : memref<96x128xi32, #tpu.memory_space<vmem>> -> memref<1x128xi32, #tpu.memory_space<vmem>>
        %dma_start3A_570 = tpu.memref_squeeze %dma_start3A_569 : memref<1x128xi32, #tpu.memory_space<vmem>> -> memref<128xi32, #tpu.memory_space<vmem>>
        %dma_start3A_571 = arith.constant 0 : i32
        %dma_start3A_572 = arith.constant 0 : i32
        %dma_start3A_573 = tpu.memref_slice %arg12[%dma_start3A_571, %dma_start3A_572] : memref<10240x16xf32, #tpu.memory_space<vmem_shared>> -> memref<10240x16xf32, #tpu.memory_space<vmem_shared>>
        %dma_start3A_574 = tpu.memref_slice %arg13[%dma_start3A_563] : memref<8x!tpu.dma_semaphore, #tpu.memory_space<semaphore_mem>> -> memref<1x!tpu.dma_semaphore, #tpu.memory_space<semaphore_mem>>
        %dma_start3A_575 = tpu.memref_squeeze %dma_start3A_574 : memref<1x!tpu.dma_semaphore, #tpu.memory_space<semaphore_mem>> -> memref<!tpu.dma_semaphore, #tpu.memory_space<semaphore_mem>>
        tpu.enqueue_indirect_dma source(%dma_start3A_573 : memref<10240x16xf32, #tpu.memory_space<vmem_shared>>) target(%dma_start3A_567 : memref<128x16xf32, #tpu.memory_space<vmem>>) offsets(%dma_start3A_570 : memref<128xi32, #tpu.memory_space<vmem>>) semaphore(%dma_start3A_575 : memref<!tpu.dma_semaphore, #tpu.memory_space<semaphore_mem>>)
      } else {
      }
      %add3A_519 = arith.constant 7 : i32
      %add3A_520 = arith.addi %mul3A_266, %add3A_519 : i32
      %dma_wait3A_521 = arith.constant 7 : i32
      %dma_wait3A_522 = arith.constant 7 : i32
      %dma_wait3A_523 = arith.constant 0 : i32
      %dma_wait3A_524 = arith.constant 0 : i32
      %dma_wait3A_525 = tpu.memref_slice %arg10[%dma_wait3A_521, %dma_wait3A_523, %dma_wait3A_524] : memref<8x128x16xf32, #tpu.memory_space<vmem>> -> memref<1x128x16xf32, #tpu.memory_space<vmem>>
      %dma_wait3A_526 = tpu.memref_squeeze %dma_wait3A_525 : memref<1x128x16xf32, #tpu.memory_space<vmem>> -> memref<128x16xf32, #tpu.memory_space<vmem>>
      %dma_wait3A_527 = arith.constant 0 : i32
      %dma_wait3A_528 = tpu.memref_slice %arg9[%add3A_520, %dma_wait3A_527] : memref<96x128xi32, #tpu.memory_space<vmem>> -> memref<1x128xi32, #tpu.memory_space<vmem>>
      %dma_wait3A_529 = tpu.memref_squeeze %dma_wait3A_528 : memref<1x128xi32, #tpu.memory_space<vmem>> -> memref<128xi32, #tpu.memory_space<vmem>>
      %dma_wait3A_530 = arith.constant 0 : i32
      %dma_wait3A_531 = arith.constant 0 : i32
      %dma_wait3A_532 = tpu.memref_slice %arg12[%dma_wait3A_530, %dma_wait3A_531] : memref<10240x16xf32, #tpu.memory_space<vmem_shared>> -> memref<10240x16xf32, #tpu.memory_space<vmem_shared>>
      %dma_wait3A_533 = tpu.memref_slice %arg13[%dma_wait3A_522] : memref<8x!tpu.dma_semaphore, #tpu.memory_space<semaphore_mem>> -> memref<1x!tpu.dma_semaphore, #tpu.memory_space<semaphore_mem>>
      %dma_wait3A_534 = tpu.memref_squeeze %dma_wait3A_533 : memref<1x!tpu.dma_semaphore, #tpu.memory_space<semaphore_mem>> -> memref<!tpu.dma_semaphore, #tpu.memory_space<semaphore_mem>>
      tpu.wait_indirect_dma semaphore(%dma_wait3A_534 : memref<!tpu.dma_semaphore, #tpu.memory_space<semaphore_mem>>) src(%dma_wait3A_532 : memref<10240x16xf32, #tpu.memory_space<vmem_shared>>) dst(%dma_wait3A_526 : memref<128x16xf32, #tpu.memory_space<vmem>>)
      %dma_start3A_535 = arith.constant 7 : i32
      %dma_start3A_536 = arith.constant 7 : i32
      %dma_start3A_537 = arith.constant 0 : i32
      %dma_start3A_538 = arith.constant 0 : i32
      %dma_start3A_539 = tpu.memref_slice %arg10[%dma_start3A_535, %dma_start3A_537, %dma_start3A_538] : memref<8x128x16xf32, #tpu.memory_space<vmem>> -> memref<1x128x16xf32, #tpu.memory_space<vmem>>
      %dma_start3A_540 = tpu.memref_squeeze %dma_start3A_539 : memref<1x128x16xf32, #tpu.memory_space<vmem>> -> memref<128x16xf32, #tpu.memory_space<vmem>>
      %dma_start3A_541 = arith.constant 0 : i32
      %dma_start3A_542 = tpu.memref_slice %arg8[%add3A_520, %dma_start3A_541] : memref<96x128xi32, #tpu.memory_space<vmem>> -> memref<1x128xi32, #tpu.memory_space<vmem>>
      %dma_start3A_543 = tpu.memref_squeeze %dma_start3A_542 : memref<1x128xi32, #tpu.memory_space<vmem>> -> memref<128xi32, #tpu.memory_space<vmem>>
      %dma_start3A_544 = arith.constant 0 : i32
      %dma_start3A_545 = arith.constant 0 : i32
      %dma_start3A_546 = tpu.memref_slice %arg11[%dma_start3A_544, %dma_start3A_545] : memref<10240x16xf32, #tpu.memory_space<vmem_shared>> -> memref<10240x16xf32, #tpu.memory_space<vmem_shared>>
      %dma_start3A_547 = tpu.memref_slice %arg14[%dma_start3A_536] : memref<8x!tpu.dma_semaphore, #tpu.memory_space<semaphore_mem>> -> memref<1x!tpu.dma_semaphore, #tpu.memory_space<semaphore_mem>>
      %dma_start3A_548 = tpu.memref_squeeze %dma_start3A_547 : memref<1x!tpu.dma_semaphore, #tpu.memory_space<semaphore_mem>> -> memref<!tpu.dma_semaphore, #tpu.memory_space<semaphore_mem>>
      tpu.enqueue_indirect_dma source(%dma_start3A_540 : memref<128x16xf32, #tpu.memory_space<vmem>>) target(%dma_start3A_546 : memref<10240x16xf32, #tpu.memory_space<vmem_shared>>) offsets(%dma_start3A_543 : memref<128xi32, #tpu.memory_space<vmem>>) semaphore(%dma_start3A_548 : memref<!tpu.dma_semaphore, #tpu.memory_space<semaphore_mem>>) {add = true}
      %add3A_549 = arith.constant 4 : i32
      %add3A_550 = arith.addi %add3A_520, %add3A_549 : i32
      %lt3A_551 = arith.cmpi slt, %add3A_550, %select_n3A : i32
      %convert_element_type3A_552 = arith.extui %lt3A_551 : i1 to i32
      %cond3A_553 = arith.constant 0 : i32
      %cond3A_554 = arith.cmpi ne, %convert_element_type3A_552, %cond3A_553 : i32
      scf.if %cond3A_554 {
        %ge3A = arith.constant 4 : i32
        %ge3A_556 = arith.cmpi sge, %add3A_520, %ge3A : i32
        %convert_element_type3A_557 = arith.extui %ge3A_556 : i1 to i32
        %cond3A_558 = arith.constant 0 : i32
        %cond3A_559 = arith.cmpi ne, %convert_element_type3A_557, %cond3A_558 : i32
        scf.if %cond3A_559 {
          %sub3A_576 = arith.constant 4 : i32
          %sub3A_577 = arith.subi %add3A_520, %sub3A_576 : i32
          %dma_wait3A_578 = arith.constant 3 : i32
          %dma_wait3A_579 = arith.constant 3 : i32
          %dma_wait3A_580 = arith.constant 0 : i32
          %dma_wait3A_581 = arith.constant 0 : i32
          %dma_wait3A_582 = tpu.memref_slice %arg10[%dma_wait3A_578, %dma_wait3A_580, %dma_wait3A_581] : memref<8x128x16xf32, #tpu.memory_space<vmem>> -> memref<1x128x16xf32, #tpu.memory_space<vmem>>
          %dma_wait3A_583 = tpu.memref_squeeze %dma_wait3A_582 : memref<1x128x16xf32, #tpu.memory_space<vmem>> -> memref<128x16xf32, #tpu.memory_space<vmem>>
          %dma_wait3A_584 = arith.constant 0 : i32
          %dma_wait3A_585 = tpu.memref_slice %arg8[%sub3A_577, %dma_wait3A_584] : memref<96x128xi32, #tpu.memory_space<vmem>> -> memref<1x128xi32, #tpu.memory_space<vmem>>
          %dma_wait3A_586 = tpu.memref_squeeze %dma_wait3A_585 : memref<1x128xi32, #tpu.memory_space<vmem>> -> memref<128xi32, #tpu.memory_space<vmem>>
          %dma_wait3A_587 = arith.constant 0 : i32
          %dma_wait3A_588 = arith.constant 0 : i32
          %dma_wait3A_589 = tpu.memref_slice %arg11[%dma_wait3A_587, %dma_wait3A_588] : memref<10240x16xf32, #tpu.memory_space<vmem_shared>> -> memref<10240x16xf32, #tpu.memory_space<vmem_shared>>
          %dma_wait3A_590 = tpu.memref_slice %arg14[%dma_wait3A_579] : memref<8x!tpu.dma_semaphore, #tpu.memory_space<semaphore_mem>> -> memref<1x!tpu.dma_semaphore, #tpu.memory_space<semaphore_mem>>
          %dma_wait3A_591 = tpu.memref_squeeze %dma_wait3A_590 : memref<1x!tpu.dma_semaphore, #tpu.memory_space<semaphore_mem>> -> memref<!tpu.dma_semaphore, #tpu.memory_space<semaphore_mem>>
          tpu.wait_indirect_dma semaphore(%dma_wait3A_591 : memref<!tpu.dma_semaphore, #tpu.memory_space<semaphore_mem>>) src(%dma_wait3A_583 : memref<128x16xf32, #tpu.memory_space<vmem>>) dst(%dma_wait3A_589 : memref<10240x16xf32, #tpu.memory_space<vmem_shared>>)
        } else {
        }
        %add3A_560 = arith.constant 4 : i32
        %add3A_561 = arith.addi %add3A_520, %add3A_560 : i32
        %dma_start3A_562 = arith.constant 3 : i32
        %dma_start3A_563 = arith.constant 3 : i32
        %dma_start3A_564 = arith.constant 0 : i32
        %dma_start3A_565 = arith.constant 0 : i32
        %dma_start3A_566 = tpu.memref_slice %arg10[%dma_start3A_562, %dma_start3A_564, %dma_start3A_565] : memref<8x128x16xf32, #tpu.memory_space<vmem>> -> memref<1x128x16xf32, #tpu.memory_space<vmem>>
        %dma_start3A_567 = tpu.memref_squeeze %dma_start3A_566 : memref<1x128x16xf32, #tpu.memory_space<vmem>> -> memref<128x16xf32, #tpu.memory_space<vmem>>
        %dma_start3A_568 = arith.constant 0 : i32
        %dma_start3A_569 = tpu.memref_slice %arg9[%add3A_561, %dma_start3A_568] : memref<96x128xi32, #tpu.memory_space<vmem>> -> memref<1x128xi32, #tpu.memory_space<vmem>>
        %dma_start3A_570 = tpu.memref_squeeze %dma_start3A_569 : memref<1x128xi32, #tpu.memory_space<vmem>> -> memref<128xi32, #tpu.memory_space<vmem>>
        %dma_start3A_571 = arith.constant 0 : i32
        %dma_start3A_572 = arith.constant 0 : i32
        %dma_start3A_573 = tpu.memref_slice %arg12[%dma_start3A_571, %dma_start3A_572] : memref<10240x16xf32, #tpu.memory_space<vmem_shared>> -> memref<10240x16xf32, #tpu.memory_space<vmem_shared>>
        %dma_start3A_574 = tpu.memref_slice %arg13[%dma_start3A_563] : memref<8x!tpu.dma_semaphore, #tpu.memory_space<semaphore_mem>> -> memref<1x!tpu.dma_semaphore, #tpu.memory_space<semaphore_mem>>
        %dma_start3A_575 = tpu.memref_squeeze %dma_start3A_574 : memref<1x!tpu.dma_semaphore, #tpu.memory_space<semaphore_mem>> -> memref<!tpu.dma_semaphore, #tpu.memory_space<semaphore_mem>>
        tpu.enqueue_indirect_dma source(%dma_start3A_573 : memref<10240x16xf32, #tpu.memory_space<vmem_shared>>) target(%dma_start3A_567 : memref<128x16xf32, #tpu.memory_space<vmem>>) offsets(%dma_start3A_570 : memref<128xi32, #tpu.memory_space<vmem>>) semaphore(%dma_start3A_575 : memref<!tpu.dma_semaphore, #tpu.memory_space<semaphore_mem>>)
      } else {
      }
      %while3A_555 = arith.constant 0 : i32
      scf.yield %while3A_555 : i32
    }
    %sub3A_116 = arith.constant 8 : i32
    %sub3A_117 = arith.subi %select_n3A, %sub3A_116 : i32
    %add3A = arith.constant 0 : i32
    %add3A_118 = arith.addi %sub3A_117, %add3A : i32
    %dma_wait3A = arith.constant 0 : i32
    %dma_wait3A_119 = arith.constant 0 : i32
    %dma_wait3A_120 = arith.constant 0 : i32
    %dma_wait3A_121 = arith.constant 0 : i32
    %dma_wait3A_122 = tpu.memref_slice %arg10[%dma_wait3A, %dma_wait3A_120, %dma_wait3A_121] : memref<8x128x16xf32, #tpu.memory_space<vmem>> -> memref<1x128x16xf32, #tpu.memory_space<vmem>>
    %dma_wait3A_123 = tpu.memref_squeeze %dma_wait3A_122 : memref<1x128x16xf32, #tpu.memory_space<vmem>> -> memref<128x16xf32, #tpu.memory_space<vmem>>
    %dma_wait3A_124 = arith.constant 0 : i32
    %dma_wait3A_125 = tpu.memref_slice %arg8[%add3A_118, %dma_wait3A_124] : memref<96x128xi32, #tpu.memory_space<vmem>> -> memref<1x128xi32, #tpu.memory_space<vmem>>
    %dma_wait3A_126 = tpu.memref_squeeze %dma_wait3A_125 : memref<1x128xi32, #tpu.memory_space<vmem>> -> memref<128xi32, #tpu.memory_space<vmem>>
    %dma_wait3A_127 = arith.constant 0 : i32
    %dma_wait3A_128 = arith.constant 0 : i32
    %dma_wait3A_129 = tpu.memref_slice %arg11[%dma_wait3A_127, %dma_wait3A_128] : memref<10240x16xf32, #tpu.memory_space<vmem_shared>> -> memref<10240x16xf32, #tpu.memory_space<vmem_shared>>
    %dma_wait3A_130 = tpu.memref_slice %arg14[%dma_wait3A_119] : memref<8x!tpu.dma_semaphore, #tpu.memory_space<semaphore_mem>> -> memref<1x!tpu.dma_semaphore, #tpu.memory_space<semaphore_mem>>
    %dma_wait3A_131 = tpu.memref_squeeze %dma_wait3A_130 : memref<1x!tpu.dma_semaphore, #tpu.memory_space<semaphore_mem>> -> memref<!tpu.dma_semaphore, #tpu.memory_space<semaphore_mem>>
    tpu.wait_indirect_dma semaphore(%dma_wait3A_131 : memref<!tpu.dma_semaphore, #tpu.memory_space<semaphore_mem>>) src(%dma_wait3A_123 : memref<128x16xf32, #tpu.memory_space<vmem>>) dst(%dma_wait3A_129 : memref<10240x16xf32, #tpu.memory_space<vmem_shared>>)
    %sub3A_132 = arith.constant 8 : i32
    %sub3A_133 = arith.subi %select_n3A, %sub3A_132 : i32
    %add3A_134 = arith.constant 1 : i32
    %add3A_135 = arith.addi %sub3A_133, %add3A_134 : i32
    %dma_wait3A_136 = arith.constant 1 : i32
    %dma_wait3A_137 = arith.constant 1 : i32
    %dma_wait3A_138 = arith.constant 0 : i32
    %dma_wait3A_139 = arith.constant 0 : i32
    %dma_wait3A_140 = tpu.memref_slice %arg10[%dma_wait3A_136, %dma_wait3A_138, %dma_wait3A_139] : memref<8x128x16xf32, #tpu.memory_space<vmem>> -> memref<1x128x16xf32, #tpu.memory_space<vmem>>
    %dma_wait3A_141 = tpu.memref_squeeze %dma_wait3A_140 : memref<1x128x16xf32, #tpu.memory_space<vmem>> -> memref<128x16xf32, #tpu.memory_space<vmem>>
    %dma_wait3A_142 = arith.constant 0 : i32
    %dma_wait3A_143 = tpu.memref_slice %arg8[%add3A_135, %dma_wait3A_142] : memref<96x128xi32, #tpu.memory_space<vmem>> -> memref<1x128xi32, #tpu.memory_space<vmem>>
    %dma_wait3A_144 = tpu.memref_squeeze %dma_wait3A_143 : memref<1x128xi32, #tpu.memory_space<vmem>> -> memref<128xi32, #tpu.memory_space<vmem>>
    %dma_wait3A_145 = arith.constant 0 : i32
    %dma_wait3A_146 = arith.constant 0 : i32
    %dma_wait3A_147 = tpu.memref_slice %arg11[%dma_wait3A_145, %dma_wait3A_146] : memref<10240x16xf32, #tpu.memory_space<vmem_shared>> -> memref<10240x16xf32, #tpu.memory_space<vmem_shared>>
    %dma_wait3A_148 = tpu.memref_slice %arg14[%dma_wait3A_137] : memref<8x!tpu.dma_semaphore, #tpu.memory_space<semaphore_mem>> -> memref<1x!tpu.dma_semaphore, #tpu.memory_space<semaphore_mem>>
    %dma_wait3A_149 = tpu.memref_squeeze %dma_wait3A_148 : memref<1x!tpu.dma_semaphore, #tpu.memory_space<semaphore_mem>> -> memref<!tpu.dma_semaphore, #tpu.memory_space<semaphore_mem>>
    tpu.wait_indirect_dma semaphore(%dma_wait3A_149 : memref<!tpu.dma_semaphore, #tpu.memory_space<semaphore_mem>>) src(%dma_wait3A_141 : memref<128x16xf32, #tpu.memory_space<vmem>>) dst(%dma_wait3A_147 : memref<10240x16xf32, #tpu.memory_space<vmem_shared>>)
    %sub3A_150 = arith.constant 8 : i32
    %sub3A_151 = arith.subi %select_n3A, %sub3A_150 : i32
    %add3A_152 = arith.constant 2 : i32
    %add3A_153 = arith.addi %sub3A_151, %add3A_152 : i32
    %dma_wait3A_154 = arith.constant 2 : i32
    %dma_wait3A_155 = arith.constant 2 : i32
    %dma_wait3A_156 = arith.constant 0 : i32
    %dma_wait3A_157 = arith.constant 0 : i32
    %dma_wait3A_158 = tpu.memref_slice %arg10[%dma_wait3A_154, %dma_wait3A_156, %dma_wait3A_157] : memref<8x128x16xf32, #tpu.memory_space<vmem>> -> memref<1x128x16xf32, #tpu.memory_space<vmem>>
    %dma_wait3A_159 = tpu.memref_squeeze %dma_wait3A_158 : memref<1x128x16xf32, #tpu.memory_space<vmem>> -> memref<128x16xf32, #tpu.memory_space<vmem>>
    %dma_wait3A_160 = arith.constant 0 : i32
    %dma_wait3A_161 = tpu.memref_slice %arg8[%add3A_153, %dma_wait3A_160] : memref<96x128xi32, #tpu.memory_space<vmem>> -> memref<1x128xi32, #tpu.memory_space<vmem>>
    %dma_wait3A_162 = tpu.memref_squeeze %dma_wait3A_161 : memref<1x128xi32, #tpu.memory_space<vmem>> -> memref<128xi32, #tpu.memory_space<vmem>>
    %dma_wait3A_163 = arith.constant 0 : i32
    %dma_wait3A_164 = arith.constant 0 : i32
    %dma_wait3A_165 = tpu.memref_slice %arg11[%dma_wait3A_163, %dma_wait3A_164] : memref<10240x16xf32, #tpu.memory_space<vmem_shared>> -> memref<10240x16xf32, #tpu.memory_space<vmem_shared>>
    %dma_wait3A_166 = tpu.memref_slice %arg14[%dma_wait3A_155] : memref<8x!tpu.dma_semaphore, #tpu.memory_space<semaphore_mem>> -> memref<1x!tpu.dma_semaphore, #tpu.memory_space<semaphore_mem>>
    %dma_wait3A_167 = tpu.memref_squeeze %dma_wait3A_166 : memref<1x!tpu.dma_semaphore, #tpu.memory_space<semaphore_mem>> -> memref<!tpu.dma_semaphore, #tpu.memory_space<semaphore_mem>>
    tpu.wait_indirect_dma semaphore(%dma_wait3A_167 : memref<!tpu.dma_semaphore, #tpu.memory_space<semaphore_mem>>) src(%dma_wait3A_159 : memref<128x16xf32, #tpu.memory_space<vmem>>) dst(%dma_wait3A_165 : memref<10240x16xf32, #tpu.memory_space<vmem_shared>>)
    %sub3A_168 = arith.constant 8 : i32
    %sub3A_169 = arith.subi %select_n3A, %sub3A_168 : i32
    %add3A_170 = arith.constant 3 : i32
    %add3A_171 = arith.addi %sub3A_169, %add3A_170 : i32
    %dma_wait3A_172 = arith.constant 3 : i32
    %dma_wait3A_173 = arith.constant 3 : i32
    %dma_wait3A_174 = arith.constant 0 : i32
    %dma_wait3A_175 = arith.constant 0 : i32
    %dma_wait3A_176 = tpu.memref_slice %arg10[%dma_wait3A_172, %dma_wait3A_174, %dma_wait3A_175] : memref<8x128x16xf32, #tpu.memory_space<vmem>> -> memref<1x128x16xf32, #tpu.memory_space<vmem>>
    %dma_wait3A_177 = tpu.memref_squeeze %dma_wait3A_176 : memref<1x128x16xf32, #tpu.memory_space<vmem>> -> memref<128x16xf32, #tpu.memory_space<vmem>>
    %dma_wait3A_178 = arith.constant 0 : i32
    %dma_wait3A_179 = tpu.memref_slice %arg8[%add3A_171, %dma_wait3A_178] : memref<96x128xi32, #tpu.memory_space<vmem>> -> memref<1x128xi32, #tpu.memory_space<vmem>>
    %dma_wait3A_180 = tpu.memref_squeeze %dma_wait3A_179 : memref<1x128xi32, #tpu.memory_space<vmem>> -> memref<128xi32, #tpu.memory_space<vmem>>
    %dma_wait3A_181 = arith.constant 0 : i32
    %dma_wait3A_182 = arith.constant 0 : i32
    %dma_wait3A_183 = tpu.memref_slice %arg11[%dma_wait3A_181, %dma_wait3A_182] : memref<10240x16xf32, #tpu.memory_space<vmem_shared>> -> memref<10240x16xf32, #tpu.memory_space<vmem_shared>>
    %dma_wait3A_184 = tpu.memref_slice %arg14[%dma_wait3A_173] : memref<8x!tpu.dma_semaphore, #tpu.memory_space<semaphore_mem>> -> memref<1x!tpu.dma_semaphore, #tpu.memory_space<semaphore_mem>>
    %dma_wait3A_185 = tpu.memref_squeeze %dma_wait3A_184 : memref<1x!tpu.dma_semaphore, #tpu.memory_space<semaphore_mem>> -> memref<!tpu.dma_semaphore, #tpu.memory_space<semaphore_mem>>
    tpu.wait_indirect_dma semaphore(%dma_wait3A_185 : memref<!tpu.dma_semaphore, #tpu.memory_space<semaphore_mem>>) src(%dma_wait3A_177 : memref<128x16xf32, #tpu.memory_space<vmem>>) dst(%dma_wait3A_183 : memref<10240x16xf32, #tpu.memory_space<vmem_shared>>)
    %sub3A_186 = arith.constant 8 : i32
    %sub3A_187 = arith.subi %select_n3A, %sub3A_186 : i32
    %add3A_188 = arith.constant 4 : i32
    %add3A_189 = arith.addi %sub3A_187, %add3A_188 : i32
    %dma_wait3A_190 = arith.constant 4 : i32
    %dma_wait3A_191 = arith.constant 4 : i32
    %dma_wait3A_192 = arith.constant 0 : i32
    %dma_wait3A_193 = arith.constant 0 : i32
    %dma_wait3A_194 = tpu.memref_slice %arg10[%dma_wait3A_190, %dma_wait3A_192, %dma_wait3A_193] : memref<8x128x16xf32, #tpu.memory_space<vmem>> -> memref<1x128x16xf32, #tpu.memory_space<vmem>>
    %dma_wait3A_195 = tpu.memref_squeeze %dma_wait3A_194 : memref<1x128x16xf32, #tpu.memory_space<vmem>> -> memref<128x16xf32, #tpu.memory_space<vmem>>
    %dma_wait3A_196 = arith.constant 0 : i32
    %dma_wait3A_197 = tpu.memref_slice %arg8[%add3A_189, %dma_wait3A_196] : memref<96x128xi32, #tpu.memory_space<vmem>> -> memref<1x128xi32, #tpu.memory_space<vmem>>
    %dma_wait3A_198 = tpu.memref_squeeze %dma_wait3A_197 : memref<1x128xi32, #tpu.memory_space<vmem>> -> memref<128xi32, #tpu.memory_space<vmem>>
    %dma_wait3A_199 = arith.constant 0 : i32
    %dma_wait3A_200 = arith.constant 0 : i32
    %dma_wait3A_201 = tpu.memref_slice %arg11[%dma_wait3A_199, %dma_wait3A_200] : memref<10240x16xf32, #tpu.memory_space<vmem_shared>> -> memref<10240x16xf32, #tpu.memory_space<vmem_shared>>
    %dma_wait3A_202 = tpu.memref_slice %arg14[%dma_wait3A_191] : memref<8x!tpu.dma_semaphore, #tpu.memory_space<semaphore_mem>> -> memref<1x!tpu.dma_semaphore, #tpu.memory_space<semaphore_mem>>
    %dma_wait3A_203 = tpu.memref_squeeze %dma_wait3A_202 : memref<1x!tpu.dma_semaphore, #tpu.memory_space<semaphore_mem>> -> memref<!tpu.dma_semaphore, #tpu.memory_space<semaphore_mem>>
    tpu.wait_indirect_dma semaphore(%dma_wait3A_203 : memref<!tpu.dma_semaphore, #tpu.memory_space<semaphore_mem>>) src(%dma_wait3A_195 : memref<128x16xf32, #tpu.memory_space<vmem>>) dst(%dma_wait3A_201 : memref<10240x16xf32, #tpu.memory_space<vmem_shared>>)
    %sub3A_204 = arith.constant 8 : i32
    %sub3A_205 = arith.subi %select_n3A, %sub3A_204 : i32
    %add3A_206 = arith.constant 5 : i32
    %add3A_207 = arith.addi %sub3A_205, %add3A_206 : i32
    %dma_wait3A_208 = arith.constant 5 : i32
    %dma_wait3A_209 = arith.constant 5 : i32
    %dma_wait3A_210 = arith.constant 0 : i32
    %dma_wait3A_211 = arith.constant 0 : i32
    %dma_wait3A_212 = tpu.memref_slice %arg10[%dma_wait3A_208, %dma_wait3A_210, %dma_wait3A_211] : memref<8x128x16xf32, #tpu.memory_space<vmem>> -> memref<1x128x16xf32, #tpu.memory_space<vmem>>
    %dma_wait3A_213 = tpu.memref_squeeze %dma_wait3A_212 : memref<1x128x16xf32, #tpu.memory_space<vmem>> -> memref<128x16xf32, #tpu.memory_space<vmem>>
    %dma_wait3A_214 = arith.constant 0 : i32
    %dma_wait3A_215 = tpu.memref_slice %arg8[%add3A_207, %dma_wait3A_214] : memref<96x128xi32, #tpu.memory_space<vmem>> -> memref<1x128xi32, #tpu.memory_space<vmem>>
    %dma_wait3A_216 = tpu.memref_squeeze %dma_wait3A_215 : memref<1x128xi32, #tpu.memory_space<vmem>> -> memref<128xi32, #tpu.memory_space<vmem>>
    %dma_wait3A_217 = arith.constant 0 : i32
    %dma_wait3A_218 = arith.constant 0 : i32
    %dma_wait3A_219 = tpu.memref_slice %arg11[%dma_wait3A_217, %dma_wait3A_218] : memref<10240x16xf32, #tpu.memory_space<vmem_shared>> -> memref<10240x16xf32, #tpu.memory_space<vmem_shared>>
    %dma_wait3A_220 = tpu.memref_slice %arg14[%dma_wait3A_209] : memref<8x!tpu.dma_semaphore, #tpu.memory_space<semaphore_mem>> -> memref<1x!tpu.dma_semaphore, #tpu.memory_space<semaphore_mem>>
    %dma_wait3A_221 = tpu.memref_squeeze %dma_wait3A_220 : memref<1x!tpu.dma_semaphore, #tpu.memory_space<semaphore_mem>> -> memref<!tpu.dma_semaphore, #tpu.memory_space<semaphore_mem>>
    tpu.wait_indirect_dma semaphore(%dma_wait3A_221 : memref<!tpu.dma_semaphore, #tpu.memory_space<semaphore_mem>>) src(%dma_wait3A_213 : memref<128x16xf32, #tpu.memory_space<vmem>>) dst(%dma_wait3A_219 : memref<10240x16xf32, #tpu.memory_space<vmem_shared>>)
    %sub3A_222 = arith.constant 8 : i32
    %sub3A_223 = arith.subi %select_n3A, %sub3A_222 : i32
    %add3A_224 = arith.constant 6 : i32
    %add3A_225 = arith.addi %sub3A_223, %add3A_224 : i32
    %dma_wait3A_226 = arith.constant 6 : i32
    %dma_wait3A_227 = arith.constant 6 : i32
    %dma_wait3A_228 = arith.constant 0 : i32
    %dma_wait3A_229 = arith.constant 0 : i32
    %dma_wait3A_230 = tpu.memref_slice %arg10[%dma_wait3A_226, %dma_wait3A_228, %dma_wait3A_229] : memref<8x128x16xf32, #tpu.memory_space<vmem>> -> memref<1x128x16xf32, #tpu.memory_space<vmem>>
    %dma_wait3A_231 = tpu.memref_squeeze %dma_wait3A_230 : memref<1x128x16xf32, #tpu.memory_space<vmem>> -> memref<128x16xf32, #tpu.memory_space<vmem>>
    %dma_wait3A_232 = arith.constant 0 : i32
    %dma_wait3A_233 = tpu.memref_slice %arg8[%add3A_225, %dma_wait3A_232] : memref<96x128xi32, #tpu.memory_space<vmem>> -> memref<1x128xi32, #tpu.memory_space<vmem>>
    %dma_wait3A_234 = tpu.memref_squeeze %dma_wait3A_233 : memref<1x128xi32, #tpu.memory_space<vmem>> -> memref<128xi32, #tpu.memory_space<vmem>>
    %dma_wait3A_235 = arith.constant 0 : i32
    %dma_wait3A_236 = arith.constant 0 : i32
    %dma_wait3A_237 = tpu.memref_slice %arg11[%dma_wait3A_235, %dma_wait3A_236] : memref<10240x16xf32, #tpu.memory_space<vmem_shared>> -> memref<10240x16xf32, #tpu.memory_space<vmem_shared>>
    %dma_wait3A_238 = tpu.memref_slice %arg14[%dma_wait3A_227] : memref<8x!tpu.dma_semaphore, #tpu.memory_space<semaphore_mem>> -> memref<1x!tpu.dma_semaphore, #tpu.memory_space<semaphore_mem>>
    %dma_wait3A_239 = tpu.memref_squeeze %dma_wait3A_238 : memref<1x!tpu.dma_semaphore, #tpu.memory_space<semaphore_mem>> -> memref<!tpu.dma_semaphore, #tpu.memory_space<semaphore_mem>>
    tpu.wait_indirect_dma semaphore(%dma_wait3A_239 : memref<!tpu.dma_semaphore, #tpu.memory_space<semaphore_mem>>) src(%dma_wait3A_231 : memref<128x16xf32, #tpu.memory_space<vmem>>) dst(%dma_wait3A_237 : memref<10240x16xf32, #tpu.memory_space<vmem_shared>>)
    %sub3A_240 = arith.constant 8 : i32
    %sub3A_241 = arith.subi %select_n3A, %sub3A_240 : i32
    %add3A_242 = arith.constant 7 : i32
    %add3A_243 = arith.addi %sub3A_241, %add3A_242 : i32
    %dma_wait3A_244 = arith.constant 7 : i32
    %dma_wait3A_245 = arith.constant 7 : i32
    %dma_wait3A_246 = arith.constant 0 : i32
    %dma_wait3A_247 = arith.constant 0 : i32
    %dma_wait3A_248 = tpu.memref_slice %arg10[%dma_wait3A_244, %dma_wait3A_246, %dma_wait3A_247] : memref<8x128x16xf32, #tpu.memory_space<vmem>> -> memref<1x128x16xf32, #tpu.memory_space<vmem>>
    %dma_wait3A_249 = tpu.memref_squeeze %dma_wait3A_248 : memref<1x128x16xf32, #tpu.memory_space<vmem>> -> memref<128x16xf32, #tpu.memory_space<vmem>>
    %dma_wait3A_250 = arith.constant 0 : i32
    %dma_wait3A_251 = tpu.memref_slice %arg8[%add3A_243, %dma_wait3A_250] : memref<96x128xi32, #tpu.memory_space<vmem>> -> memref<1x128xi32, #tpu.memory_space<vmem>>
    %dma_wait3A_252 = tpu.memref_squeeze %dma_wait3A_251 : memref<1x128xi32, #tpu.memory_space<vmem>> -> memref<128xi32, #tpu.memory_space<vmem>>
    %dma_wait3A_253 = arith.constant 0 : i32
    %dma_wait3A_254 = arith.constant 0 : i32
    %dma_wait3A_255 = tpu.memref_slice %arg11[%dma_wait3A_253, %dma_wait3A_254] : memref<10240x16xf32, #tpu.memory_space<vmem_shared>> -> memref<10240x16xf32, #tpu.memory_space<vmem_shared>>
    %dma_wait3A_256 = tpu.memref_slice %arg14[%dma_wait3A_245] : memref<8x!tpu.dma_semaphore, #tpu.memory_space<semaphore_mem>> -> memref<1x!tpu.dma_semaphore, #tpu.memory_space<semaphore_mem>>
    %dma_wait3A_257 = tpu.memref_squeeze %dma_wait3A_256 : memref<1x!tpu.dma_semaphore, #tpu.memory_space<semaphore_mem>> -> memref<!tpu.dma_semaphore, #tpu.memory_space<semaphore_mem>>
    tpu.wait_indirect_dma semaphore(%dma_wait3A_257 : memref<!tpu.dma_semaphore, #tpu.memory_space<semaphore_mem>>) src(%dma_wait3A_249 : memref<128x16xf32, #tpu.memory_space<vmem>>) dst(%dma_wait3A_255 : memref<10240x16xf32, #tpu.memory_space<vmem_shared>>)
    %barrier3A_258 = arith.constant 0 : index
    tpu.barrier barrier_id(%barrier3A_258)
    %mul3A_259 = arith.constant 640 : i32
    %mul3A_260 = arith.muli %arg1, %mul3A_259 : i32
    %mul3A_261 = arith.constant 640 : i32
    %mul3A_262 = arith.muli %arg1, %mul3A_261 : i32
    "tpu.region"() ({
      %run_scoped3A = tpu.sem_alloc : memref<!tpu.dma_semaphore, #tpu.memory_space<semaphore_mem>>
      %dma_start3A_263 = arith.constant 0 : i32
      %dma_start3A_264 = tpu.memref_slice %arg7[%arg0, %mul3A_262, %dma_start3A_263] : memref<2x10240x16xf32, #tpu.memory_space<hbm>> -> memref<1x640x16xf32, #tpu.memory_space<hbm>>
      %dma_start3A_265 = tpu.memref_squeeze %dma_start3A_264 : memref<1x640x16xf32, #tpu.memory_space<hbm>> -> memref<640x16xf32, #tpu.memory_space<hbm>>
      %dma_start3A_266 = arith.constant 0 : i32
      %dma_start3A_267 = tpu.memref_slice %arg11[%mul3A_260, %dma_start3A_266] : memref<10240x16xf32, #tpu.memory_space<vmem_shared>> -> memref<640x16xf32, #tpu.memory_space<vmem_shared>>
      tpu.enqueue_dma source(%dma_start3A_267 : memref<640x16xf32, #tpu.memory_space<vmem_shared>>) target(%dma_start3A_265 : memref<640x16xf32, #tpu.memory_space<hbm>>) target_semaphore(%run_scoped3A : memref<!tpu.dma_semaphore, #tpu.memory_space<semaphore_mem>>)
      %dma_wait3A_268 = arith.constant 0 : i32
      %dma_wait3A_269 = tpu.memref_slice %arg7[%arg0, %mul3A_262, %dma_wait3A_268] : memref<2x10240x16xf32, #tpu.memory_space<hbm>> -> memref<1x640x16xf32, #tpu.memory_space<hbm>>
      %dma_wait3A_270 = tpu.memref_squeeze %dma_wait3A_269 : memref<1x640x16xf32, #tpu.memory_space<hbm>> -> memref<640x16xf32, #tpu.memory_space<hbm>>
      %dma_wait3A_271 = arith.constant 0 : i32
      %dma_wait3A_272 = tpu.memref_slice %arg11[%mul3A_260, %dma_wait3A_271] : memref<10240x16xf32, #tpu.memory_space<vmem_shared>> -> memref<640x16xf32, #tpu.memory_space<vmem_shared>>
      tpu.wait_dma2 semaphore(%run_scoped3A : memref<!tpu.dma_semaphore, #tpu.memory_space<semaphore_mem>>) src(%dma_wait3A_272 : memref<640x16xf32, #tpu.memory_space<vmem_shared>>) dst(%dma_wait3A_270 : memref<640x16xf32, #tpu.memory_space<hbm>>)
      tpu.yield
    }) : () -> ()
    return
  }
}

module attributes {stable_mosaic.version = 14 : i64} {
  func.func @_prep_body(%arg0: i32, %arg1: memref<2048x128xf32, #tpu.memory_space<vmem>>, %arg2: memref<16x128xf32, #tpu.memory_space<vmem>>, %arg3: memref<1x16xf32, #tpu.memory_space<vmem>>, %arg4: memref<1x2048xf32, #tpu.memory_space<vmem>>, %arg5: memref<16x16xf32, #tpu.memory_space<vmem>>, %arg6: memref<16x2048xf32, #tpu.memory_space<vmem>>, %arg7: memref<16x2048xf32, #tpu.memory_space<vmem>>, %arg8: memref<16x2048xf32, #tpu.memory_space<vmem>>, %arg9: memref<16x2048xf32, #tpu.memory_space<vmem>>, %arg10: memref<16x16xf32, #tpu.memory_space<vmem>>, %arg11: memref<16x16xf32, #tpu.memory_space<vmem>>) attributes {dimension_semantics = [#tpu.dimension_semantics<arbitrary>], iteration_bounds = array<i64: 5>, scalar_prefetch = 0 : i64, scratch_operands = 0 : i64, tpu.core_type = #tpu.core_type<tc>, window_params = [{transform_indices = @transform_0, window_bounds = array<i64: 2048, 128>}, {pipeline_mode = #tpu.pipeline_mode<synchronous>, transform_indices = @transform_1, window_bounds = array<i64: 16, 128>}, {pipeline_mode = #tpu.pipeline_mode<synchronous>, transform_indices = @transform_2, window_bounds = array<i64: 1, 16>}, {transform_indices = @transform_3, window_bounds = array<i64: 1, 2048>}, {pipeline_mode = #tpu.pipeline_mode<synchronous>, transform_indices = @transform_4, window_bounds = array<i64: 16, 16>}, {transform_indices = @transform_5, window_bounds = array<i64: 16, 2048>}, {transform_indices = @transform_6, window_bounds = array<i64: 16, 2048>}, {transform_indices = @transform_7, window_bounds = array<i64: 16, 2048>}, {transform_indices = @transform_8, window_bounds = array<i64: 16, 2048>}, {pipeline_mode = #tpu.pipeline_mode<synchronous>, transform_indices = @transform_9, window_bounds = array<i64: 16, 16>}, {pipeline_mode = #tpu.pipeline_mode<synchronous>, transform_indices = @transform_10, window_bounds = array<i64: 16, 16>}]} {
    %get3A = arith.constant 0 : index
    %get3A_0 = arith.constant 0 : index
    %get3A_1 = vector.load %arg1[%get3A, %get3A_0] : memref<2048x128xf32, #tpu.memory_space<vmem>>, vector<2048x128xf32>
    %get3A_2 = arith.constant 0 : index
    %get3A_3 = arith.constant 0 : index
    %get3A_4 = vector.load %arg2[%get3A_2, %get3A_3] : memref<16x128xf32, #tpu.memory_space<vmem>>, vector<16x128xf32>
    %get3A_5 = arith.constant 0 : index
    %get3A_6 = arith.constant 0 : index
    %get3A_7 = vector.load %arg3[%get3A_5, %get3A_6] : memref<1x16xf32, #tpu.memory_space<vmem>>, vector<1x16xf32>
    %get3A_8 = arith.constant 0 : index
    %get3A_9 = arith.constant 0 : index
    %get3A_10 = vector.load %arg4[%get3A_8, %get3A_9] : memref<1x2048xf32, #tpu.memory_space<vmem>>, vector<1x2048xf32>
    %get3A_11 = arith.constant 0 : index
    %get3A_12 = arith.constant 0 : index
    %get3A_13 = vector.load %arg5[%get3A_11, %get3A_12] : memref<16x16xf32, #tpu.memory_space<vmem>>, vector<16x16xf32>
    %dot_general3A = arith.constant dense<0.000000e+00> : vector<16x2048xf32>
    %dot_general3A_14 = tpu.matmul %get3A_4, %get3A_1, %dot_general3A {dimension_numbers = #tpu.dot_dimension_numbers<[1], [1], [0], [0], [0, 0, 1, 0], [], []>, transpose_lhs_hint = false} : vector<16x128xf32>, vector<2048x128xf32>, vector<16x2048xf32> -> vector<16x2048xf32>
    %transpose3A = tpu.transpose %get3A_7, [1, 0] : vector<1x16xf32> -> vector<16x1xf32>
    %add3A = vector.broadcast %transpose3A : vector<16x1xf32> to vector<16x2048xf32>
    %add3A_15 = arith.addf %dot_general3A_14, %add3A : vector<16x2048xf32>
    %div3A = vector.broadcast %get3A_10 : vector<1x2048xf32> to vector<16x2048xf32>
    %div3A_16 = arith.divf %add3A_15, %div3A : vector<16x2048xf32>
    %swap3A = arith.constant 0 : index
    %swap3A_17 = arith.constant 0 : index
    %swap3A_18 = vector.load %arg6[%swap3A, %swap3A_17] : memref<16x2048xf32, #tpu.memory_space<vmem>>, vector<16x2048xf32>
    tpu.vector_store %arg6[%swap3A, %swap3A_17], %add3A_15 {strides = array<i32>} : memref<16x2048xf32, #tpu.memory_space<vmem>>, vector<16x2048xf32>,
    %swap3A_19 = arith.constant 0 : index
    %swap3A_20 = arith.constant 0 : index
    %swap3A_21 = vector.load %arg7[%swap3A_19, %swap3A_20] : memref<16x2048xf32, #tpu.memory_space<vmem>>, vector<16x2048xf32>
    tpu.vector_store %arg7[%swap3A_19, %swap3A_20], %div3A_16 {strides = array<i32>} : memref<16x2048xf32, #tpu.memory_space<vmem>>, vector<16x2048xf32>,
    %swap3A_22 = arith.constant 0 : index
    %swap3A_23 = arith.constant 0 : index
    %swap3A_24 = vector.load %arg8[%swap3A_22, %swap3A_23] : memref<16x2048xf32, #tpu.memory_space<vmem>>, vector<16x2048xf32>
    tpu.vector_store %arg8[%swap3A_22, %swap3A_23], %div3A_16 {strides = array<i32>} : memref<16x2048xf32, #tpu.memory_space<vmem>>, vector<16x2048xf32>,
    %transpose3A_25 = tpu.transpose %get3A_13, [1, 0] : vector<16x16xf32> -> vector<16x16xf32>
    %add3A_26 = arith.addf %get3A_13, %transpose3A_25 : vector<16x16xf32>
    %mul3A = arith.constant 5.000000e-01 : f32
    %mul3A_27 = vector.broadcast %mul3A : f32 to vector<16x16xf32>
    %mul3A_28 = arith.mulf %add3A_26, %mul3A_27 : vector<16x16xf32>
    %mul3A_29 = arith.constant 5.000000e-01 : f32
    %mul3A_30 = vector.broadcast %mul3A_29 : f32 to vector<16x16xf32>
    %mul3A_31 = arith.mulf %mul3A_28, %mul3A_30 : vector<16x16xf32>
    %swap3A_32 = arith.constant 0 : index
    %swap3A_33 = arith.constant 0 : index
    %swap3A_34 = vector.load %arg10[%swap3A_32, %swap3A_33] : memref<16x16xf32, #tpu.memory_space<vmem>>, vector<16x16xf32>
    tpu.vector_store %arg10[%swap3A_32, %swap3A_33], %mul3A_28 {strides = array<i32>} : memref<16x16xf32, #tpu.memory_space<vmem>>, vector<16x16xf32>,
    %swap3A_35 = arith.constant 0 : index
    %swap3A_36 = arith.constant 0 : index
    %swap3A_37 = vector.load %arg11[%swap3A_35, %swap3A_36] : memref<16x16xf32, #tpu.memory_space<vmem>>, vector<16x16xf32>
    tpu.vector_store %arg11[%swap3A_35, %swap3A_36], %mul3A_31 {strides = array<i32>} : memref<16x16xf32, #tpu.memory_space<vmem>>, vector<16x16xf32>,
    %reduce_max3A = arith.constant dense<0xFF800000> : vector<2048xf32>
    %reduce_max3A_38 = vector.multi_reduction <maximumf>, %div3A_16, %reduce_max3A [0] : vector<16x2048xf32> to vector<2048xf32>
    %broadcast_in_dim3A = vector.shape_cast %reduce_max3A_38 : vector<2048xf32> to vector<1x2048xf32>
    %reduce_max3A_39 = vector.shape_cast %mul3A_31 : vector<16x16xf32> to vector<1x16x16xf32>
    %reduce_max3A_40 = arith.constant dense<0xFF800000> : vector<1xf32>
    %reduce_max3A_41 = vector.multi_reduction <maximumf>, %reduce_max3A_39, %reduce_max3A_40 [1, 2] : vector<1x16x16xf32> to vector<1xf32>
    %reduce_max3A_42 = vector.shape_cast %reduce_max3A_41 : vector<1xf32> to vector<1x1x1xf32>
    %reduce_max3A_43 = vector.extract %reduce_max3A_42[0, 0, 0] : f32 from vector<1x1x1xf32>
    %sub3A = vector.broadcast %broadcast_in_dim3A : vector<1x2048xf32> to vector<16x2048xf32>
    %sub3A_44 = arith.subf %div3A_16, %sub3A : vector<16x2048xf32>
    %exp3A = math.exp %sub3A_44 : vector<16x2048xf32>
    %sub3A_45 = vector.broadcast %reduce_max3A_43 : f32 to vector<16x16xf32>
    %sub3A_46 = arith.subf %mul3A_31, %sub3A_45 : vector<16x16xf32>
    %exp3A_47 = math.exp %sub3A_46 : vector<16x16xf32>
    %dot_general3A_48 = arith.constant dense<0.000000e+00> : vector<16x2048xf32>
    %dot_general3A_49 = tpu.matmul %exp3A_47, %exp3A, %dot_general3A_48 {dimension_numbers = #tpu.dot_dimension_numbers<[0], [0], [1], [1], [0, 1, 1, 1], [], []>, transpose_lhs_hint = false} : vector<16x16xf32>, vector<16x2048xf32>, vector<16x2048xf32> -> vector<16x2048xf32>
    %log3A = math.log %dot_general3A_49 : vector<16x2048xf32>
    %add3A_50 = vector.broadcast %broadcast_in_dim3A : vector<1x2048xf32> to vector<16x2048xf32>
    %add3A_51 = arith.addf %log3A, %add3A_50 : vector<16x2048xf32>
    %add3A_52 = vector.broadcast %reduce_max3A_43 : f32 to vector<16x2048xf32>
    %add3A_53 = arith.addf %add3A_51, %add3A_52 : vector<16x2048xf32>
    %swap3A_54 = arith.constant 0 : index
    %swap3A_55 = arith.constant 0 : index
    %swap3A_56 = vector.load %arg9[%swap3A_54, %swap3A_55] : memref<16x2048xf32, #tpu.memory_space<vmem>>, vector<16x2048xf32>
    tpu.vector_store %arg9[%swap3A_54, %swap3A_55], %add3A_53 {strides = array<i32>} : memref<16x2048xf32, #tpu.memory_space<vmem>>, vector<16x2048xf32>,
    return
  }
  func.func @transform_0(%arg0: i32) -> (i32, i32) {
    %c0_i32 = arith.constant 0 : i32
    %c0_i32_0 = arith.constant 0 : i32
    return %arg0, %c0_i32 : i32, i32
  }
  func.func @transform_1(%arg0: i32) -> (i32, i32) {
    %c0_i32 = arith.constant 0 : i32
    %c0_i32_0 = arith.constant 0 : i32
    %c0_i32_1 = arith.constant 0 : i32
    return %c0_i32, %c0_i32_0 : i32, i32
  }
  func.func @transform_2(%arg0: i32) -> (i32, i32) {
    %c0_i32 = arith.constant 0 : i32
    %c0_i32_0 = arith.constant 0 : i32
    %c0_i32_1 = arith.constant 0 : i32
    return %c0_i32, %c0_i32_0 : i32, i32
  }
  func.func @transform_3(%arg0: i32) -> (i32, i32) {
    %c0_i32 = arith.constant 0 : i32
    %c0_i32_0 = arith.constant 0 : i32
    return %c0_i32, %arg0 : i32, i32
  }
  func.func @transform_4(%arg0: i32) -> (i32, i32) {
    %c0_i32 = arith.constant 0 : i32
    %c0_i32_0 = arith.constant 0 : i32
    %c0_i32_1 = arith.constant 0 : i32
    return %c0_i32, %c0_i32_0 : i32, i32
  }
  func.func @transform_5(%arg0: i32) -> (i32, i32) {
    %c0_i32 = arith.constant 0 : i32
    %c0_i32_0 = arith.constant 0 : i32
    return %c0_i32, %arg0 : i32, i32
  }
  func.func @transform_6(%arg0: i32) -> (i32, i32) {
    %c0_i32 = arith.constant 0 : i32
    %c0_i32_0 = arith.constant 0 : i32
    return %c0_i32, %arg0 : i32, i32
  }
  func.func @transform_7(%arg0: i32) -> (i32, i32) {
    %c0_i32 = arith.constant 0 : i32
    %c0_i32_0 = arith.constant 0 : i32
    return %c0_i32, %arg0 : i32, i32
  }
  func.func @transform_8(%arg0: i32) -> (i32, i32) {
    %c0_i32 = arith.constant 0 : i32
    %c0_i32_0 = arith.constant 0 : i32
    return %c0_i32, %arg0 : i32, i32
  }
  func.func @transform_9(%arg0: i32) -> (i32, i32) {
    %c0_i32 = arith.constant 0 : i32
    %c0_i32_0 = arith.constant 0 : i32
    %c0_i32_1 = arith.constant 0 : i32
    return %c0_i32, %c0_i32_0 : i32, i32
  }
  func.func @transform_10(%arg0: i32) -> (i32, i32) {
    %c0_i32 = arith.constant 0 : i32
    %c0_i32_0 = arith.constant 0 : i32
    %c0_i32_1 = arith.constant 0 : i32
    return %c0_i32, %c0_i32_0 : i32, i32
  }
}

module attributes {stable_mosaic.version = 14 : i64} {
  func.func @_final_body(%arg0: i32, %arg1: memref<2x256x128xf32, #tpu.memory_space<vmem>>, %arg2: memref<8x256xf32, #tpu.memory_space<vmem>>) attributes {dimension_semantics = [#tpu.dimension_semantics<arbitrary>], iteration_bounds = array<i64: 5>, scalar_prefetch = 0 : i64, scratch_operands = 0 : i64, tpu.core_type = #tpu.core_type<tc>, window_params = [{transform_indices = @transform_0, window_bounds = array<i64: 2, 256, 128>}, {transform_indices = @transform_1, window_bounds = array<i64: 8, 256>}]} {
    %get3A = arith.constant 0 : index
    %get3A_0 = arith.constant 0 : index
    %get3A_1 = arith.constant 0 : index
    %get3A_2 = vector.load %arg1[%get3A, %get3A_0, %get3A_1] : memref<2x256x128xf32, #tpu.memory_space<vmem>>, vector<2x256x128xf32>
    %slice3A = vector.extract_strided_slice %get3A_2 {offsets = [0, 0, 0], sizes = [1, 256, 128], strides = [1, 1, 1]} : vector<2x256x128xf32> to vector<1x256x128xf32>
    %squeeze3A = vector.shape_cast %slice3A : vector<1x256x128xf32> to vector<256x128xf32>
    %slice3A_3 = vector.extract_strided_slice %get3A_2 {offsets = [1, 0, 0], sizes = [1, 256, 128], strides = [1, 1, 1]} : vector<2x256x128xf32> to vector<1x256x128xf32>
    %squeeze3A_4 = vector.shape_cast %slice3A_3 : vector<1x256x128xf32> to vector<256x128xf32>
    %add3A = arith.addf %squeeze3A, %squeeze3A_4 : vector<256x128xf32>
    %transpose3A = tpu.transpose %add3A, [1, 0] : vector<256x128xf32> -> vector<128x256xf32>
    %reshape3A = vector.shape_cast %transpose3A : vector<128x256xf32> to vector<8x16x256xf32>
    %reduce_max3A = arith.constant dense<0xFF800000> : vector<8x256xf32>
    %reduce_max3A_5 = vector.multi_reduction <maximumf>, %reshape3A, %reduce_max3A [1] : vector<8x16x256xf32> to vector<8x256xf32>
    %broadcast_in_dim3A = vector.shape_cast %reduce_max3A_5 : vector<8x256xf32> to vector<8x1x256xf32>
    %sub3A = vector.broadcast %broadcast_in_dim3A : vector<8x1x256xf32> to vector<8x16x256xf32>
    %sub3A_6 = arith.subf %reshape3A, %sub3A : vector<8x16x256xf32>
    %exp3A = math.exp %sub3A_6 : vector<8x16x256xf32>
    %reduce_sum3A = arith.constant dense<0.000000e+00> : vector<8x256xf32>
    %reduce_sum3A_7 = vector.multi_reduction <add>, %exp3A, %reduce_sum3A [1] : vector<8x16x256xf32> to vector<8x256xf32>
    %squeeze3A_8 = vector.shape_cast %broadcast_in_dim3A : vector<8x1x256xf32> to vector<8x256xf32>
    %log3A = math.log %reduce_sum3A_7 : vector<8x256xf32>
    %add3A_9 = arith.addf %squeeze3A_8, %log3A : vector<8x256xf32>
    %swap3A = arith.constant 0 : index
    %swap3A_10 = arith.constant 0 : index
    %swap3A_11 = vector.load %arg2[%swap3A, %swap3A_10] : memref<8x256xf32, #tpu.memory_space<vmem>>, vector<8x256xf32>
    tpu.vector_store %arg2[%swap3A, %swap3A_10], %add3A_9 {strides = array<i32>} : memref<8x256xf32, #tpu.memory_space<vmem>>, vector<8x256xf32>,
    return
  }
  func.func @transform_0(%arg0: i32) -> (i32, i32, i32) {
    %c0_i32 = arith.constant 0 : i32
    %c0_i32_0 = arith.constant 0 : i32
    %c0_i32_1 = arith.constant 0 : i32
    return %c0_i32, %arg0, %c0_i32_0 : i32, i32, i32
  }
  func.func @transform_1(%arg0: i32) -> (i32, i32) {
    %c0_i32 = arith.constant 0 : i32
    %c0_i32_0 = arith.constant 0 : i32
    return %c0_i32, %arg0 : i32, i32
  }
}

</mosaic_0001>

<sc_bundles>
// kernel: kernel.5.cloned.1.call-start
scs
__scs_entry_jumppad:
0x0: {  	(pc) =	sbr.rel $0x88, $3  }
0x1: {  	(tag) =	ssettag $0x0;
	lr =	simm.s32 $0x1  }
0x2: {  	[smem:$0x3F9B] =	sst lr;
	_ =	strace $0xD0000000  }
0x3: {  	_ = 	snop  }
0x4: {  	_ = 	snop  }
0x5: {  	_ = 	snop  }
0x6: {  	_ = 	snop  }
0x7: {  	_ = 	snop  }
__scs_overlays_trampoline_lowered:
0x8: {  	[smem:$0x3FAA] =	sst s0  }
0x9: {  	[smem:$0x3FAB] =	sst s1  }
0xa: {  	[smem:$0x3FAC] =	sst s2  }
0xb: {  	[smem:$0x3FAD] =	sst s3  }
0xc: {  	[smem:$0x3FAE] =	sst s4  }
0xd: {  	[smem:$0x3FAF] =	sst s5  }
0xe: {  	[smem:$0x3FB0] =	sst s6  }
0xf: {  	[smem:$0x3FB1] =	sst s7  }
0x10: {  	[smem:$0x3FB2] =	sst s8  }
0x11: {  	[smem:$0x3FB3] =	sst s9;
	s0 =	simm.s32 @!p0 $0x0  }
0x12: {  	s1 =	sld [smem:$0x3F99];
	s0 =	simm.s32 @p0 $0x1  }
0x13: {  	[smem:$0x3FB4] =	sst s0;
	s0 =	simm.s32 @!p1 $0x0  }
0x14: {  	s2 =	sld [smem:$0x3F98];
	s0 =	simm.s32 @p1 $0x1  }
0x15: {  	[smem:$0x3FB5] =	sst s0;
	s0 =	simm.s32 @!p2 $0x0  }
0x16: {  	s3 =	sld [smem:$0x3FDB];
	s0 =	simm.s32 @p2 $0x1  }
0x17: {  	s4 =	simm.s32 $0x1BF5;
	[smem:$0x3FB7] =	sst s0  }
0x18: {  	s0 =	sld [smem:$0x3F9A];
	_ =	swait.ge [sflag:s4], $0x0  }
0x19: {  	s7 =	sld [smem:$0x3F9B]  }
0x1a: {  	s8 =	sadd.s32 $0xFFFFE003, lr  }
0x1b: {  	s9 =	sadd.s32 $0xFFFFFEF7, lr;
	s5 =	simm.s32 $0xFFFFFFFF;
	p2 =	slt.u32 s8, $0xFFFFF086  }
0x1c: {  	p1 =	slt.u32 s9, $0xF7A;
	s5 =	simm.s32 @!p2 $0x0  }
0x1d: {  	s5 =	simm.s32 @p1 $0x1;
	p0 =	seq.s32 s7, s2  }
0x1e: {  	s7 =	smul.u32 @!p0 $0xF7A, s2;
	p2 =	seq.s32 @!p0 s5, $0x0  }
0x1f: {  	s9 =	smul.u32 $0xF7A, s1;
	s8 =	simm.s32 @!p0 $0x1BF5;
	p2 =	por !p2, p0  }
0x20: {  	[sflag:s8] =	ssyncset.s32 @!p0 $0xFFFFF086;
	s6 =	sadd.s32 @!p0 s3, s7;
	s7 =	simm.s32 @!p0 $0x108  }
0x21: {  	s3 =	sadd.s32 s3, s9;
	s6 =	sadd.s32 @!p0 $0x88, s6;
	s7 =	simm.s32 @p2 $0x1082  }
0x22: {  	[simem:s7], [sflag:s8] =	dma.local @!p0 [hbm:s6], $0xF7A  }
0x23: {  	s9 =	sor.u32 $0xD0000000, s2;
	s6 =	simm.s32 $0x108;
	_ =	swait.ge @!p0 [sflag:s8], $0x0  }
0x24: {  	s3 =	sadd.s32 $0x88, s3;
	s6 =	simm.s32 @!p1 $0x1082;
	[sflag:s4] =	ssyncset.s32 $0xFFFFF086  }
0x25: {  	[simem:s6], [sflag:s4] =	dma.local [hbm:s3], $0xF7A  }
0x26: {  	[smem:$0x3F9B] =	sst s1;
	(tag) =	ssettag s2;
	_ =	strace s9  }
0x27: {  	s1 =	sld [smem:$0x3FAB]  }
0x28: {  	s2 =	sld [smem:$0x3FAC]  }
0x29: {  	s4 =	sld [smem:$0x3FAE]  }
0x2a: {  	p0 =	seq.s32 s5, $0x0;
	s5 =	sld [smem:$0x3FAF]  }
0x2b: {  	s6 =	sld [smem:$0x3FB0]  }
0x2c: {  	s7 =	sld [smem:$0x3FB1]  }
0x2d: {  	s3 =	simm.s32 $0x108;
	s8 =	sld [smem:$0x3FB2]  }
0x2e: {  	s3 =	simm.s32 @!p0 $0x1082;
	s9 =	sld [smem:$0x3FB3]  }
0x2f: {  	lr =	sadd.s32 s0, s3;
	s0 =	sld [smem:$0x3FAA]  }
0x30: {  	s3 =	sld [smem:$0x3FAD]  }
0x31: {  	[smem:$0x3FB6] =	sst s10  }
0x32: {  	s10 =	sld [smem:$0x3FB4];
	_ =	sdelay $0x3  }
0x33: {  	p0 =	seq.s32 s10, $0x1;
	s10 =	sld [smem:$0x3FB6];
	_ =	sdelay $0x3  }
0x34: {  	[smem:$0x3FB6] =	sst s10  }
0x35: {  	s10 =	sld [smem:$0x3FB5];
	_ =	sdelay $0x3  }
0x36: {  	p1 =	seq.s32 s10, $0x1;
	s10 =	sld [smem:$0x3FB6];
	_ =	sdelay $0x3  }
0x37: {  	[smem:$0x3FB6] =	sst s10  }
0x38: {  	s10 =	sld [smem:$0x3FB7]  }
0x39: {  	_ = 	snop;
	(pc) =	sbr.ind lr, $3  }
0x3a: {  	_ = 	snop  }
0x3b: {  	_ = 	snop  }
0x3c: {  	p2 =	seq.s32 s10, $0x1;
	s10 =	sld [smem:$0x3FB6]  }
0x3d: {  	_ =	shalt  }
0x3e: {  	_ =	shalt  }
0x3f: {  	_ =	shalt  }
0x40: {  	_ =	shalt  }
0x41: {  	_ =	shalt  }
0x42: {  	_ =	shalt  }
0x43: {  	_ =	shalt  }
0x44: {  	_ =	shalt  }
0x45: {  	_ =	shalt  }
0x46: {  	_ =	shalt  }
0x47: {  	_ =	shalt  }
0x48: {  	_ =	shalt  }
0x49: {  	_ =	shalt  }
0x4a: {  	_ =	shalt  }
0x4b: {  	_ =	shalt  }
0x4c: {  	_ =	shalt  }
0x4d: {  	_ =	shalt  }
0x4e: {  	_ =	shalt  }
0x4f: {  	_ =	shalt  }
0x50: {  	_ =	shalt  }
0x51: {  	_ =	shalt  }
0x52: {  	_ =	shalt  }
0x53: {  	_ =	shalt  }
0x54: {  	_ =	shalt  }
0x55: {  	_ =	shalt  }
0x56: {  	_ =	shalt  }
0x57: {  	_ =	shalt  }
0x58: {  	_ =	shalt  }
0x59: {  	_ =	shalt  }
0x5a: {  	_ =	shalt  }
0x5b: {  	_ =	shalt  }
0x5c: {  	_ =	shalt  }
0x5d: {  	_ =	shalt  }
0x5e: {  	_ =	shalt  }
0x5f: {  	_ =	shalt  }
0x60: {  	_ =	shalt  }
0x61: {  	_ =	shalt  }
0x62: {  	_ =	shalt  }
0x63: {  	_ =	shalt  }
0x64: {  	_ =	shalt  }
0x65: {  	_ =	shalt  }
0x66: {  	_ =	shalt  }
0x67: {  	_ =	shalt  }
0x68: {  	_ =	shalt  }
0x69: {  	_ =	shalt  }
0x6a: {  	_ =	shalt  }
0x6b: {  	_ =	shalt  }
0x6c: {  	_ =	shalt  }
0x6d: {  	_ =	shalt  }
0x6e: {  	_ =	shalt  }
0x6f: {  	_ =	shalt  }
0x70: {  	_ =	shalt  }
0x71: {  	_ =	shalt  }
0x72: {  	_ =	shalt  }
0x73: {  	_ =	shalt  }
0x74: {  	_ =	shalt  }
0x75: {  	_ =	shalt  }
0x76: {  	_ =	shalt  }
0x77: {  	_ =	shalt  }
0x78: {  	_ =	shalt  }
0x79: {  	_ =	shalt  }
0x7a: {  	_ =	shalt  }
0x7b: {  	_ =	shalt  }
0x7c: {  	_ =	shalt  }
0x7d: {  	_ =	shalt  }
0x7e: {  	_ =	shalt  }
0x7f: {  	_ =	shalt  }
0x80: {  	_ =	shalt  }
0x81: {  	_ =	shalt  }
0x82: {  	_ =	shalt  }
0x83: {  	_ =	shalt  }
0x84: {  	_ =	shalt  }
0x85: {  	_ =	shalt  }
0x86: {  	_ =	shalt  }
0x87: {  	_ =	shalt  }
.Lfunc_end0:
.L_simem_size_0:
called_computation_lowered:
.L_overlay_start_0:
0x88: {  	s2 =	sld [smem:$0x3FD9]  }
0x89: {  	s3 =	sld [smem:$0x3FFE];
	_ =	sdelay $0x1  }
0x8a: {  	s1 =	srdreg.scid  }
0x8b: {  	s0 =	sand.u32 $0x1, s1  }
0x8c: {  	s17 =	sshll.u32 s0, $0xA;
	s2 =	sadd.s32 s3, s2  }
0x8d: {  	s2 =	sadd.s32 s2, s17  }
0x8e: {  	[smem:$0x3FC2] =	sst s2  }
0x8f: {  	_ = 	snop  }
0x90: {  	s2 =	sld [smem:$0x3FC8];
	(tm) =	ssettm $0x1  }
0x91: {  	s18 =	sld [smem:$0x3FFB];
	_ =	sdelay $0x3  }
0x92: {  	_ =	strace s18  }
0x93: {  	s3 =	sld [smem:$0x3FFC];
	_ =	sdelay $0x3  }
0x94: {  	_ =	strace s3  }
0x95: {  	s3 =	sld [smem:$0x3FFD];
	_ =	sdelay $0x3  }
0x96: {  	_ =	strace s3  }
0x97: {  	_ =	strace $0x8FFFFFFF  }
0x98: {  	s19 =	sld [smem:$0x3FDB];
	_ =	sdelay $0x1  }
0x99: {  	s4 =	simm.s32 $_scs_section_size  }
0x9a: {  	s5 =	simm.s32 $_size__tile_overlayer_lowered;
	s6 =	simm.s32 $_tile_overlayer_lowered  }
0x9b: {  	s22 =	simm.s32 $0x1BFF;
	s21 =	sshll.u32 s6, $0x1;
	s3 =	sadd.s32 s4, s19  }
0x9c: {  	s7 =	simm.s32 $0x0;
	s20 =	sshll.u32 s5, $0x1;
	s5 =	sadd.s32 s21, s3  }
0x9d: {  	[timem:s7], [sflag:s22] =	dma.local [hbm:s5], s20  }
0x9e: {  	_ =	swait.ge [sflag:s22], s20  }
0x9f: {  	s4 =	ssub.s32 $0x0, s20;
	[sflag:s22] =	ssyncset.done $0x0  }
0xa0: {  	[sflag:s22] =	ssyncadd.s32 s4;
	_ =	sdelay $0x1  }
0xa1: {  	s23 =	simm.s32 $0x1B8B  }
0xa2: {  	_ =	swait.ge [sflag:s23], $0x1  }
0xa3: {  	[sflag:s23] =	ssyncset.done $0x0  }
0xa4: {  	s25 =	simm.s32 $0x1B8E;
	s24 =	sld [smem:$0x3FFE];
	[sflag:s23] =	ssyncadd.s32 $0xFFFFFFFF  }
0xa5: {  	s26 =	simm.s32 $execute0_lowered;
	[smem:$0x3FD2] =	sst s25  }
0xa6: {  	s5 =	sshll.u32 s26, $0x1;
	_ =	strace $0x80000046;
	[dreg:$0x1] =	wrdreg $0xFFFFFFFF  }
0xa7: {  	s28 =	simm.s32 $_size_execute0_lowered;
	s3 =	sadd.s32 s3, s5;
	[dreg:$0x0] =	wrdreg $0x0  }
0xa8: {  	s5 =	sshll.u32 s28, $0x1;
	[dreg:$0x2] =	wrdreg s3  }
0xa9: {  	[dreg:$0x3] =	wrdreg s5  }
0xaa: {  	[dreg:$0x4] =	wrdreg $0xC0  }
0xab: {  	_ =	task [dreg:s7], $0x5FFFF  }
0xac: {  	[dreg:$0x1] =	wrdreg $0xFFFFFFFF  }
0xad: {  	[dreg:$0x0] =	wrdreg $0x60  }
0xae: {  	[dreg:$0x2] =	wrdreg s24  }
0xaf: {  	[dreg:$0x3] =	wrdreg s2  }
0xb0: {  	[dreg:$0x4] =	wrdreg $0xC8000  }
0xb1: {  	[dreg:$0x5] =	wrdreg $0xA0000  }
0xb2: {  	[dreg:$0x6] =	wrdreg $0x9  }
0xb3: {  	_ =	task.clear_ibuf [dreg:s7], $0x7FFFF;
	_ =	strace $0x90000046  }
0xb4: {  	s29 =	simm.s32 $0x9;
	_ =	strace $0x80000048  }
0xb5: {  	_ =	swait.ge [sflag:s29], $0x1  }
0xb6: {  	[sflag:s29] =	ssyncadd.s32 $0xFFFFFFFF  }
0xb7: {  	_ =	strace $0x90000048  }
0xb8: {  	_ =	sfence  }
0xb9: {  	s30 =	sld [smem:$0x0];
	_ =	sdelay $0x2  }
0xba: {  	s31 =	sshll.u32 s1, $0xD;
	s1 =	sshrl.u32 s1, $0x2  }
0xbb: {  	s3 =	sand.u32 $0x4000, s31;
	s1 =	sadd.s32 s1, s30  }
0xbc: {  	s0 =	sor.u32 s3, s0;
	s1 =	sshll.u32 s1, $0x11  }
0xbd: {  	s0 =	sor.u32 s1, s0  }
0xbe: {  	s0 =	sadd.s32 $0x8F2B, s0  }
0xbf: {  	[sflag:s0] =	ssyncadd.remote.s32 $0x1  }
0xc0: {  	_ =	sfence.sel $0xFFFF  }
0xc1: {  	[dreg:$0x0] =	wrdreg $0xFFFFFFFF;
	(pc) =	sbr.abs _section_cstart, $3  }
0xc2: {  	[dreg:$0x1] =	wrdreg $0xFFFFFFFF  }
0xc3: {  	_ =	task.clear_ibuf [dreg:s7], $0x2FFFF;
	_ =	strace $0x9FFFFFFF  }
0xc4: {  	(tm) =	ssettm $0x7FFFFFFF  }
0xc5: {  	_ =	shalt  }
tec
execute0_lowered:
.L_overlay_start_1:
0x0: {  	(tag) =	ssettag $0x1  }
0x1: {  	s0 =	rddreg [dreg:$0x0]  }
0x2: {  	s1 =	rddreg [dreg:$0x1]  }
0x3: {  	s2 =	rddreg [dreg:$0x2]  }
0x4: {  	s3 =	rddreg [dreg:$0x3];
	s15 =	stileid.u32  }
0x5: {  	s5 =	srdreg.scid;
	s4 =	simm.s32 $0x0;
	s23 =	simm.s32 $0x8000  }
0x6: {  	s28 =	simm.s32 $0x6800;
	s30 =	simm.s32 $0x7000;
	s29 =	simm.s32 $0x4  }
0x7: {  	s31 =	simm.s32 $0x5;
	s6 =	smul.u32 $0x2800, s15;
	s5 =	sand.u32 $0x1, s5  }
0x8: {  	[smem:$0x7FF] =	sst s4;
	s8 =	sadd.s32 $0x10200, s0;
	s13 =	smul.u32 $0xC00, s15  }
0x9: {  	s16 =	sshll.u32 s15, $0xB;
	s18 =	sadd.s32 $0x13800, s1;
	s7 =	smul.u32 $0x28000, s5  }
0xa: {  	_ =	strace $0x80000047;
	[dreg:$0xa] =	wrdreg s8;
	s9 =	ssub.s32 $0x2, s5  }
0xb: {  	s8 =	sshll.u32 s15, $0x6;
	p1 =	seq.s32 s5, $0x0;
	[dreg:$0x12] =	wrdreg s18  }
0xc: {  	p0 =	seq.s32 s5, $0x1;
	[dreg:$0x6] =	wrdreg s23;
	s23 =	simm.s32 $0x80  }
0xd: {  	s18 =	simm.s32 $0x10;
	s24 =	sshrl.u32 s6, $0x3;
	s25 =	sshrl.u32 s9, $0x1  }
0xe: {  	s12 =	sadd.s32 s6, s2;
	s13 =	sadd.s32 s1, s13;
	p3 =	seq.s32 @p0 s15, $0xF  }
0xf: {  	s15 =	simm.s32 $0xC;
	s7 =	sadd.s32 s6, s7;
	s10 =	sadd.s32 s24, s0  }
0x10: {  	s9 =	ssub.s32 s9, s25;
	[dreg:$0xd] =	wrdreg s13;
	s13 =	sadd.s32 $0x10, s13  }
0x11: {  	s22 =	sshrl.u32 s12, $0x3;
	p2 =	por !p3, !p0;
	p3 =	por p3, !p0  }
0x12: {  	s24 =	simm.s32 $0x8800;
	s25 =	simm.s32 $0x9000;
	[dreg:$0xe] =	wrdreg s13  }
0x13: {  	s7 =	sshrl.u32 s7, $0x3;
	s26 =	sadd.s32 $0x6200, s10;
	[dreg:$0x17] =	wrdreg s22  }
0x14: {  	s14 =	sadd.s32 $0x1200, s10;
	s10 =	sadd.s32 $0xB200, s10;
	[dreg:$0x7] =	wrdreg s24  }
0x15: {  	s21 =	smax.u32 s9, $0x1;
	s22 =	simm.s32 $0x11;
	[dreg:$0x8] =	wrdreg s25  }
0x16: {  	s25 =	simm.s32 $0x6000;
	s24 =	simm.s32 $0x2;
	s9 =	simm.s32 $0x8  }
0x17: {  	s11 =	sadd.s32 s7, s0;
	[dreg:$0xb] =	wrdreg s26;
	s7 =	sor.u32 $0x1C11, s8  }
0x18: {  	s8 =	sadd.s32 s6, s3;
	[dreg:$0xc] =	wrdreg s14;
	s6 =	sadd.s32 s1, s16  }
0x19: {  	[dreg:$0xf] =	wrdreg s10;
	s14 =	simm.s32 $0x60;
	s1 =	sadd.s32 $0x13810, s1  }
0x1a: {  	s0 =	sadd.s32 $0x10210, s0;
	[dreg:$0x16] =	wrdreg s21;
	s26 =	simm.s32 $0x9800  }
0x1b: {  	s16 =	simm.s32 $0xD;
	s10 =	simm.s32 $0xE;
	[dreg:$0x13] =	wrdreg s1  }
0x1c: {  	s17 =	sadd.s32 $0xC000, s6;
	s6 =	sadd.s32 $0xC010, s6;
	[dreg:$0x14] =	wrdreg s0  }
0x1d: {  	s14 =	simm.s32 @!p1 $0x40;
	s20 =	sadd.s32 $0x10A00, s11;
	[dreg:$0x9] =	wrdreg s26  }
0x1e: {  	p1 =	sne.s32 s5, $0x0;
	s0 =	simm.s32 $0x7800;
	[dreg:$0x10] =	wrdreg s17  }
0x1f: {  	s1 =	simm.s32 $0x1;
	s26 =	simm.s32 $0x3;
	[dreg:$0x11] =	wrdreg s6  }
0x20: {  	s5 =	simm.s32 $0x6;
	s19 =	sshll.u32 s14, $0x9;
	[dreg:$0x15] =	wrdreg s20  }
0x21: {  	s6 =	simm.s32 $0x7;
	s17 =	simm.s32 $0xF;
	[dreg:$0x5] =	wrdreg s19  }
.LBB2_1:
0x22: {  	s11 =	rddreg [dreg:$0xb]  }
0x23: {  	s12 =	rddreg [dreg:$0x17]  }
0x24: {  	[spmem:s12], [sflag:s7] =	dma.local [hbm:s11], $0x500  }
0x25: {  	_ =	swait.ge [sflag:s22], $0x500  }
0x26: {  	[sflag:s22] =	ssyncset.done $0x0  }
0x27: {  	s19 =	sshrl.u32 @!p1 s8, $0x3;
	s11 =	rddreg [dreg:$0xc];
	[sflag:s22] =	ssyncadd.s32 $0xFFFFFB00  }
0x28: {  	[spmem:s19], [sflag:s7] =	dma.local @!p1 [hbm:s11], $0x500  }
0x29: {  	s19 =	simm.s32 @!p1 $0x11  }
0x2a: {  	_ =	swait.ge @!p1 [sflag:s19], $0x500  }
0x2b: {  	s20 =	simm.s32 @!p1 $0x80;
	s21 =	simm.s32 @!p1 $0x100;
	[sflag:s19] =	ssyncset.done @!p1 $0x0  }
0x2c: {  	s11 =	simm.s32 @!p1 $0x0;
	s12 =	rddreg [dreg:$0xd];
	[sflag:s19] =	ssyncadd.s32 @!p1 $0xFFFFFB00  }
0x2d: {  	[tilespmem:s11], [sflag:$0x11] =	stream.strided.gather @!p1 [hbm4b:s12+s20], $0x3000, s21, s20, $0x38;
	[tilespmem:$0xF000] =	vst v63  }
0x2e: {  	_ =	swait.ge @!p1 [sflag:s19], $0x3000  }
0x2f: {  	[sflag:s19] =	ssyncset.done @!p1 $0x0  }
0x30: {  	s11 =	simm.s32 @!p1 $0x3000;
	s12 =	rddreg [dreg:$0xe];
	[sflag:s19] =	ssyncadd.s32 @!p1 $0xFFFFD000  }
0x31: {  	[tilespmem:s11], [sflag:$0x11] =	stream.strided.gather @!p1 [hbm4b:s12+s20], $0x3000, s21, s20, $0x38;
	[tilespmem:$0xF000] =	vst v63  }
0x32: {  	_ =	swait.ge @!p1 [sflag:s19], $0x3000  }
0x33: {  	[sflag:s19] =	ssyncset.done @!p1 $0x0  }
0x34: {  	s11 =	sshrl.u32 @p0 s8, $0x3;
	s12 =	rddreg [dreg:$0xf];
	[sflag:s19] =	ssyncadd.s32 @!p1 $0xFFFFD000  }
0x35: {  	[spmem:s11], [sflag:s7] =	dma.local @p0 [hbm:s12], $0x500  }
0x36: {  	s11 =	simm.s32 @p0 $0x11  }
0x37: {  	_ =	swait.ge @p0 [sflag:s11], $0x500  }
0x38: {  	s20 =	simm.s32 @!p2 $0x0;
	s19 =	simm.s32 @!p2 $0x100;
	[sflag:s11] =	ssyncset.done @p0 $0x0  }
0x39: {  	s12 =	rddreg [dreg:$0x12];
	[sflag:s11] =	ssyncadd.s32 @p0 $0xFFFFFB00;
	s11 =	simm.s32 @!p2 $0x80  }
0x3a: {  	[tilespmem:s20], [sflag:$0x11] =	stream.strided.gather @!p2 [hbm4b:s12+s11], $0x200, s19, s11, $0x38;
	[tilespmem:$0xF000] =	vst v63  }
0x3b: {  	s20 =	simm.s32 @!p2 $0x11  }
0x3c: {  	_ =	swait.ge @!p2 [sflag:s20], $0x200  }
0x3d: {  	[sflag:s20] =	ssyncset.done @!p2 $0x0  }
0x3e: {  	s21 =	simm.s32 @!p2 $0x3000;
	s12 =	rddreg [dreg:$0x13];
	[sflag:s20] =	ssyncadd.s32 @!p2 $0xFFFFFE00  }
0x3f: {  	[tilespmem:s21], [sflag:$0x11] =	stream.strided.gather @!p2 [hbm4b:s12+s11], $0x200, s19, s11, $0x38;
	[tilespmem:$0xF000] =	vst v63  }
0x40: {  	_ =	swait.ge @!p2 [sflag:s20], $0x200  }
0x41: {  	[sflag:s20] =	ssyncset.done @!p2 $0x0  }
0x42: {  	s21 =	simm.s32 @!p2 $0x200;
	s12 =	rddreg [dreg:$0xa];
	[sflag:s20] =	ssyncadd.s32 @!p2 $0xFFFFFE00  }
0x43: {  	[tilespmem:s21], [sflag:$0x11] =	stream.strided.gather @!p2 [hbm4b:s12+s11], $0x1E00, s19, s11, $0x38;
	[tilespmem:$0xF000] =	vst v63  }
0x44: {  	_ =	swait.ge @!p2 [sflag:s20], $0x1E00  }
0x45: {  	[sflag:s20] =	ssyncset.done @!p2 $0x0  }
0x46: {  	s21 =	simm.s32 @!p2 $0x3200;
	s12 =	rddreg [dreg:$0x14];
	[sflag:s20] =	ssyncadd.s32 @!p2 $0xFFFFE200  }
0x47: {  	[tilespmem:s21], [sflag:$0x11] =	stream.strided.gather @!p2 [hbm4b:s12+s11], $0x1E00, s19, s11, $0x38;
	[tilespmem:$0xF000] =	vst v63  }
0x48: {  	_ =	swait.ge @!p2 [sflag:s20], $0x1E00  }
0x49: {  	s11 =	simm.s32 @!p3 $0x80;
	s19 =	simm.s32 @!p3 $0x100;
	[sflag:s20] =	ssyncset.done @!p2 $0x0  }
0x4a: {  	s12 =	rddreg [dreg:$0x10];
	[sflag:s20] =	ssyncadd.s32 @!p2 $0xFFFFE200;
	s20 =	simm.s32 @!p3 $0x0  }
0x4b: {  	[tilespmem:s20], [sflag:$0x11] =	stream.strided.gather @!p3 [hbm4b:s12+s11], $0x2000, s19, s11, $0x38;
	[tilespmem:$0xF000] =	vst v63  }
0x4c: {  	s20 =	simm.s32 @!p3 $0x11  }
0x4d: {  	_ =	swait.ge @!p3 [sflag:s20], $0x2000  }
0x4e: {  	[sflag:s20] =	ssyncset.done @!p3 $0x0  }
0x4f: {  	s21 =	simm.s32 @!p3 $0x3000;
	s12 =	rddreg [dreg:$0x11];
	[sflag:s20] =	ssyncadd.s32 @!p3 $0xFFFFE000  }
0x50: {  	[tilespmem:s21], [sflag:$0x11] =	stream.strided.gather @!p3 [hbm4b:s12+s11], $0x2000, s19, s11, $0x38;
	[tilespmem:$0xF000] =	vst v63  }
0x51: {  	_ =	swait.ge @!p3 [sflag:s20], $0x2000  }
0x52: {  	[sflag:s20] =	ssyncset.done @!p3 $0x0  }
0x53: {  	[sflag:s20] =	ssyncadd.s32 @!p3 $0xFFFFE000  }
0x54: {  	s13 =	simm.s32 $0x3000;
	[bflag:$0x0] =	sbarrier.arrive $0xFFFF  }
0x55: {  	[tilespmem:s25], [sflag:$0x1] =	stream.indirect.gather [spmem:s2], $0x10, s13, s23, $0xb8;
	[tilespmem:$0xF000] =	vst v63  }
0x56: {  	s19 =	simm.s32 $0x3080  }
0x57: {  	[tilespmem:s28], [sflag:$0x2] =	stream.indirect.gather [spmem:s2], $0x10, s19, s23, $0xb8;
	[tilespmem:$0xF000] =	vst v63  }
0x58: {  	s20 =	simm.s32 $0x3100  }
0x59: {  	[tilespmem:s30], [sflag:$0x3] =	stream.indirect.gather [spmem:s2], $0x10, s20, s23, $0xb8;
	[tilespmem:$0xF000] =	vst v63  }
0x5a: {  	s21 =	simm.s32 $0x3180;
	s19 =	simm.s32 $0xB;
	s20 =	simm.s32 $0x0  }
0x5b: {  	[tilespmem:s0], [sflag:$0x4] =	stream.indirect.gather [spmem:s2], $0x10, s21, s23, $0xb8;
	[tilespmem:$0xF000] =	vst v63  }
.LBB2_2:
0x5c: {  	_ =	swait.ge [sflag:s1], $0x800;
	s11 =	sadd.s32 $0xFFFFFFF9, s19  }
0x5d: {  	[sflag:s1] =	ssyncset.done $0x0;
	p4 =	sge.u32 s11, s14  }
0x5e: {  	s21 =	sshra.s32 s20, $0x2;
	[sflag:s1] =	ssyncadd.s32 $0xFFFFF800;
	p5 =	seq.s32 @!p4 s20, $0x0  }
0x5f: {  	[spmem:s3] =	stream.indirect.scatter.add.f32 [tilespmem:s25], [sflag:$0x9], $0x10, s21, s23, $0xb8;
	[tilespmem:$0xF000] =	vst v63  }
0x60: {  	p5 =	por p5, p4  }
0x61: {  	s11 =	simm.s32 @!p5 $0xD  }
0x62: {  	_ =	swait.ge @!p5 [sflag:s11], $0x800  }
0x63: {  	[sflag:s11] =	ssyncset.done @!p5 $0x0  }
0x64: {  	[sflag:s11] =	ssyncadd.s32 @!p5 $0xFFFFF800;
	s11 =	sshra.s32 @!p4 s20, $0x2  }
0x65: {  	s12 =	simm.s32 @!p4 $0x80;
	s13 =	simm.s32 @!p4 $0x8000;
	s11 =	sadd.s32 @!p4 $0x3200, s11  }
0x66: {  	[tilespmem:s13], [sflag:$0x5] =	stream.indirect.gather @!p4 [spmem:s2], $0x10, s11, s12, $0xb8;
	[tilespmem:$0xF000] =	vst v63  }
0x67: {  	s13 =	sadd.s32 $0xFFFFFFFA, s19  }
0x68: {  	_ =	swait.ge [sflag:s24], $0x800;
	p4 =	sge.u32 s13, s14  }
0x69: {  	[sflag:s24] =	ssyncset.done $0x0;
	p5 =	seq.s32 @!p4 s20, $0x0  }
0x6a: {  	s12 =	sadd.s32 $0x80, s21;
	[sflag:s24] =	ssyncadd.s32 $0xFFFFF800;
	p5 =	por p5, p4  }
0x6b: {  	[spmem:s3] =	stream.indirect.scatter.add.f32 [tilespmem:s28], [sflag:$0xA], $0x10, s12, s23, $0xb8;
	[tilespmem:$0xF000] =	vst v63  }
0x6c: {  	s11 =	simm.s32 @!p5 $0xE  }
0x6d: {  	_ =	swait.ge @!p5 [sflag:s11], $0x800  }
0x6e: {  	[sflag:s11] =	ssyncset.done @!p5 $0x0  }
0x6f: {  	[sflag:s11] =	ssyncadd.s32 @!p5 $0xFFFFF800;
	s11 =	sshra.s32 @!p4 s20, $0x2  }
0x70: {  	s13 =	simm.s32 @!p4 $0x8800;
	s12 =	simm.s32 @!p4 $0x80;
	s11 =	sadd.s32 @!p4 $0x3280, s11  }
0x71: {  	[tilespmem:s13], [sflag:$0x6] =	stream.indirect.gather @!p4 [spmem:s2], $0x10, s11, s12, $0xb8;
	[tilespmem:$0xF000] =	vst v63  }
0x72: {  	s13 =	sadd.s32 $0xFFFFFFFB, s19  }
0x73: {  	_ =	swait.ge [sflag:s26], $0x800;
	p4 =	sge.u32 s13, s14  }
0x74: {  	[sflag:s26] =	ssyncset.done $0x0;
	p5 =	seq.s32 @!p4 s20, $0x0  }
0x75: {  	s12 =	sadd.s32 $0x100, s21;
	[sflag:s26] =	ssyncadd.s32 $0xFFFFF800;
	p5 =	por p5, p4  }
0x76: {  	[spmem:s3] =	stream.indirect.scatter.add.f32 [tilespmem:s30], [sflag:$0xB], $0x10, s12, s23, $0xb8;
	[tilespmem:$0xF000] =	vst v63  }
0x77: {  	s11 =	simm.s32 @!p5 $0xF  }
0x78: {  	_ =	swait.ge @!p5 [sflag:s11], $0x800  }
0x79: {  	[sflag:s11] =	ssyncset.done @!p5 $0x0  }
0x7a: {  	[sflag:s11] =	ssyncadd.s32 @!p5 $0xFFFFF800;
	s11 =	sshra.s32 @!p4 s20, $0x2  }
0x7b: {  	s13 =	simm.s32 @!p4 $0x9000;
	s12 =	simm.s32 @!p4 $0x80;
	s11 =	sadd.s32 @!p4 $0x3300, s11  }
0x7c: {  	[tilespmem:s13], [sflag:$0x7] =	stream.indirect.gather @!p4 [spmem:s2], $0x10, s11, s12, $0xb8;
	[tilespmem:$0xF000] =	vst v63  }
0x7d: {  	s13 =	sadd.s32 $0xFFFFFFFC, s19  }
0x7e: {  	_ =	swait.ge [sflag:s29], $0x800;
	p4 =	sge.u32 s13, s14  }
0x7f: {  	[sflag:s29] =	ssyncset.done $0x0;
	p5 =	seq.s32 @!p4 s20, $0x0  }
0x80: {  	s12 =	sadd.s32 $0x180, s21;
	[sflag:s29] =	ssyncadd.s32 $0xFFFFF800;
	p5 =	por p5, p4  }
0x81: {  	[spmem:s3] =	stream.indirect.scatter.add.f32 [tilespmem:s0], [sflag:$0xC], $0x10, s12, s23, $0xb8;
	[tilespmem:$0xF000] =	vst v63  }
0x82: {  	s11 =	simm.s32 @!p5 $0x10  }
0x83: {  	_ =	swait.ge @!p5 [sflag:s11], $0x800  }
0x84: {  	[sflag:s11] =	ssyncset.done @!p5 $0x0  }
0x85: {  	[sflag:s11] =	ssyncadd.s32 @!p5 $0xFFFFF800;
	s11 =	sshra.s32 @!p4 s20, $0x2  }
0x86: {  	s13 =	simm.s32 @!p4 $0x9800;
	s12 =	simm.s32 @!p4 $0x80;
	s11 =	sadd.s32 @!p4 $0x3380, s11  }
0x87: {  	[tilespmem:s13], [sflag:$0x8] =	stream.indirect.gather @!p4 [spmem:s2], $0x10, s11, s12, $0xb8;
	[tilespmem:$0xF000] =	vst v63  }
0x88: {  	_ =	swait.ge [sflag:s31], $0x800  }
0x89: {  	[sflag:s31] =	ssyncset.done $0x0  }
0x8a: {  	s13 =	sadd.s32 $0x200, s21;
	s12 =	rddreg [dreg:$0x6];
	[sflag:s31] =	ssyncadd.s32 $0xFFFFF800  }
0x8b: {  	[spmem:s3] =	stream.indirect.scatter.add.f32 [tilespmem:s12], [sflag:$0xD], $0x10, s13, s23, $0xb8;
	[tilespmem:$0xF000] =	vst v63  }
0x8c: {  	s13 =	sadd.s32 $0xFFFFFFFD, s19  }
0x8d: {  	p4 =	sge.u32 s13, s14  }
0x8e: {  	s11 =	simm.s32 @!p4 $0x9  }
0x8f: {  	_ =	swait.ge @!p4 [sflag:s11], $0x800  }
0x90: {  	[sflag:s11] =	ssyncset.done @!p4 $0x0  }
0x91: {  	[sflag:s11] =	ssyncadd.s32 @!p4 $0xFFFFF800;
	s11 =	sshra.s32 @!p4 s20, $0x2  }
0x92: {  	s12 =	simm.s32 @!p4 $0x80;
	s13 =	simm.s32 @!p4 $0x6000;
	s11 =	sadd.s32 @!p4 $0x3400, s11  }
0x93: {  	[tilespmem:s13], [sflag:$0x1] =	stream.indirect.gather @!p4 [spmem:s2], $0x10, s11, s12, $0xb8;
	[tilespmem:$0xF000] =	vst v63  }
0x94: {  	_ =	swait.ge [sflag:s5], $0x800  }
0x95: {  	[sflag:s5] =	ssyncset.done $0x0  }
0x96: {  	s13 =	sadd.s32 $0x280, s21;
	s12 =	rddreg [dreg:$0x7];
	[sflag:s5] =	ssyncadd.s32 $0xFFFFF800  }
0x97: {  	[spmem:s3] =	stream.indirect.scatter.add.f32 [tilespmem:s12], [sflag:$0xE], $0x10, s13, s23, $0xb8;
	[tilespmem:$0xF000] =	vst v63  }
0x98: {  	s13 =	sadd.s32 $0xFFFFFFFE, s19  }
0x99: {  	p4 =	sge.u32 s13, s14  }
0x9a: {  	s11 =	simm.s32 @!p4 $0xA  }
0x9b: {  	_ =	swait.ge @!p4 [sflag:s11], $0x800  }
0x9c: {  	[sflag:s11] =	ssyncset.done @!p4 $0x0  }
0x9d: {  	[sflag:s11] =	ssyncadd.s32 @!p4 $0xFFFFF800;
	s11 =	sshra.s32 @!p4 s20, $0x2  }
0x9e: {  	s12 =	simm.s32 @!p4 $0x80;
	s13 =	simm.s32 @!p4 $0x6800;
	s11 =	sadd.s32 @!p4 $0x3480, s11  }
0x9f: {  	[tilespmem:s13], [sflag:$0x2] =	stream.indirect.gather @!p4 [spmem:s2], $0x10, s11, s12, $0xb8;
	[tilespmem:$0xF000] =	vst v63  }
0xa0: {  	_ =	swait.ge [sflag:s6], $0x800  }
0xa1: {  	[sflag:s6] =	ssyncset.done $0x0  }
0xa2: {  	s13 =	sadd.s32 $0x300, s21;
	s12 =	rddreg [dreg:$0x8];
	[sflag:s6] =	ssyncadd.s32 $0xFFFFF800  }
0xa3: {  	[spmem:s3] =	stream.indirect.scatter.add.f32 [tilespmem:s12], [sflag:$0xF], $0x10, s13, s23, $0xb8;
	[tilespmem:$0xF000] =	vst v63  }
0xa4: {  	s12 =	sadd.s32 $0xFFFFFFFF, s19  }
0xa5: {  	p4 =	sge.u32 s12, s14  }
0xa6: {  	s11 =	simm.s32 @!p4 $0xB  }
0xa7: {  	_ =	swait.ge @!p4 [sflag:s11], $0x800  }
0xa8: {  	[sflag:s11] =	ssyncset.done @!p4 $0x0  }
0xa9: {  	[sflag:s11] =	ssyncadd.s32 @!p4 $0xFFFFF800;
	s11 =	sshra.s32 @!p4 s20, $0x2  }
0xaa: {  	s12 =	simm.s32 @!p4 $0x80;
	s13 =	simm.s32 @!p4 $0x7000;
	s11 =	sadd.s32 @!p4 $0x3500, s11  }
0xab: {  	[tilespmem:s13], [sflag:$0x3] =	stream.indirect.gather @!p4 [spmem:s2], $0x10, s11, s12, $0xb8;
	[tilespmem:$0xF000] =	vst v63  }
0xac: {  	_ =	swait.ge [sflag:s9], $0x800  }
0xad: {  	s21 =	sadd.s32 $0x380, s21;
	p4 =	sge.u32 s19, s14;
	[sflag:s9] =	ssyncset.done $0x0  }
0xae: {  	s11 =	simm.s32 @!p4 $0xC;
	s13 =	rddreg [dreg:$0x9];
	[sflag:s9] =	ssyncadd.s32 $0xFFFFF800  }
0xaf: {  	[spmem:s3] =	stream.indirect.scatter.add.f32 [tilespmem:s13], [sflag:$0x10], $0x10, s21, s23, $0xb8;
	[tilespmem:$0xF000] =	vst v63  }
0xb0: {  	s12 =	sshra.s32 @!p4 s20, $0x2;
	s20 =	sadd.s32 $0x1000, s20;
	_ =	swait.ge @!p4 [sflag:s11], $0x800  }
0xb1: {  	s13 =	simm.s32 @!p4 $0x7800;
	[sflag:s11] =	ssyncset.done @!p4 $0x0;
	s21 =	rddreg [dreg:$0x5]  }
0xb2: {  	[sflag:s11] =	ssyncadd.s32 @!p4 $0xFFFFF800;
	s11 =	sadd.s32 @!p4 $0x3580, s12;
	s12 =	simm.s32 @!p4 $0x80  }
0xb3: {  	[tilespmem:s13], [sflag:$0x4] =	stream.indirect.gather @!p4 [spmem:s2], $0x10, s11, s12, $0xb8;
	[tilespmem:$0xF000] =	vst v63  }
0xb4: {  	p4 =	sne.s32 s21, s20  }
.Ltmp0:
0xb5: {  	_ = 	snop;
	(pc) =	sbr.rel @p4 .LBB2_2-.Ltmp0, $2  }
0xb6: {  	_ =	sdelay $0x2  }
0xb7: {  	s19 =	sadd.s32 $0x8, s19  }
0xb8: {  	s11 =	simm.s32 $0x9  }
0xb9: {  	_ =	swait.ge [sflag:s11], $0x800  }
0xba: {  	[sflag:s11] =	ssyncset.done $0x0  }
0xbb: {  	s13 =	simm.s32 $0xA;
	[sflag:s11] =	ssyncadd.s32 $0xFFFFF800  }
0xbc: {  	_ =	swait.ge [sflag:s13], $0x800  }
0xbd: {  	[sflag:s13] =	ssyncset.done $0x0  }
0xbe: {  	s19 =	simm.s32 $0xB;
	[sflag:s13] =	ssyncadd.s32 $0xFFFFF800  }
0xbf: {  	_ =	swait.ge [sflag:s19], $0x800  }
0xc0: {  	[sflag:s19] =	ssyncset.done $0x0  }
0xc1: {  	[sflag:s19] =	ssyncadd.s32 $0xFFFFF800  }
0xc2: {  	_ =	swait.ge [sflag:s15], $0x800  }
0xc3: {  	[sflag:s15] =	ssyncset.done $0x0  }
0xc4: {  	[sflag:s15] =	ssyncadd.s32 $0xFFFFF800  }
0xc5: {  	_ =	swait.ge [sflag:s16], $0x800  }
0xc6: {  	[sflag:s16] =	ssyncset.done $0x0  }
0xc7: {  	[sflag:s16] =	ssyncadd.s32 $0xFFFFF800  }
0xc8: {  	_ =	swait.ge [sflag:s10], $0x800  }
0xc9: {  	[sflag:s10] =	ssyncset.done $0x0  }
0xca: {  	[sflag:s10] =	ssyncadd.s32 $0xFFFFF800  }
0xcb: {  	_ =	swait.ge [sflag:s17], $0x800  }
0xcc: {  	[sflag:s17] =	ssyncset.done $0x0  }
0xcd: {  	[sflag:s17] =	ssyncadd.s32 $0xFFFFF800  }
0xce: {  	_ =	swait.ge [sflag:s18], $0x800  }
0xcf: {  	[sflag:s18] =	ssyncset.done $0x0  }
0xd0: {  	[sflag:s18] =	ssyncadd.s32 $0xFFFFF800  }
0xd1: {  	[bflag:$0x0] =	sbarrier.arrive $0xFFFF  }
0xd2: {  	s20 =	sshrl.u32 s8, $0x3;
	s12 =	rddreg [dreg:$0x15]  }
0xd3: {  	[hbm:s12], [sflag:s7] =	dma.local [spmem:s20], $0x500  }
0xd4: {  	_ =	swait.ge [sflag:s22], $0x500  }
0xd5: {  	s4 =	sadd.s32 $0x1, s4;
	s21 =	rddreg [dreg:$0x16]  }
0xd6: {  	p4 =	sne.s32 s4, s21  }
.Ltmp1:
0xd7: {  	_ = 	snop;
	(pc) =	sbr.rel @p4 .LBB2_1-.Ltmp1, $3  }
0xd8: {  	_ =	sdelay $0x1  }
0xd9: {  	[sflag:s22] =	ssyncset.done $0x0  }
0xda: {  	[sflag:s22] =	ssyncadd.s32 $0xFFFFFB00  }
0xdb: {  	_ =	sfence.sel $0x180000  }
0xdc: {  	[bflag:$0x0] =	sbarrier.arrive $0xFFFF  }
0xdd: {  	_ =	strace $0x90000047  }
0xde: {  	s0 =	stileid.u32;
	[bflag:$0x2] =	sbarrier.arrive $0xFFFF  }
0xdf: {  	p0 =	sne.s32 s0, $0x0;
	s0 =	rddreg [dreg:$0x4]  }
0xe0: {  	s0 =	sadd.s32 @!p0 $0x100000, s0  }
0xe1: {  	[sflag:s0] =	ssyncadd.tile.s32 @!p0 $0x1;
	_ =	shalt  }
.Lfunc_end2:
_tile_overlayer_lowered:
.L_overlay_start_2:
0xe2: {  	(tag) =	ssettag $0x2  }
0xe3: {  	s0 =	rddreg [dreg:$0x0];
	s2 =	stileid.u32  }
0xe4: {  	s1 =	rddreg [dreg:$0x1];
	p0 =	sne.s32 s2, $0x0  }
0xe5: {  	s3 =	rddreg [dreg:$0x2];
	[bflag:$0x3] =	sbarrier.arrive $0xFFFF;
	s2 =	simm.s32 @!p0 $0x1C11  }
0xe6: {  	[timem:s3], [sflag:s2] =	dma.local @!p0 [hbm:s0], s1  }
0xe7: {  	s0 =	simm.s32 @!p0 $0x11  }
0xe8: {  	_ =	swait.ge @!p0 [sflag:s0], s1  }
0xe9: {  	s1 =	ssub.s32 @!p0 $0x0, s1;
	[sflag:s0] =	ssyncset.done @!p0 $0x0  }
0xea: {  	[sflag:s0] =	ssyncadd.s32 @!p0 s1  }
0xeb: {  	[bflag:$0x3] =	sbarrier.arrive $0xFFFF  }
0xec: {  	_ =	shalt  }

</sc_bundles>
